<compile_context>
chip_gen: v7x
topology: tpu7x:2x2x1
jax: 0.10.2.dev20260603
libtpu: 0.0.44.dev20260713+nightly
codegen_flags: <defaults>
</compile_context>

<pallas_src>
import functools

import jax
import jax.numpy as jnp
from jax import lax
from jax.experimental import pallas as pl
from jax.experimental.pallas import tpu as pltpu
from jax.experimental.pallas import tpu_sc as plsc

N = 10000
D = 128
E = 320000
G = 100
LAT = 32
K = 30
NUM_LAYERS = 3

NC = 2
NS = 16
NW = NC * NS
EPW = E // NW
CH = 128
EPW_PAD = 10240
NCH = EPW_PAD // CH
NPAIR = NCH // 2
NPAD = 10240
RPZ = NPAD // NS

_BLK = 1000
_GRID = N // _BLK


def _segsum_kernel():
    mesh = plsc.VectorSubcoreMesh(core_axis_name="c", subcore_axis_name="s")

    NBUF = 8
    DEPTH = 4

    @functools.partial(
        pl.kernel,
        mesh=mesh,
        compiler_params=pltpu.CompilerParams(use_tc_tiling_on_sc=False),
        out_type=jax.ShapeDtypeStruct((NC, NPAD, LAT), jnp.float32),
        scratch_types=[
            pltpu.VMEM((NCH, CH), jnp.int32),
            pltpu.VMEM((NCH, CH), jnp.int32),
            [pltpu.VMEM((CH, LAT), jnp.float32)] * NBUF,
            [pltpu.SemaphoreType.DMA] * NBUF,
            [pltpu.SemaphoreType.DMA] * NBUF,
            pltpu.VMEM_SHARED((NPAD, LAT), jnp.float32),
            pltpu.SemaphoreType.DMA,
            pltpu.SemaphoreType.DMA,
            pltpu.SemaphoreType.DMA,
        ],
    )
    def seg(ego_h, src_h, dst_h, zero_h, out_h, srcv, dstv, rows, gsem, ssem,
            acc, sem_i, sem_d, sem_z):
        c = lax.axis_index("c")
        s = lax.axis_index("s")
        wid = c * NS + s
        zcp = pltpu.async_copy(zero_h.at[pl.ds(s * RPZ, RPZ)],
                               acc.at[pl.ds(s * RPZ, RPZ)], sem_z)
        pltpu.async_copy(src_h.at[wid], srcv, sem_i)
        dcp = pltpu.async_copy(dst_h.at[wid], dstv, sem_d)
        pltpu.make_async_copy(src_h.at[wid], srcv, sem_i).wait()

        def gstart(j, b):
            pltpu.async_copy(ego_h.at[srcv.at[j]], rows[b], gsem[b])

        def gwait(j, b):
            pltpu.make_async_copy(ego_h.at[srcv.at[j]], rows[b], gsem[b]).wait()

        def sstart(j, b):
            pltpu.async_copy(rows[b], acc.at[dstv.at[j]], ssem[b], add=True)

        def swait(j, b):
            pltpu.make_async_copy(rows[b], acc.at[dstv.at[j]], ssem[b]).wait()

        for i in range(DEPTH):
            gstart(i, i)
        dcp.wait()
        zcp.wait()
        plsc.subcore_barrier()

        def step(t, carry):
            base = NBUF * t
            for i in range(NBUF):
                j = base + i
                gwait(j, i)
                sstart(j, i)
                b2 = (i + DEPTH) % NBUF
                jn = j + DEPTH

                @pl.when(jn - NBUF >= 0)
                def _():
                    swait(jn - NBUF, b2)

                @pl.when(jn < NCH)
                def _():
                    gstart(jn, b2)
            return carry

        lax.fori_loop(0, NCH // NBUF, step, 0)
        for i in range(DEPTH):
            j = NCH - DEPTH + i
            swait(j, j % NBUF)
        plsc.subcore_barrier()
        pltpu.sync_copy(acc.at[pl.ds(s * RPZ, RPZ)],
                        out_h.at[c, pl.ds(s * RPZ, RPZ)])

    return seg


def _mlp0_call(x, w1, b1, w2, b2, a0, interpret=False):
    def body(x_ref, w1_ref, b1_ref, w2_ref, b2_ref, a_ref, ego_ref, out_ref):
        h = jnp.maximum(
            jnp.dot(x_ref[...], w1_ref[...],
                    preferred_element_type=jnp.float32) + b1_ref[...], 0.0)
        e = jnp.maximum(
            jnp.dot(h, w2_ref[...],
                    preferred_element_type=jnp.float32) + b2_ref[...], 0.0)
        ego_ref[...] = e
        out_ref[...] = a_ref[0, 0] * e

    full = lambda shape: pl.BlockSpec(shape, lambda i: (0, 0))
    return pl.pallas_call(
        body,
        grid=(_GRID,),
        in_specs=[
            pl.BlockSpec((_BLK, D), lambda i: (i, 0)),
            full((D, LAT)), full((1, LAT)), full((LAT, LAT)), full((1, LAT)),
            full((1, 1)),
        ],
        out_specs=(pl.BlockSpec((_BLK, LAT), lambda i: (i, 0)),
                   pl.BlockSpec((_BLK, LAT), lambda i: (i, 0))),
        out_shape=(jax.ShapeDtypeStruct((N, LAT), jnp.float32),
                   jax.ShapeDtypeStruct((N, LAT), jnp.float32)),
        interpret=interpret,
    )(x, w1, b1, w2, b2, a0)


def _layer_call(ego, parts, w1, b1, w2, b2, al, out_in, interpret=False):
    def body(ego_ref, parts_ref, w1_ref, b1_ref, w2_ref, b2_ref, a_ref,
             oin_ref, ego_o_ref, out_o_ref):
        ego_v = ego_ref[...]
        neig = parts_ref[0] + parts_ref[1]
        agg = jnp.concatenate([ego_v, neig, neig + ego_v], axis=1)
        h = jnp.maximum(
            jnp.dot(agg, w1_ref[...], preferred_element_type=jnp.float32)
            + b1_ref[...], 0.0)
        e = jnp.maximum(
            jnp.dot(h, w2_ref[...],
                    preferred_element_type=jnp.float32) + b2_ref[...], 0.0)
        ego_o_ref[...] = e
        out_o_ref[...] = oin_ref[...] + a_ref[0, 0] * e

    row = pl.BlockSpec((_BLK, LAT), lambda i: (i, 0))
    full = lambda shape: pl.BlockSpec(shape, lambda i: (0,) * len(shape))
    return pl.pallas_call(
        body,
        grid=(_GRID,),
        in_specs=[row, pl.BlockSpec((2, _BLK, LAT), lambda i: (0, i, 0)),
                  full((3 * LAT, LAT)), full((1, LAT)),
                  full((LAT, LAT)), full((1, LAT)),
                  full((1, 1)), row],
        out_specs=(row, row),
        out_shape=(jax.ShapeDtypeStruct((N, LAT), jnp.float32),
                   jax.ShapeDtypeStruct((N, LAT), jnp.float32)),
        interpret=interpret,
    )(ego, parts, w1, b1, w2, b2, al, out_in)


def _topk_call(ego_r, ego_t, out_t, interpret=False):
    npg = N // G

    def body(e3_ref, et_ref, ot_ref, o_ref):
        e3 = e3_ref[...]
        et = et_ref[...]
        ot = ot_ref[...]
        lane = lax.broadcasted_iota(jnp.int32, (G, npg, LAT), 2)
        wl_m1 = jnp.max(jnp.where(lane == LAT - 1, e3, -jnp.inf),
                        axis=2, keepdims=True)
        sub = lax.broadcasted_iota(jnp.int32, (G, LAT, npg), 1)
        wl_1n = jnp.max(jnp.where(sub == LAT - 1, et, -jnp.inf),
                        axis=1, keepdims=True)
        wl_a = jnp.broadcast_to(wl_m1, (G, npg, npg))
        m_i = lax.broadcasted_iota(jnp.int32, (G, npg, npg), 1)
        n_i = lax.broadcasted_iota(jnp.int32, (G, npg, npg), 2)
        beats = (wl_a > wl_1n) | ((wl_a == wl_1n) & (m_i < n_i))
        rank = jnp.sum(beats.astype(jnp.int32), axis=1, keepdims=True)
        pieces = []
        for k in range(K):
            sel = jnp.where(rank == k, ot, 0.0)
            pieces.append(jnp.maximum(jnp.sum(sel, axis=2), 0.0))
        o_ref[...] = jnp.concatenate(pieces, axis=1)

    return pl.pallas_call(
        body,
        out_shape=jax.ShapeDtypeStruct((G, K * LAT), jnp.float32),
        interpret=interpret,
    )(ego_r, ego_t, out_t)


def kernel(node_feat, edge_index, num_graphs, alpha,
           W1_0, b1_0, W2_0, b2_0,
           W1_1, b1_1, W2_1, b2_1,
           W1_2, b1_2, W2_2, b2_2,
           W1_3, b1_3, W2_3, b2_3):
    del num_graphs
    dst = edge_index[0]
    src = edge_index[1]
    pad = EPW_PAD - EPW
    src3 = jnp.pad(src.reshape(NW, EPW), ((0, 0), (0, pad))
                   ).reshape(NW, NCH, CH)
    dst3 = jnp.pad(dst.reshape(NW, EPW), ((0, 0), (0, pad)),
                   constant_values=N).reshape(NW, NCH, CH)
    zeros = jnp.zeros((NPAD, LAT), jnp.float32)
    seg = _segsum_kernel()

    ego, out = _mlp0_call(node_feat, W1_0, b1_0.reshape(1, LAT), W2_0,
                          b2_0.reshape(1, LAT), alpha[0].reshape(1, 1))
    layer_w = [(W1_1, b1_1, W2_1, b2_1), (W1_2, b1_2, W2_2, b2_2),
               (W1_3, b1_3, W2_3, b2_3)]
    for layer in range(1, NUM_LAYERS + 1):
        w1, b1, w2, b2 = layer_w[layer - 1]
        parts = seg(ego, src3, dst3, zeros)
        ego, out = _layer_call(ego, parts, w1,
                               b1.reshape(1, LAT), w2, b2.reshape(1, LAT),
                               alpha[layer].reshape(1, 1), out)
    ego3 = ego.reshape(G, N // G, LAT)
    out3 = out.reshape(G, N // G, LAT)
    return _topk_call(ego3, ego3.transpose(0, 2, 1), out3.transpose(0, 2, 1))

# --- scband reference (transcript-rebuilt; emitter-appended) ---
"""Pipeline reference for scband-ihgnn-29240137351497 (READ-ONLY COPY).

The authoritative reference and input builder live on the scoring server;
editing this copy changes nothing except your own understanding.
"""

import jax, jax.numpy as jnp
import numpy as np

NUM_LAYERS = 3
LATENT = 32
K = 30


def _mlp(x, W1, b1, W2, b2):
    h = jax.nn.relu(x @ W1 + b1)
    return jax.nn.relu(h @ W2 + b2)


def setup_inputs(seed: int = 0):
    key = jax.random.key(seed)
    ks = jax.random.split(key, 24)
    N = 10000
    E = 320000
    D = 128
    G = 100
    inp = {}
    inp['node_feat'] = jax.random.normal(ks[0], (N, D), dtype=jnp.float32)
    inp['edge_index'] = jax.random.randint(ks[1], (2, E), 0, N, dtype=jnp.int32)
    inp['num_graphs'] = G
    inp['alpha'] = jax.random.normal(ks[2], (NUM_LAYERS + 1,), dtype=jnp.float32)
    dims = [D] + [3 * LATENT] * NUM_LAYERS
    for l, din in enumerate(dims):
        inp['W1_%d' % l] = jax.random.normal(ks[3 + 4 * l], (din, LATENT), dtype=jnp.float32) * 0.05
        inp['b1_%d' % l] = jax.random.normal(ks[4 + 4 * l], (LATENT,), dtype=jnp.float32) * 0.01
        inp['W2_%d' % l] = jax.random.normal(ks[5 + 4 * l], (LATENT, LATENT), dtype=jnp.float32) * 0.1
        inp['b2_%d' % l] = jax.random.normal(ks[6 + 4 * l], (LATENT,), dtype=jnp.float32) * 0.01
    return inp


def reference(node_feat, edge_index, num_graphs, alpha,
              W1_0, b1_0, W2_0, b2_0,
              W1_1, b1_1, W2_1, b2_1,
              W1_2, b1_2, W2_2, b2_2,
              W1_3, b1_3, W2_3, b2_3):
    mlps = [(W1_0, b1_0, W2_0, b2_0), (W1_1, b1_1, W2_1, b2_1),
            (W1_2, b1_2, W2_2, b2_2), (W1_3, b1_3, W2_3, b2_3)]
    N = node_feat.shape[0]
    dst = edge_index[0]
    src = edge_index[1]
    # layer 0: ego MLP
    ego = _mlp(node_feat, *mlps[0])
    out = alpha[0] * ego
    for layer in range(1, NUM_LAYERS + 1):
        # n2n_sp @ ego : sparse adjacency matmul == gather + scatter-add over edges
        neig = jax.ops.segment_sum(ego[src], dst, num_segments=N)
        agg = jnp.concatenate([ego, neig, neig + ego], axis=1)
        ego = _mlp(agg, *mlps[layer])
        out = out + alpha[layer] * ego
    wl_color = ego[:, -1]
    G = 100
    n_per = N // num_graphs
    wl = wl_color.reshape(G, N // G)
    _, topk_idx = jax.lax.top_k(wl, K)
    topk_idx = topk_idx + (jnp.arange(G) * n_per)[:, None]
    sort_graph = out[topk_idx.reshape(-1)]
    to_dense = sort_graph.reshape(G, K * LATENT)
    return jax.nn.relu(to_dense)

if __name__ == "__main__":
    import jax
    _d = setup_inputs()
    print(jax.jit(kernel)(*tuple(_d.values())))

</pallas_src>

<mosaic_0001>
#map = affine_map<(d0, d1) -> (0, 0)>
#map1 = affine_map<(d0, d1) -> (0, 0, 0)>
module attributes {stable_mosaic.version = 14 : i64} {
  func.func @seg(%arg0: i32, %arg1: i32, %arg2: memref<10000x32xf32, #tpu.memory_space<hbm>>, %arg3: memref<32x80x128xi32, #tpu.memory_space<hbm>>, %arg4: memref<32x80x128xi32, #tpu.memory_space<hbm>>, %arg5: memref<10240x32xf32, #tpu.memory_space<hbm>>, %arg6: memref<2x10240x32xf32, #tpu.memory_space<hbm>>, %arg7: memref<80x128xi32, #tpu.memory_space<vmem>>, %arg8: memref<80x128xi32, #tpu.memory_space<vmem>>, %arg9: memref<128x32xf32, #tpu.memory_space<vmem>>, %arg10: memref<128x32xf32, #tpu.memory_space<vmem>>, %arg11: memref<128x32xf32, #tpu.memory_space<vmem>>, %arg12: memref<128x32xf32, #tpu.memory_space<vmem>>, %arg13: memref<128x32xf32, #tpu.memory_space<vmem>>, %arg14: memref<128x32xf32, #tpu.memory_space<vmem>>, %arg15: memref<128x32xf32, #tpu.memory_space<vmem>>, %arg16: memref<128x32xf32, #tpu.memory_space<vmem>>, %arg17: memref<!tpu.dma_semaphore, #tpu.memory_space<semaphore_mem>>, %arg18: memref<!tpu.dma_semaphore, #tpu.memory_space<semaphore_mem>>, %arg19: memref<!tpu.dma_semaphore, #tpu.memory_space<semaphore_mem>>, %arg20: memref<!tpu.dma_semaphore, #tpu.memory_space<semaphore_mem>>, %arg21: memref<!tpu.dma_semaphore, #tpu.memory_space<semaphore_mem>>, %arg22: memref<!tpu.dma_semaphore, #tpu.memory_space<semaphore_mem>>, %arg23: memref<!tpu.dma_semaphore, #tpu.memory_space<semaphore_mem>>, %arg24: memref<!tpu.dma_semaphore, #tpu.memory_space<semaphore_mem>>, %arg25: memref<!tpu.dma_semaphore, #tpu.memory_space<semaphore_mem>>, %arg26: memref<!tpu.dma_semaphore, #tpu.memory_space<semaphore_mem>>, %arg27: memref<!tpu.dma_semaphore, #tpu.memory_space<semaphore_mem>>, %arg28: memref<!tpu.dma_semaphore, #tpu.memory_space<semaphore_mem>>, %arg29: memref<!tpu.dma_semaphore, #tpu.memory_space<semaphore_mem>>, %arg30: memref<!tpu.dma_semaphore, #tpu.memory_space<semaphore_mem>>, %arg31: memref<!tpu.dma_semaphore, #tpu.memory_space<semaphore_mem>>, %arg32: memref<!tpu.dma_semaphore, #tpu.memory_space<semaphore_mem>>, %arg33: memref<10240x32xf32, #tpu.memory_space<vmem_shared>>, %arg34: memref<!tpu.dma_semaphore, #tpu.memory_space<semaphore_mem>>, %arg35: memref<!tpu.dma_semaphore, #tpu.memory_space<semaphore_mem>>, %arg36: memref<!tpu.dma_semaphore, #tpu.memory_space<semaphore_mem>>) attributes {dimension_semantics = [#tpu.dimension_semantics<core_parallel>, #tpu.dimension_semantics<subcore_parallel>], iteration_bounds = array<i64: 2, 16>, scalar_prefetch = 0 : i64, scratch_operands = 30 : i64, tpu.core_type = #tpu.core_type<sc_vector_subcore>, window_params = [{transform_indices = #map}, {transform_indices = #map1}, {transform_indices = #map1}, {transform_indices = #map}, {transform_indices = #map1}]} {
    %mul3A = arith.constant 16 : i32
    %mul3A_0 = arith.muli %arg0, %mul3A : i32
    %add3A = arith.addi %mul3A_0, %arg1 : i32
    %mul3A_1 = arith.constant 640 : i32
    %mul3A_2 = arith.muli %arg1, %mul3A_1 : i32
    %mul3A_3 = arith.constant 640 : i32
    %mul3A_4 = arith.muli %arg1, %mul3A_3 : i32
    %dma_start3A = arith.constant 0 : i32
    %dma_start3A_5 = tpu.memref_slice %arg33[%mul3A_4, %dma_start3A] : memref<10240x32xf32, #tpu.memory_space<vmem_shared>> -> memref<640x32xf32, #tpu.memory_space<vmem_shared>>
    %dma_start3A_6 = arith.constant 0 : i32
    %dma_start3A_7 = tpu.memref_slice %arg5[%mul3A_2, %dma_start3A_6] : memref<10240x32xf32, #tpu.memory_space<hbm>> -> memref<640x32xf32, #tpu.memory_space<hbm>>
    tpu.enqueue_dma source(%dma_start3A_7 : memref<640x32xf32, #tpu.memory_space<hbm>>) target(%dma_start3A_5 : memref<640x32xf32, #tpu.memory_space<vmem_shared>>) target_semaphore(%arg36 : memref<!tpu.dma_semaphore, #tpu.memory_space<semaphore_mem>>)
    %dma_start3A_8 = arith.constant 0 : i32
    %dma_start3A_9 = arith.constant 0 : i32
    %dma_start3A_10 = tpu.memref_slice %arg3[%add3A, %dma_start3A_8, %dma_start3A_9] : memref<32x80x128xi32, #tpu.memory_space<hbm>> -> memref<1x80x128xi32, #tpu.memory_space<hbm>>
    %dma_start3A_11 = tpu.memref_squeeze %dma_start3A_10 : memref<1x80x128xi32, #tpu.memory_space<hbm>> -> memref<80x128xi32, #tpu.memory_space<hbm>>
    %dma_start3A_12 = arith.constant 0 : i32
    %dma_start3A_13 = arith.constant 0 : i32
    %dma_start3A_14 = tpu.memref_slice %arg3[%add3A, %dma_start3A_12, %dma_start3A_13] : memref<32x80x128xi32, #tpu.memory_space<hbm>> -> memref<1x80x128xi32, #tpu.memory_space<hbm>>
    %dma_start3A_15 = tpu.memref_squeeze %dma_start3A_14 : memref<1x80x128xi32, #tpu.memory_space<hbm>> -> memref<80x128xi32, #tpu.memory_space<hbm>>
    tpu.enqueue_dma source(%dma_start3A_15 : memref<80x128xi32, #tpu.memory_space<hbm>>) target(%arg7 : memref<80x128xi32, #tpu.memory_space<vmem>>) target_semaphore(%arg34 : memref<!tpu.dma_semaphore, #tpu.memory_space<semaphore_mem>>)
    %dma_start3A_16 = arith.constant 0 : i32
    %dma_start3A_17 = arith.constant 0 : i32
    %dma_start3A_18 = tpu.memref_slice %arg4[%add3A, %dma_start3A_16, %dma_start3A_17] : memref<32x80x128xi32, #tpu.memory_space<hbm>> -> memref<1x80x128xi32, #tpu.memory_space<hbm>>
    %dma_start3A_19 = tpu.memref_squeeze %dma_start3A_18 : memref<1x80x128xi32, #tpu.memory_space<hbm>> -> memref<80x128xi32, #tpu.memory_space<hbm>>
    %dma_start3A_20 = arith.constant 0 : i32
    %dma_start3A_21 = arith.constant 0 : i32
    %dma_start3A_22 = tpu.memref_slice %arg4[%add3A, %dma_start3A_20, %dma_start3A_21] : memref<32x80x128xi32, #tpu.memory_space<hbm>> -> memref<1x80x128xi32, #tpu.memory_space<hbm>>
    %dma_start3A_23 = tpu.memref_squeeze %dma_start3A_22 : memref<1x80x128xi32, #tpu.memory_space<hbm>> -> memref<80x128xi32, #tpu.memory_space<hbm>>
    tpu.enqueue_dma source(%dma_start3A_23 : memref<80x128xi32, #tpu.memory_space<hbm>>) target(%arg8 : memref<80x128xi32, #tpu.memory_space<vmem>>) target_semaphore(%arg35 : memref<!tpu.dma_semaphore, #tpu.memory_space<semaphore_mem>>)
    %dma_wait3A = arith.constant 0 : i32
    %dma_wait3A_24 = arith.constant 0 : i32
    %dma_wait3A_25 = tpu.memref_slice %arg3[%add3A, %dma_wait3A, %dma_wait3A_24] : memref<32x80x128xi32, #tpu.memory_space<hbm>> -> memref<1x80x128xi32, #tpu.memory_space<hbm>>
    %dma_wait3A_26 = tpu.memref_squeeze %dma_wait3A_25 : memref<1x80x128xi32, #tpu.memory_space<hbm>> -> memref<80x128xi32, #tpu.memory_space<hbm>>
    %dma_wait3A_27 = arith.constant 0 : i32
    %dma_wait3A_28 = arith.constant 0 : i32
    %dma_wait3A_29 = tpu.memref_slice %arg3[%add3A, %dma_wait3A_27, %dma_wait3A_28] : memref<32x80x128xi32, #tpu.memory_space<hbm>> -> memref<1x80x128xi32, #tpu.memory_space<hbm>>
    %dma_wait3A_30 = tpu.memref_squeeze %dma_wait3A_29 : memref<1x80x128xi32, #tpu.memory_space<hbm>> -> memref<80x128xi32, #tpu.memory_space<hbm>>
    tpu.wait_dma2 semaphore(%arg34 : memref<!tpu.dma_semaphore, #tpu.memory_space<semaphore_mem>>) src(%dma_wait3A_30 : memref<80x128xi32, #tpu.memory_space<hbm>>) dst(%arg7 : memref<80x128xi32, #tpu.memory_space<vmem>>)
    %dma_start3A_31 = arith.constant 0 : i32
    %dma_start3A_32 = arith.constant 0 : i32
    %dma_start3A_33 = tpu.memref_slice %arg7[%dma_start3A_31, %dma_start3A_32] : memref<80x128xi32, #tpu.memory_space<vmem>> -> memref<1x128xi32, #tpu.memory_space<vmem>>
    %dma_start3A_34 = tpu.memref_squeeze %dma_start3A_33 : memref<1x128xi32, #tpu.memory_space<vmem>> -> memref<128xi32, #tpu.memory_space<vmem>>
    %dma_start3A_35 = arith.constant 0 : i32
    %dma_start3A_36 = arith.constant 0 : i32
    %dma_start3A_37 = tpu.memref_slice %arg2[%dma_start3A_35, %dma_start3A_36] : memref<10000x32xf32, #tpu.memory_space<hbm>> -> memref<10000x32xf32, #tpu.memory_space<hbm>>
    tpu.enqueue_indirect_dma source(%dma_start3A_37 : memref<10000x32xf32, #tpu.memory_space<hbm>>) target(%arg9 : memref<128x32xf32, #tpu.memory_space<vmem>>) offsets(%dma_start3A_34 : memref<128xi32, #tpu.memory_space<vmem>>) semaphore(%arg17 : memref<!tpu.dma_semaphore, #tpu.memory_space<semaphore_mem>>)
    %dma_start3A_38 = arith.constant 1 : i32
    %dma_start3A_39 = arith.constant 0 : i32
    %dma_start3A_40 = tpu.memref_slice %arg7[%dma_start3A_38, %dma_start3A_39] : memref<80x128xi32, #tpu.memory_space<vmem>> -> memref<1x128xi32, #tpu.memory_space<vmem>>
    %dma_start3A_41 = tpu.memref_squeeze %dma_start3A_40 : memref<1x128xi32, #tpu.memory_space<vmem>> -> memref<128xi32, #tpu.memory_space<vmem>>
    %dma_start3A_42 = arith.constant 0 : i32
    %dma_start3A_43 = arith.constant 0 : i32
    %dma_start3A_44 = tpu.memref_slice %arg2[%dma_start3A_42, %dma_start3A_43] : memref<10000x32xf32, #tpu.memory_space<hbm>> -> memref<10000x32xf32, #tpu.memory_space<hbm>>
    tpu.enqueue_indirect_dma source(%dma_start3A_44 : memref<10000x32xf32, #tpu.memory_space<hbm>>) target(%arg10 : memref<128x32xf32, #tpu.memory_space<vmem>>) offsets(%dma_start3A_41 : memref<128xi32, #tpu.memory_space<vmem>>) semaphore(%arg18 : memref<!tpu.dma_semaphore, #tpu.memory_space<semaphore_mem>>)
    %dma_start3A_45 = arith.constant 2 : i32
    %dma_start3A_46 = arith.constant 0 : i32
    %dma_start3A_47 = tpu.memref_slice %arg7[%dma_start3A_45, %dma_start3A_46] : memref<80x128xi32, #tpu.memory_space<vmem>> -> memref<1x128xi32, #tpu.memory_space<vmem>>
    %dma_start3A_48 = tpu.memref_squeeze %dma_start3A_47 : memref<1x128xi32, #tpu.memory_space<vmem>> -> memref<128xi32, #tpu.memory_space<vmem>>
    %dma_start3A_49 = arith.constant 0 : i32
    %dma_start3A_50 = arith.constant 0 : i32
    %dma_start3A_51 = tpu.memref_slice %arg2[%dma_start3A_49, %dma_start3A_50] : memref<10000x32xf32, #tpu.memory_space<hbm>> -> memref<10000x32xf32, #tpu.memory_space<hbm>>
    tpu.enqueue_indirect_dma source(%dma_start3A_51 : memref<10000x32xf32, #tpu.memory_space<hbm>>) target(%arg11 : memref<128x32xf32, #tpu.memory_space<vmem>>) offsets(%dma_start3A_48 : memref<128xi32, #tpu.memory_space<vmem>>) semaphore(%arg19 : memref<!tpu.dma_semaphore, #tpu.memory_space<semaphore_mem>>)
    %dma_start3A_52 = arith.constant 3 : i32
    %dma_start3A_53 = arith.constant 0 : i32
    %dma_start3A_54 = tpu.memref_slice %arg7[%dma_start3A_52, %dma_start3A_53] : memref<80x128xi32, #tpu.memory_space<vmem>> -> memref<1x128xi32, #tpu.memory_space<vmem>>
    %dma_start3A_55 = tpu.memref_squeeze %dma_start3A_54 : memref<1x128xi32, #tpu.memory_space<vmem>> -> memref<128xi32, #tpu.memory_space<vmem>>
    %dma_start3A_56 = arith.constant 0 : i32
    %dma_start3A_57 = arith.constant 0 : i32
    %dma_start3A_58 = tpu.memref_slice %arg2[%dma_start3A_56, %dma_start3A_57] : memref<10000x32xf32, #tpu.memory_space<hbm>> -> memref<10000x32xf32, #tpu.memory_space<hbm>>
    tpu.enqueue_indirect_dma source(%dma_start3A_58 : memref<10000x32xf32, #tpu.memory_space<hbm>>) target(%arg12 : memref<128x32xf32, #tpu.memory_space<vmem>>) offsets(%dma_start3A_55 : memref<128xi32, #tpu.memory_space<vmem>>) semaphore(%arg20 : memref<!tpu.dma_semaphore, #tpu.memory_space<semaphore_mem>>)
    %dma_wait3A_59 = arith.constant 0 : i32
    %dma_wait3A_60 = arith.constant 0 : i32
    %dma_wait3A_61 = tpu.memref_slice %arg4[%add3A, %dma_wait3A_59, %dma_wait3A_60] : memref<32x80x128xi32, #tpu.memory_space<hbm>> -> memref<1x80x128xi32, #tpu.memory_space<hbm>>
    %dma_wait3A_62 = tpu.memref_squeeze %dma_wait3A_61 : memref<1x80x128xi32, #tpu.memory_space<hbm>> -> memref<80x128xi32, #tpu.memory_space<hbm>>
    %dma_wait3A_63 = arith.constant 0 : i32
    %dma_wait3A_64 = arith.constant 0 : i32
    %dma_wait3A_65 = tpu.memref_slice %arg4[%add3A, %dma_wait3A_63, %dma_wait3A_64] : memref<32x80x128xi32, #tpu.memory_space<hbm>> -> memref<1x80x128xi32, #tpu.memory_space<hbm>>
    %dma_wait3A_66 = tpu.memref_squeeze %dma_wait3A_65 : memref<1x80x128xi32, #tpu.memory_space<hbm>> -> memref<80x128xi32, #tpu.memory_space<hbm>>
    tpu.wait_dma2 semaphore(%arg35 : memref<!tpu.dma_semaphore, #tpu.memory_space<semaphore_mem>>) src(%dma_wait3A_66 : memref<80x128xi32, #tpu.memory_space<hbm>>) dst(%arg8 : memref<80x128xi32, #tpu.memory_space<vmem>>)
    %dma_wait3A_67 = arith.constant 0 : i32
    %dma_wait3A_68 = tpu.memref_slice %arg33[%mul3A_4, %dma_wait3A_67] : memref<10240x32xf32, #tpu.memory_space<vmem_shared>> -> memref<640x32xf32, #tpu.memory_space<vmem_shared>>
    %dma_wait3A_69 = arith.constant 0 : i32
    %dma_wait3A_70 = tpu.memref_slice %arg5[%mul3A_2, %dma_wait3A_69] : memref<10240x32xf32, #tpu.memory_space<hbm>> -> memref<640x32xf32, #tpu.memory_space<hbm>>
    tpu.wait_dma2 semaphore(%arg36 : memref<!tpu.dma_semaphore, #tpu.memory_space<semaphore_mem>>) src(%dma_wait3A_70 : memref<640x32xf32, #tpu.memory_space<hbm>>) dst(%dma_wait3A_68 : memref<640x32xf32, #tpu.memory_space<vmem_shared>>)
    %barrier3A = arith.constant 0 : index
    tpu.barrier barrier_id(%barrier3A)
    %scan3A = arith.constant 0 : i32
    %scan3A_71 = arith.constant 0 : i32
    %scan3A_72 = arith.constant 10 : i32
    %scan3A_73 = arith.addi %scan3A_71, %scan3A_72 : i32
    %scan3A_74 = arith.constant 1 : i32
    scf.for %scan3A_109 = %scan3A_71 to %scan3A_73 step %scan3A_74  : i32 {
      %mul3A_110 = arith.constant 8 : i32
      %mul3A_111 = arith.muli %mul3A_110, %scan3A_109 : i32
      %add3A_112 = arith.constant 0 : i32
      %add3A_113 = arith.addi %mul3A_111, %add3A_112 : i32
      %dma_wait3A_114 = arith.constant 0 : i32
      %dma_wait3A_115 = tpu.memref_slice %arg7[%add3A_113, %dma_wait3A_114] : memref<80x128xi32, #tpu.memory_space<vmem>> -> memref<1x128xi32, #tpu.memory_space<vmem>>
      %dma_wait3A_116 = tpu.memref_squeeze %dma_wait3A_115 : memref<1x128xi32, #tpu.memory_space<vmem>> -> memref<128xi32, #tpu.memory_space<vmem>>
      %dma_wait3A_117 = arith.constant 0 : i32
      %dma_wait3A_118 = arith.constant 0 : i32
      %dma_wait3A_119 = tpu.memref_slice %arg2[%dma_wait3A_117, %dma_wait3A_118] : memref<10000x32xf32, #tpu.memory_space<hbm>> -> memref<10000x32xf32, #tpu.memory_space<hbm>>
      tpu.wait_indirect_dma semaphore(%arg17 : memref<!tpu.dma_semaphore, #tpu.memory_space<semaphore_mem>>) src(%dma_wait3A_119 : memref<10000x32xf32, #tpu.memory_space<hbm>>) dst(%arg9 : memref<128x32xf32, #tpu.memory_space<vmem>>)
      %dma_start3A_120 = arith.constant 0 : i32
      %dma_start3A_121 = tpu.memref_slice %arg8[%add3A_113, %dma_start3A_120] : memref<80x128xi32, #tpu.memory_space<vmem>> -> memref<1x128xi32, #tpu.memory_space<vmem>>
      %dma_start3A_122 = tpu.memref_squeeze %dma_start3A_121 : memref<1x128xi32, #tpu.memory_space<vmem>> -> memref<128xi32, #tpu.memory_space<vmem>>
      %dma_start3A_123 = arith.constant 0 : i32
      %dma_start3A_124 = arith.constant 0 : i32
      %dma_start3A_125 = tpu.memref_slice %arg33[%dma_start3A_123, %dma_start3A_124] : memref<10240x32xf32, #tpu.memory_space<vmem_shared>> -> memref<10240x32xf32, #tpu.memory_space<vmem_shared>>
      tpu.enqueue_indirect_dma source(%arg9 : memref<128x32xf32, #tpu.memory_space<vmem>>) target(%dma_start3A_125 : memref<10240x32xf32, #tpu.memory_space<vmem_shared>>) offsets(%dma_start3A_122 : memref<128xi32, #tpu.memory_space<vmem>>) semaphore(%arg25 : memref<!tpu.dma_semaphore, #tpu.memory_space<semaphore_mem>>) {add = true}
      %add3A_126 = arith.constant 4 : i32
      %add3A_127 = arith.addi %add3A_113, %add3A_126 : i32
      %sub3A = arith.constant 8 : i32
      %sub3A_128 = arith.subi %add3A_127, %sub3A : i32
      %ge3A = arith.constant 0 : i32
      %ge3A_129 = arith.cmpi sge, %sub3A_128, %ge3A : i32
      %convert_element_type3A = arith.extui %ge3A_129 : i1 to i32
      %cond3A = arith.constant 0 : i32
      %cond3A_130 = arith.cmpi ne, %convert_element_type3A, %cond3A : i32
      scf.if %cond3A_130 {
        %sub3A_331 = arith.constant 8 : i32
        %sub3A_332 = arith.subi %add3A_127, %sub3A_331 : i32
        %dma_wait3A_333 = arith.constant 0 : i32
        %dma_wait3A_334 = tpu.memref_slice %arg8[%sub3A_332, %dma_wait3A_333] : memref<80x128xi32, #tpu.memory_space<vmem>> -> memref<1x128xi32, #tpu.memory_space<vmem>>
        %dma_wait3A_335 = tpu.memref_squeeze %dma_wait3A_334 : memref<1x128xi32, #tpu.memory_space<vmem>> -> memref<128xi32, #tpu.memory_space<vmem>>
        %dma_wait3A_336 = arith.constant 0 : i32
        %dma_wait3A_337 = arith.constant 0 : i32
        %dma_wait3A_338 = tpu.memref_slice %arg33[%dma_wait3A_336, %dma_wait3A_337] : memref<10240x32xf32, #tpu.memory_space<vmem_shared>> -> memref<10240x32xf32, #tpu.memory_space<vmem_shared>>
        tpu.wait_indirect_dma semaphore(%arg29 : memref<!tpu.dma_semaphore, #tpu.memory_space<semaphore_mem>>) src(%arg13 : memref<128x32xf32, #tpu.memory_space<vmem>>) dst(%dma_wait3A_338 : memref<10240x32xf32, #tpu.memory_space<vmem_shared>>)
      } else {
      }
      %lt3A = arith.constant 80 : i32
      %lt3A_131 = arith.cmpi slt, %add3A_127, %lt3A : i32
      %convert_element_type3A_132 = arith.extui %lt3A_131 : i1 to i32
      %cond3A_133 = arith.constant 0 : i32
      %cond3A_134 = arith.cmpi ne, %convert_element_type3A_132, %cond3A_133 : i32
      scf.if %cond3A_134 {
        %dma_start3A_331 = arith.constant 0 : i32
        %dma_start3A_332 = tpu.memref_slice %arg7[%add3A_127, %dma_start3A_331] : memref<80x128xi32, #tpu.memory_space<vmem>> -> memref<1x128xi32, #tpu.memory_space<vmem>>
        %dma_start3A_333 = tpu.memref_squeeze %dma_start3A_332 : memref<1x128xi32, #tpu.memory_space<vmem>> -> memref<128xi32, #tpu.memory_space<vmem>>
        %dma_start3A_334 = arith.constant 0 : i32
        %dma_start3A_335 = arith.constant 0 : i32
        %dma_start3A_336 = tpu.memref_slice %arg2[%dma_start3A_334, %dma_start3A_335] : memref<10000x32xf32, #tpu.memory_space<hbm>> -> memref<10000x32xf32, #tpu.memory_space<hbm>>
        tpu.enqueue_indirect_dma source(%dma_start3A_336 : memref<10000x32xf32, #tpu.memory_space<hbm>>) target(%arg13 : memref<128x32xf32, #tpu.memory_space<vmem>>) offsets(%dma_start3A_333 : memref<128xi32, #tpu.memory_space<vmem>>) semaphore(%arg21 : memref<!tpu.dma_semaphore, #tpu.memory_space<semaphore_mem>>)
      } else {
      }
      %add3A_135 = arith.constant 1 : i32
      %add3A_136 = arith.addi %mul3A_111, %add3A_135 : i32
      %dma_wait3A_137 = arith.constant 0 : i32
      %dma_wait3A_138 = tpu.memref_slice %arg7[%add3A_136, %dma_wait3A_137] : memref<80x128xi32, #tpu.memory_space<vmem>> -> memref<1x128xi32, #tpu.memory_space<vmem>>
      %dma_wait3A_139 = tpu.memref_squeeze %dma_wait3A_138 : memref<1x128xi32, #tpu.memory_space<vmem>> -> memref<128xi32, #tpu.memory_space<vmem>>
      %dma_wait3A_140 = arith.constant 0 : i32
      %dma_wait3A_141 = arith.constant 0 : i32
      %dma_wait3A_142 = tpu.memref_slice %arg2[%dma_wait3A_140, %dma_wait3A_141] : memref<10000x32xf32, #tpu.memory_space<hbm>> -> memref<10000x32xf32, #tpu.memory_space<hbm>>
      tpu.wait_indirect_dma semaphore(%arg18 : memref<!tpu.dma_semaphore, #tpu.memory_space<semaphore_mem>>) src(%dma_wait3A_142 : memref<10000x32xf32, #tpu.memory_space<hbm>>) dst(%arg10 : memref<128x32xf32, #tpu.memory_space<vmem>>)
      %dma_start3A_143 = arith.constant 0 : i32
      %dma_start3A_144 = tpu.memref_slice %arg8[%add3A_136, %dma_start3A_143] : memref<80x128xi32, #tpu.memory_space<vmem>> -> memref<1x128xi32, #tpu.memory_space<vmem>>
      %dma_start3A_145 = tpu.memref_squeeze %dma_start3A_144 : memref<1x128xi32, #tpu.memory_space<vmem>> -> memref<128xi32, #tpu.memory_space<vmem>>
      %dma_start3A_146 = arith.constant 0 : i32
      %dma_start3A_147 = arith.constant 0 : i32
      %dma_start3A_148 = tpu.memref_slice %arg33[%dma_start3A_146, %dma_start3A_147] : memref<10240x32xf32, #tpu.memory_space<vmem_shared>> -> memref<10240x32xf32, #tpu.memory_space<vmem_shared>>
      tpu.enqueue_indirect_dma source(%arg10 : memref<128x32xf32, #tpu.memory_space<vmem>>) target(%dma_start3A_148 : memref<10240x32xf32, #tpu.memory_space<vmem_shared>>) offsets(%dma_start3A_145 : memref<128xi32, #tpu.memory_space<vmem>>) semaphore(%arg26 : memref<!tpu.dma_semaphore, #tpu.memory_space<semaphore_mem>>) {add = true}
      %add3A_149 = arith.constant 4 : i32
      %add3A_150 = arith.addi %add3A_136, %add3A_149 : i32
      %sub3A_151 = arith.constant 8 : i32
      %sub3A_152 = arith.subi %add3A_150, %sub3A_151 : i32
      %ge3A_153 = arith.constant 0 : i32
      %ge3A_154 = arith.cmpi sge, %sub3A_152, %ge3A_153 : i32
      %convert_element_type3A_155 = arith.extui %ge3A_154 : i1 to i32
      %cond3A_156 = arith.constant 0 : i32
      %cond3A_157 = arith.cmpi ne, %convert_element_type3A_155, %cond3A_156 : i32
      scf.if %cond3A_157 {
        %sub3A_331 = arith.constant 8 : i32
        %sub3A_332 = arith.subi %add3A_150, %sub3A_331 : i32
        %dma_wait3A_333 = arith.constant 0 : i32
        %dma_wait3A_334 = tpu.memref_slice %arg8[%sub3A_332, %dma_wait3A_333] : memref<80x128xi32, #tpu.memory_space<vmem>> -> memref<1x128xi32, #tpu.memory_space<vmem>>
        %dma_wait3A_335 = tpu.memref_squeeze %dma_wait3A_334 : memref<1x128xi32, #tpu.memory_space<vmem>> -> memref<128xi32, #tpu.memory_space<vmem>>
        %dma_wait3A_336 = arith.constant 0 : i32
        %dma_wait3A_337 = arith.constant 0 : i32
        %dma_wait3A_338 = tpu.memref_slice %arg33[%dma_wait3A_336, %dma_wait3A_337] : memref<10240x32xf32, #tpu.memory_space<vmem_shared>> -> memref<10240x32xf32, #tpu.memory_space<vmem_shared>>
        tpu.wait_indirect_dma semaphore(%arg30 : memref<!tpu.dma_semaphore, #tpu.memory_space<semaphore_mem>>) src(%arg14 : memref<128x32xf32, #tpu.memory_space<vmem>>) dst(%dma_wait3A_338 : memref<10240x32xf32, #tpu.memory_space<vmem_shared>>)
      } else {
      }
      %lt3A_158 = arith.constant 80 : i32
      %lt3A_159 = arith.cmpi slt, %add3A_150, %lt3A_158 : i32
      %convert_element_type3A_160 = arith.extui %lt3A_159 : i1 to i32
      %cond3A_161 = arith.constant 0 : i32
      %cond3A_162 = arith.cmpi ne, %convert_element_type3A_160, %cond3A_161 : i32
      scf.if %cond3A_162 {
        %dma_start3A_331 = arith.constant 0 : i32
        %dma_start3A_332 = tpu.memref_slice %arg7[%add3A_150, %dma_start3A_331] : memref<80x128xi32, #tpu.memory_space<vmem>> -> memref<1x128xi32, #tpu.memory_space<vmem>>
        %dma_start3A_333 = tpu.memref_squeeze %dma_start3A_332 : memref<1x128xi32, #tpu.memory_space<vmem>> -> memref<128xi32, #tpu.memory_space<vmem>>
        %dma_start3A_334 = arith.constant 0 : i32
        %dma_start3A_335 = arith.constant 0 : i32
        %dma_start3A_336 = tpu.memref_slice %arg2[%dma_start3A_334, %dma_start3A_335] : memref<10000x32xf32, #tpu.memory_space<hbm>> -> memref<10000x32xf32, #tpu.memory_space<hbm>>
        tpu.enqueue_indirect_dma source(%dma_start3A_336 : memref<10000x32xf32, #tpu.memory_space<hbm>>) target(%arg14 : memref<128x32xf32, #tpu.memory_space<vmem>>) offsets(%dma_start3A_333 : memref<128xi32, #tpu.memory_space<vmem>>) semaphore(%arg22 : memref<!tpu.dma_semaphore, #tpu.memory_space<semaphore_mem>>)
      } else {
      }
      %add3A_163 = arith.constant 2 : i32
      %add3A_164 = arith.addi %mul3A_111, %add3A_163 : i32
      %dma_wait3A_165 = arith.constant 0 : i32
      %dma_wait3A_166 = tpu.memref_slice %arg7[%add3A_164, %dma_wait3A_165] : memref<80x128xi32, #tpu.memory_space<vmem>> -> memref<1x128xi32, #tpu.memory_space<vmem>>
      %dma_wait3A_167 = tpu.memref_squeeze %dma_wait3A_166 : memref<1x128xi32, #tpu.memory_space<vmem>> -> memref<128xi32, #tpu.memory_space<vmem>>
      %dma_wait3A_168 = arith.constant 0 : i32
      %dma_wait3A_169 = arith.constant 0 : i32
      %dma_wait3A_170 = tpu.memref_slice %arg2[%dma_wait3A_168, %dma_wait3A_169] : memref<10000x32xf32, #tpu.memory_space<hbm>> -> memref<10000x32xf32, #tpu.memory_space<hbm>>
      tpu.wait_indirect_dma semaphore(%arg19 : memref<!tpu.dma_semaphore, #tpu.memory_space<semaphore_mem>>) src(%dma_wait3A_170 : memref<10000x32xf32, #tpu.memory_space<hbm>>) dst(%arg11 : memref<128x32xf32, #tpu.memory_space<vmem>>)
      %dma_start3A_171 = arith.constant 0 : i32
      %dma_start3A_172 = tpu.memref_slice %arg8[%add3A_164, %dma_start3A_171] : memref<80x128xi32, #tpu.memory_space<vmem>> -> memref<1x128xi32, #tpu.memory_space<vmem>>
      %dma_start3A_173 = tpu.memref_squeeze %dma_start3A_172 : memref<1x128xi32, #tpu.memory_space<vmem>> -> memref<128xi32, #tpu.memory_space<vmem>>
      %dma_start3A_174 = arith.constant 0 : i32
      %dma_start3A_175 = arith.constant 0 : i32
      %dma_start3A_176 = tpu.memref_slice %arg33[%dma_start3A_174, %dma_start3A_175] : memref<10240x32xf32, #tpu.memory_space<vmem_shared>> -> memref<10240x32xf32, #tpu.memory_space<vmem_shared>>
      tpu.enqueue_indirect_dma source(%arg11 : memref<128x32xf32, #tpu.memory_space<vmem>>) target(%dma_start3A_176 : memref<10240x32xf32, #tpu.memory_space<vmem_shared>>) offsets(%dma_start3A_173 : memref<128xi32, #tpu.memory_space<vmem>>) semaphore(%arg27 : memref<!tpu.dma_semaphore, #tpu.memory_space<semaphore_mem>>) {add = true}
      %add3A_177 = arith.constant 4 : i32
      %add3A_178 = arith.addi %add3A_164, %add3A_177 : i32
      %sub3A_179 = arith.constant 8 : i32
      %sub3A_180 = arith.subi %add3A_178, %sub3A_179 : i32
      %ge3A_181 = arith.constant 0 : i32
      %ge3A_182 = arith.cmpi sge, %sub3A_180, %ge3A_181 : i32
      %convert_element_type3A_183 = arith.extui %ge3A_182 : i1 to i32
      %cond3A_184 = arith.constant 0 : i32
      %cond3A_185 = arith.cmpi ne, %convert_element_type3A_183, %cond3A_184 : i32
      scf.if %cond3A_185 {
        %sub3A_331 = arith.constant 8 : i32
        %sub3A_332 = arith.subi %add3A_178, %sub3A_331 : i32
        %dma_wait3A_333 = arith.constant 0 : i32
        %dma_wait3A_334 = tpu.memref_slice %arg8[%sub3A_332, %dma_wait3A_333] : memref<80x128xi32, #tpu.memory_space<vmem>> -> memref<1x128xi32, #tpu.memory_space<vmem>>
        %dma_wait3A_335 = tpu.memref_squeeze %dma_wait3A_334 : memref<1x128xi32, #tpu.memory_space<vmem>> -> memref<128xi32, #tpu.memory_space<vmem>>
        %dma_wait3A_336 = arith.constant 0 : i32
        %dma_wait3A_337 = arith.constant 0 : i32
        %dma_wait3A_338 = tpu.memref_slice %arg33[%dma_wait3A_336, %dma_wait3A_337] : memref<10240x32xf32, #tpu.memory_space<vmem_shared>> -> memref<10240x32xf32, #tpu.memory_space<vmem_shared>>
        tpu.wait_indirect_dma semaphore(%arg31 : memref<!tpu.dma_semaphore, #tpu.memory_space<semaphore_mem>>) src(%arg15 : memref<128x32xf32, #tpu.memory_space<vmem>>) dst(%dma_wait3A_338 : memref<10240x32xf32, #tpu.memory_space<vmem_shared>>)
      } else {
      }
      %lt3A_186 = arith.constant 80 : i32
      %lt3A_187 = arith.cmpi slt, %add3A_178, %lt3A_186 : i32
      %convert_element_type3A_188 = arith.extui %lt3A_187 : i1 to i32
      %cond3A_189 = arith.constant 0 : i32
      %cond3A_190 = arith.cmpi ne, %convert_element_type3A_188, %cond3A_189 : i32
      scf.if %cond3A_190 {
        %dma_start3A_331 = arith.constant 0 : i32
        %dma_start3A_332 = tpu.memref_slice %arg7[%add3A_178, %dma_start3A_331] : memref<80x128xi32, #tpu.memory_space<vmem>> -> memref<1x128xi32, #tpu.memory_space<vmem>>
        %dma_start3A_333 = tpu.memref_squeeze %dma_start3A_332 : memref<1x128xi32, #tpu.memory_space<vmem>> -> memref<128xi32, #tpu.memory_space<vmem>>
        %dma_start3A_334 = arith.constant 0 : i32
        %dma_start3A_335 = arith.constant 0 : i32
        %dma_start3A_336 = tpu.memref_slice %arg2[%dma_start3A_334, %dma_start3A_335] : memref<10000x32xf32, #tpu.memory_space<hbm>> -> memref<10000x32xf32, #tpu.memory_space<hbm>>
        tpu.enqueue_indirect_dma source(%dma_start3A_336 : memref<10000x32xf32, #tpu.memory_space<hbm>>) target(%arg15 : memref<128x32xf32, #tpu.memory_space<vmem>>) offsets(%dma_start3A_333 : memref<128xi32, #tpu.memory_space<vmem>>) semaphore(%arg23 : memref<!tpu.dma_semaphore, #tpu.memory_space<semaphore_mem>>)
      } else {
      }
      %add3A_191 = arith.constant 3 : i32
      %add3A_192 = arith.addi %mul3A_111, %add3A_191 : i32
      %dma_wait3A_193 = arith.constant 0 : i32
      %dma_wait3A_194 = tpu.memref_slice %arg7[%add3A_192, %dma_wait3A_193] : memref<80x128xi32, #tpu.memory_space<vmem>> -> memref<1x128xi32, #tpu.memory_space<vmem>>
      %dma_wait3A_195 = tpu.memref_squeeze %dma_wait3A_194 : memref<1x128xi32, #tpu.memory_space<vmem>> -> memref<128xi32, #tpu.memory_space<vmem>>
      %dma_wait3A_196 = arith.constant 0 : i32
      %dma_wait3A_197 = arith.constant 0 : i32
      %dma_wait3A_198 = tpu.memref_slice %arg2[%dma_wait3A_196, %dma_wait3A_197] : memref<10000x32xf32, #tpu.memory_space<hbm>> -> memref<10000x32xf32, #tpu.memory_space<hbm>>
      tpu.wait_indirect_dma semaphore(%arg20 : memref<!tpu.dma_semaphore, #tpu.memory_space<semaphore_mem>>) src(%dma_wait3A_198 : memref<10000x32xf32, #tpu.memory_space<hbm>>) dst(%arg12 : memref<128x32xf32, #tpu.memory_space<vmem>>)
      %dma_start3A_199 = arith.constant 0 : i32
      %dma_start3A_200 = tpu.memref_slice %arg8[%add3A_192, %dma_start3A_199] : memref<80x128xi32, #tpu.memory_space<vmem>> -> memref<1x128xi32, #tpu.memory_space<vmem>>
      %dma_start3A_201 = tpu.memref_squeeze %dma_start3A_200 : memref<1x128xi32, #tpu.memory_space<vmem>> -> memref<128xi32, #tpu.memory_space<vmem>>
      %dma_start3A_202 = arith.constant 0 : i32
      %dma_start3A_203 = arith.constant 0 : i32
      %dma_start3A_204 = tpu.memref_slice %arg33[%dma_start3A_202, %dma_start3A_203] : memref<10240x32xf32, #tpu.memory_space<vmem_shared>> -> memref<10240x32xf32, #tpu.memory_space<vmem_shared>>
      tpu.enqueue_indirect_dma source(%arg12 : memref<128x32xf32, #tpu.memory_space<vmem>>) target(%dma_start3A_204 : memref<10240x32xf32, #tpu.memory_space<vmem_shared>>) offsets(%dma_start3A_201 : memref<128xi32, #tpu.memory_space<vmem>>) semaphore(%arg28 : memref<!tpu.dma_semaphore, #tpu.memory_space<semaphore_mem>>) {add = true}
      %add3A_205 = arith.constant 4 : i32
      %add3A_206 = arith.addi %add3A_192, %add3A_205 : i32
      %sub3A_207 = arith.constant 8 : i32
      %sub3A_208 = arith.subi %add3A_206, %sub3A_207 : i32
      %ge3A_209 = arith.constant 0 : i32
      %ge3A_210 = arith.cmpi sge, %sub3A_208, %ge3A_209 : i32
      %convert_element_type3A_211 = arith.extui %ge3A_210 : i1 to i32
      %cond3A_212 = arith.constant 0 : i32
      %cond3A_213 = arith.cmpi ne, %convert_element_type3A_211, %cond3A_212 : i32
      scf.if %cond3A_213 {
        %sub3A_331 = arith.constant 8 : i32
        %sub3A_332 = arith.subi %add3A_206, %sub3A_331 : i32
        %dma_wait3A_333 = arith.constant 0 : i32
        %dma_wait3A_334 = tpu.memref_slice %arg8[%sub3A_332, %dma_wait3A_333] : memref<80x128xi32, #tpu.memory_space<vmem>> -> memref<1x128xi32, #tpu.memory_space<vmem>>
        %dma_wait3A_335 = tpu.memref_squeeze %dma_wait3A_334 : memref<1x128xi32, #tpu.memory_space<vmem>> -> memref<128xi32, #tpu.memory_space<vmem>>
        %dma_wait3A_336 = arith.constant 0 : i32
        %dma_wait3A_337 = arith.constant 0 : i32
        %dma_wait3A_338 = tpu.memref_slice %arg33[%dma_wait3A_336, %dma_wait3A_337] : memref<10240x32xf32, #tpu.memory_space<vmem_shared>> -> memref<10240x32xf32, #tpu.memory_space<vmem_shared>>
        tpu.wait_indirect_dma semaphore(%arg32 : memref<!tpu.dma_semaphore, #tpu.memory_space<semaphore_mem>>) src(%arg16 : memref<128x32xf32, #tpu.memory_space<vmem>>) dst(%dma_wait3A_338 : memref<10240x32xf32, #tpu.memory_space<vmem_shared>>)
      } else {
      }
      %lt3A_214 = arith.constant 80 : i32
      %lt3A_215 = arith.cmpi slt, %add3A_206, %lt3A_214 : i32
      %convert_element_type3A_216 = arith.extui %lt3A_215 : i1 to i32
      %cond3A_217 = arith.constant 0 : i32
      %cond3A_218 = arith.cmpi ne, %convert_element_type3A_216, %cond3A_217 : i32
      scf.if %cond3A_218 {
        %dma_start3A_331 = arith.constant 0 : i32
        %dma_start3A_332 = tpu.memref_slice %arg7[%add3A_206, %dma_start3A_331] : memref<80x128xi32, #tpu.memory_space<vmem>> -> memref<1x128xi32, #tpu.memory_space<vmem>>
        %dma_start3A_333 = tpu.memref_squeeze %dma_start3A_332 : memref<1x128xi32, #tpu.memory_space<vmem>> -> memref<128xi32, #tpu.memory_space<vmem>>
        %dma_start3A_334 = arith.constant 0 : i32
        %dma_start3A_335 = arith.constant 0 : i32
        %dma_start3A_336 = tpu.memref_slice %arg2[%dma_start3A_334, %dma_start3A_335] : memref<10000x32xf32, #tpu.memory_space<hbm>> -> memref<10000x32xf32, #tpu.memory_space<hbm>>
        tpu.enqueue_indirect_dma source(%dma_start3A_336 : memref<10000x32xf32, #tpu.memory_space<hbm>>) target(%arg16 : memref<128x32xf32, #tpu.memory_space<vmem>>) offsets(%dma_start3A_333 : memref<128xi32, #tpu.memory_space<vmem>>) semaphore(%arg24 : memref<!tpu.dma_semaphore, #tpu.memory_space<semaphore_mem>>)
      } else {
      }
      %add3A_219 = arith.constant 4 : i32
      %add3A_220 = arith.addi %mul3A_111, %add3A_219 : i32
      %dma_wait3A_221 = arith.constant 0 : i32
      %dma_wait3A_222 = tpu.memref_slice %arg7[%add3A_220, %dma_wait3A_221] : memref<80x128xi32, #tpu.memory_space<vmem>> -> memref<1x128xi32, #tpu.memory_space<vmem>>
      %dma_wait3A_223 = tpu.memref_squeeze %dma_wait3A_222 : memref<1x128xi32, #tpu.memory_space<vmem>> -> memref<128xi32, #tpu.memory_space<vmem>>
      %dma_wait3A_224 = arith.constant 0 : i32
      %dma_wait3A_225 = arith.constant 0 : i32
      %dma_wait3A_226 = tpu.memref_slice %arg2[%dma_wait3A_224, %dma_wait3A_225] : memref<10000x32xf32, #tpu.memory_space<hbm>> -> memref<10000x32xf32, #tpu.memory_space<hbm>>
      tpu.wait_indirect_dma semaphore(%arg21 : memref<!tpu.dma_semaphore, #tpu.memory_space<semaphore_mem>>) src(%dma_wait3A_226 : memref<10000x32xf32, #tpu.memory_space<hbm>>) dst(%arg13 : memref<128x32xf32, #tpu.memory_space<vmem>>)
      %dma_start3A_227 = arith.constant 0 : i32
      %dma_start3A_228 = tpu.memref_slice %arg8[%add3A_220, %dma_start3A_227] : memref<80x128xi32, #tpu.memory_space<vmem>> -> memref<1x128xi32, #tpu.memory_space<vmem>>
      %dma_start3A_229 = tpu.memref_squeeze %dma_start3A_228 : memref<1x128xi32, #tpu.memory_space<vmem>> -> memref<128xi32, #tpu.memory_space<vmem>>
      %dma_start3A_230 = arith.constant 0 : i32
      %dma_start3A_231 = arith.constant 0 : i32
      %dma_start3A_232 = tpu.memref_slice %arg33[%dma_start3A_230, %dma_start3A_231] : memref<10240x32xf32, #tpu.memory_space<vmem_shared>> -> memref<10240x32xf32, #tpu.memory_space<vmem_shared>>
      tpu.enqueue_indirect_dma source(%arg13 : memref<128x32xf32, #tpu.memory_space<vmem>>) target(%dma_start3A_232 : memref<10240x32xf32, #tpu.memory_space<vmem_shared>>) offsets(%dma_start3A_229 : memref<128xi32, #tpu.memory_space<vmem>>) semaphore(%arg29 : memref<!tpu.dma_semaphore, #tpu.memory_space<semaphore_mem>>) {add = true}
      %add3A_233 = arith.constant 4 : i32
      %add3A_234 = arith.addi %add3A_220, %add3A_233 : i32
      %sub3A_235 = arith.constant 8 : i32
      %sub3A_236 = arith.subi %add3A_234, %sub3A_235 : i32
      %ge3A_237 = arith.constant 0 : i32
      %ge3A_238 = arith.cmpi sge, %sub3A_236, %ge3A_237 : i32
      %convert_element_type3A_239 = arith.extui %ge3A_238 : i1 to i32
      %cond3A_240 = arith.constant 0 : i32
      %cond3A_241 = arith.cmpi ne, %convert_element_type3A_239, %cond3A_240 : i32
      scf.if %cond3A_241 {
        %sub3A_331 = arith.constant 8 : i32
        %sub3A_332 = arith.subi %add3A_234, %sub3A_331 : i32
        %dma_wait3A_333 = arith.constant 0 : i32
        %dma_wait3A_334 = tpu.memref_slice %arg8[%sub3A_332, %dma_wait3A_333] : memref<80x128xi32, #tpu.memory_space<vmem>> -> memref<1x128xi32, #tpu.memory_space<vmem>>
        %dma_wait3A_335 = tpu.memref_squeeze %dma_wait3A_334 : memref<1x128xi32, #tpu.memory_space<vmem>> -> memref<128xi32, #tpu.memory_space<vmem>>
        %dma_wait3A_336 = arith.constant 0 : i32
        %dma_wait3A_337 = arith.constant 0 : i32
        %dma_wait3A_338 = tpu.memref_slice %arg33[%dma_wait3A_336, %dma_wait3A_337] : memref<10240x32xf32, #tpu.memory_space<vmem_shared>> -> memref<10240x32xf32, #tpu.memory_space<vmem_shared>>
        tpu.wait_indirect_dma semaphore(%arg25 : memref<!tpu.dma_semaphore, #tpu.memory_space<semaphore_mem>>) src(%arg9 : memref<128x32xf32, #tpu.memory_space<vmem>>) dst(%dma_wait3A_338 : memref<10240x32xf32, #tpu.memory_space<vmem_shared>>)
      } else {
      }
      %lt3A_242 = arith.constant 80 : i32
      %lt3A_243 = arith.cmpi slt, %add3A_234, %lt3A_242 : i32
      %convert_element_type3A_244 = arith.extui %lt3A_243 : i1 to i32
      %cond3A_245 = arith.constant 0 : i32
      %cond3A_246 = arith.cmpi ne, %convert_element_type3A_244, %cond3A_245 : i32
      scf.if %cond3A_246 {
        %dma_start3A_331 = arith.constant 0 : i32
        %dma_start3A_332 = tpu.memref_slice %arg7[%add3A_234, %dma_start3A_331] : memref<80x128xi32, #tpu.memory_space<vmem>> -> memref<1x128xi32, #tpu.memory_space<vmem>>
        %dma_start3A_333 = tpu.memref_squeeze %dma_start3A_332 : memref<1x128xi32, #tpu.memory_space<vmem>> -> memref<128xi32, #tpu.memory_space<vmem>>
        %dma_start3A_334 = arith.constant 0 : i32
        %dma_start3A_335 = arith.constant 0 : i32
        %dma_start3A_336 = tpu.memref_slice %arg2[%dma_start3A_334, %dma_start3A_335] : memref<10000x32xf32, #tpu.memory_space<hbm>> -> memref<10000x32xf32, #tpu.memory_space<hbm>>
        tpu.enqueue_indirect_dma source(%dma_start3A_336 : memref<10000x32xf32, #tpu.memory_space<hbm>>) target(%arg9 : memref<128x32xf32, #tpu.memory_space<vmem>>) offsets(%dma_start3A_333 : memref<128xi32, #tpu.memory_space<vmem>>) semaphore(%arg17 : memref<!tpu.dma_semaphore, #tpu.memory_space<semaphore_mem>>)
      } else {
      }
      %add3A_247 = arith.constant 5 : i32
      %add3A_248 = arith.addi %mul3A_111, %add3A_247 : i32
      %dma_wait3A_249 = arith.constant 0 : i32
      %dma_wait3A_250 = tpu.memref_slice %arg7[%add3A_248, %dma_wait3A_249] : memref<80x128xi32, #tpu.memory_space<vmem>> -> memref<1x128xi32, #tpu.memory_space<vmem>>
      %dma_wait3A_251 = tpu.memref_squeeze %dma_wait3A_250 : memref<1x128xi32, #tpu.memory_space<vmem>> -> memref<128xi32, #tpu.memory_space<vmem>>
      %dma_wait3A_252 = arith.constant 0 : i32
      %dma_wait3A_253 = arith.constant 0 : i32
      %dma_wait3A_254 = tpu.memref_slice %arg2[%dma_wait3A_252, %dma_wait3A_253] : memref<10000x32xf32, #tpu.memory_space<hbm>> -> memref<10000x32xf32, #tpu.memory_space<hbm>>
      tpu.wait_indirect_dma semaphore(%arg22 : memref<!tpu.dma_semaphore, #tpu.memory_space<semaphore_mem>>) src(%dma_wait3A_254 : memref<10000x32xf32, #tpu.memory_space<hbm>>) dst(%arg14 : memref<128x32xf32, #tpu.memory_space<vmem>>)
      %dma_start3A_255 = arith.constant 0 : i32
      %dma_start3A_256 = tpu.memref_slice %arg8[%add3A_248, %dma_start3A_255] : memref<80x128xi32, #tpu.memory_space<vmem>> -> memref<1x128xi32, #tpu.memory_space<vmem>>
      %dma_start3A_257 = tpu.memref_squeeze %dma_start3A_256 : memref<1x128xi32, #tpu.memory_space<vmem>> -> memref<128xi32, #tpu.memory_space<vmem>>
      %dma_start3A_258 = arith.constant 0 : i32
      %dma_start3A_259 = arith.constant 0 : i32
      %dma_start3A_260 = tpu.memref_slice %arg33[%dma_start3A_258, %dma_start3A_259] : memref<10240x32xf32, #tpu.memory_space<vmem_shared>> -> memref<10240x32xf32, #tpu.memory_space<vmem_shared>>
      tpu.enqueue_indirect_dma source(%arg14 : memref<128x32xf32, #tpu.memory_space<vmem>>) target(%dma_start3A_260 : memref<10240x32xf32, #tpu.memory_space<vmem_shared>>) offsets(%dma_start3A_257 : memref<128xi32, #tpu.memory_space<vmem>>) semaphore(%arg30 : memref<!tpu.dma_semaphore, #tpu.memory_space<semaphore_mem>>) {add = true}
      %add3A_261 = arith.constant 4 : i32
      %add3A_262 = arith.addi %add3A_248, %add3A_261 : i32
      %sub3A_263 = arith.constant 8 : i32
      %sub3A_264 = arith.subi %add3A_262, %sub3A_263 : i32
      %ge3A_265 = arith.constant 0 : i32
      %ge3A_266 = arith.cmpi sge, %sub3A_264, %ge3A_265 : i32
      %convert_element_type3A_267 = arith.extui %ge3A_266 : i1 to i32
      %cond3A_268 = arith.constant 0 : i32
      %cond3A_269 = arith.cmpi ne, %convert_element_type3A_267, %cond3A_268 : i32
      scf.if %cond3A_269 {
        %sub3A_331 = arith.constant 8 : i32
        %sub3A_332 = arith.subi %add3A_262, %sub3A_331 : i32
        %dma_wait3A_333 = arith.constant 0 : i32
        %dma_wait3A_334 = tpu.memref_slice %arg8[%sub3A_332, %dma_wait3A_333] : memref<80x128xi32, #tpu.memory_space<vmem>> -> memref<1x128xi32, #tpu.memory_space<vmem>>
        %dma_wait3A_335 = tpu.memref_squeeze %dma_wait3A_334 : memref<1x128xi32, #tpu.memory_space<vmem>> -> memref<128xi32, #tpu.memory_space<vmem>>
        %dma_wait3A_336 = arith.constant 0 : i32
        %dma_wait3A_337 = arith.constant 0 : i32
        %dma_wait3A_338 = tpu.memref_slice %arg33[%dma_wait3A_336, %dma_wait3A_337] : memref<10240x32xf32, #tpu.memory_space<vmem_shared>> -> memref<10240x32xf32, #tpu.memory_space<vmem_shared>>
        tpu.wait_indirect_dma semaphore(%arg26 : memref<!tpu.dma_semaphore, #tpu.memory_space<semaphore_mem>>) src(%arg10 : memref<128x32xf32, #tpu.memory_space<vmem>>) dst(%dma_wait3A_338 : memref<10240x32xf32, #tpu.memory_space<vmem_shared>>)
      } else {
      }
      %lt3A_270 = arith.constant 80 : i32
      %lt3A_271 = arith.cmpi slt, %add3A_262, %lt3A_270 : i32
      %convert_element_type3A_272 = arith.extui %lt3A_271 : i1 to i32
      %cond3A_273 = arith.constant 0 : i32
      %cond3A_274 = arith.cmpi ne, %convert_element_type3A_272, %cond3A_273 : i32
      scf.if %cond3A_274 {
        %dma_start3A_331 = arith.constant 0 : i32
        %dma_start3A_332 = tpu.memref_slice %arg7[%add3A_262, %dma_start3A_331] : memref<80x128xi32, #tpu.memory_space<vmem>> -> memref<1x128xi32, #tpu.memory_space<vmem>>
        %dma_start3A_333 = tpu.memref_squeeze %dma_start3A_332 : memref<1x128xi32, #tpu.memory_space<vmem>> -> memref<128xi32, #tpu.memory_space<vmem>>
        %dma_start3A_334 = arith.constant 0 : i32
        %dma_start3A_335 = arith.constant 0 : i32
        %dma_start3A_336 = tpu.memref_slice %arg2[%dma_start3A_334, %dma_start3A_335] : memref<10000x32xf32, #tpu.memory_space<hbm>> -> memref<10000x32xf32, #tpu.memory_space<hbm>>
        tpu.enqueue_indirect_dma source(%dma_start3A_336 : memref<10000x32xf32, #tpu.memory_space<hbm>>) target(%arg10 : memref<128x32xf32, #tpu.memory_space<vmem>>) offsets(%dma_start3A_333 : memref<128xi32, #tpu.memory_space<vmem>>) semaphore(%arg18 : memref<!tpu.dma_semaphore, #tpu.memory_space<semaphore_mem>>)
      } else {
      }
      %add3A_275 = arith.constant 6 : i32
      %add3A_276 = arith.addi %mul3A_111, %add3A_275 : i32
      %dma_wait3A_277 = arith.constant 0 : i32
      %dma_wait3A_278 = tpu.memref_slice %arg7[%add3A_276, %dma_wait3A_277] : memref<80x128xi32, #tpu.memory_space<vmem>> -> memref<1x128xi32, #tpu.memory_space<vmem>>
      %dma_wait3A_279 = tpu.memref_squeeze %dma_wait3A_278 : memref<1x128xi32, #tpu.memory_space<vmem>> -> memref<128xi32, #tpu.memory_space<vmem>>
      %dma_wait3A_280 = arith.constant 0 : i32
      %dma_wait3A_281 = arith.constant 0 : i32
      %dma_wait3A_282 = tpu.memref_slice %arg2[%dma_wait3A_280, %dma_wait3A_281] : memref<10000x32xf32, #tpu.memory_space<hbm>> -> memref<10000x32xf32, #tpu.memory_space<hbm>>
      tpu.wait_indirect_dma semaphore(%arg23 : memref<!tpu.dma_semaphore, #tpu.memory_space<semaphore_mem>>) src(%dma_wait3A_282 : memref<10000x32xf32, #tpu.memory_space<hbm>>) dst(%arg15 : memref<128x32xf32, #tpu.memory_space<vmem>>)
      %dma_start3A_283 = arith.constant 0 : i32
      %dma_start3A_284 = tpu.memref_slice %arg8[%add3A_276, %dma_start3A_283] : memref<80x128xi32, #tpu.memory_space<vmem>> -> memref<1x128xi32, #tpu.memory_space<vmem>>
      %dma_start3A_285 = tpu.memref_squeeze %dma_start3A_284 : memref<1x128xi32, #tpu.memory_space<vmem>> -> memref<128xi32, #tpu.memory_space<vmem>>
      %dma_start3A_286 = arith.constant 0 : i32
      %dma_start3A_287 = arith.constant 0 : i32
      %dma_start3A_288 = tpu.memref_slice %arg33[%dma_start3A_286, %dma_start3A_287] : memref<10240x32xf32, #tpu.memory_space<vmem_shared>> -> memref<10240x32xf32, #tpu.memory_space<vmem_shared>>
      tpu.enqueue_indirect_dma source(%arg15 : memref<128x32xf32, #tpu.memory_space<vmem>>) target(%dma_start3A_288 : memref<10240x32xf32, #tpu.memory_space<vmem_shared>>) offsets(%dma_start3A_285 : memref<128xi32, #tpu.memory_space<vmem>>) semaphore(%arg31 : memref<!tpu.dma_semaphore, #tpu.memory_space<semaphore_mem>>) {add = true}
      %add3A_289 = arith.constant 4 : i32
      %add3A_290 = arith.addi %add3A_276, %add3A_289 : i32
      %sub3A_291 = arith.constant 8 : i32
      %sub3A_292 = arith.subi %add3A_290, %sub3A_291 : i32
      %ge3A_293 = arith.constant 0 : i32
      %ge3A_294 = arith.cmpi sge, %sub3A_292, %ge3A_293 : i32
      %convert_element_type3A_295 = arith.extui %ge3A_294 : i1 to i32
      %cond3A_296 = arith.constant 0 : i32
      %cond3A_297 = arith.cmpi ne, %convert_element_type3A_295, %cond3A_296 : i32
      scf.if %cond3A_297 {
        %sub3A_331 = arith.constant 8 : i32
        %sub3A_332 = arith.subi %add3A_290, %sub3A_331 : i32
        %dma_wait3A_333 = arith.constant 0 : i32
        %dma_wait3A_334 = tpu.memref_slice %arg8[%sub3A_332, %dma_wait3A_333] : memref<80x128xi32, #tpu.memory_space<vmem>> -> memref<1x128xi32, #tpu.memory_space<vmem>>
        %dma_wait3A_335 = tpu.memref_squeeze %dma_wait3A_334 : memref<1x128xi32, #tpu.memory_space<vmem>> -> memref<128xi32, #tpu.memory_space<vmem>>
        %dma_wait3A_336 = arith.constant 0 : i32
        %dma_wait3A_337 = arith.constant 0 : i32
        %dma_wait3A_338 = tpu.memref_slice %arg33[%dma_wait3A_336, %dma_wait3A_337] : memref<10240x32xf32, #tpu.memory_space<vmem_shared>> -> memref<10240x32xf32, #tpu.memory_space<vmem_shared>>
        tpu.wait_indirect_dma semaphore(%arg27 : memref<!tpu.dma_semaphore, #tpu.memory_space<semaphore_mem>>) src(%arg11 : memref<128x32xf32, #tpu.memory_space<vmem>>) dst(%dma_wait3A_338 : memref<10240x32xf32, #tpu.memory_space<vmem_shared>>)
      } else {
      }
      %lt3A_298 = arith.constant 80 : i32
      %lt3A_299 = arith.cmpi slt, %add3A_290, %lt3A_298 : i32
      %convert_element_type3A_300 = arith.extui %lt3A_299 : i1 to i32
      %cond3A_301 = arith.constant 0 : i32
      %cond3A_302 = arith.cmpi ne, %convert_element_type3A_300, %cond3A_301 : i32
      scf.if %cond3A_302 {
        %dma_start3A_331 = arith.constant 0 : i32
        %dma_start3A_332 = tpu.memref_slice %arg7[%add3A_290, %dma_start3A_331] : memref<80x128xi32, #tpu.memory_space<vmem>> -> memref<1x128xi32, #tpu.memory_space<vmem>>
        %dma_start3A_333 = tpu.memref_squeeze %dma_start3A_332 : memref<1x128xi32, #tpu.memory_space<vmem>> -> memref<128xi32, #tpu.memory_space<vmem>>
        %dma_start3A_334 = arith.constant 0 : i32
        %dma_start3A_335 = arith.constant 0 : i32
        %dma_start3A_336 = tpu.memref_slice %arg2[%dma_start3A_334, %dma_start3A_335] : memref<10000x32xf32, #tpu.memory_space<hbm>> -> memref<10000x32xf32, #tpu.memory_space<hbm>>
        tpu.enqueue_indirect_dma source(%dma_start3A_336 : memref<10000x32xf32, #tpu.memory_space<hbm>>) target(%arg11 : memref<128x32xf32, #tpu.memory_space<vmem>>) offsets(%dma_start3A_333 : memref<128xi32, #tpu.memory_space<vmem>>) semaphore(%arg19 : memref<!tpu.dma_semaphore, #tpu.memory_space<semaphore_mem>>)
      } else {
      }
      %add3A_303 = arith.constant 7 : i32
      %add3A_304 = arith.addi %mul3A_111, %add3A_303 : i32
      %dma_wait3A_305 = arith.constant 0 : i32
      %dma_wait3A_306 = tpu.memref_slice %arg7[%add3A_304, %dma_wait3A_305] : memref<80x128xi32, #tpu.memory_space<vmem>> -> memref<1x128xi32, #tpu.memory_space<vmem>>
      %dma_wait3A_307 = tpu.memref_squeeze %dma_wait3A_306 : memref<1x128xi32, #tpu.memory_space<vmem>> -> memref<128xi32, #tpu.memory_space<vmem>>
      %dma_wait3A_308 = arith.constant 0 : i32
      %dma_wait3A_309 = arith.constant 0 : i32
      %dma_wait3A_310 = tpu.memref_slice %arg2[%dma_wait3A_308, %dma_wait3A_309] : memref<10000x32xf32, #tpu.memory_space<hbm>> -> memref<10000x32xf32, #tpu.memory_space<hbm>>
      tpu.wait_indirect_dma semaphore(%arg24 : memref<!tpu.dma_semaphore, #tpu.memory_space<semaphore_mem>>) src(%dma_wait3A_310 : memref<10000x32xf32, #tpu.memory_space<hbm>>) dst(%arg16 : memref<128x32xf32, #tpu.memory_space<vmem>>)
      %dma_start3A_311 = arith.constant 0 : i32
      %dma_start3A_312 = tpu.memref_slice %arg8[%add3A_304, %dma_start3A_311] : memref<80x128xi32, #tpu.memory_space<vmem>> -> memref<1x128xi32, #tpu.memory_space<vmem>>
      %dma_start3A_313 = tpu.memref_squeeze %dma_start3A_312 : memref<1x128xi32, #tpu.memory_space<vmem>> -> memref<128xi32, #tpu.memory_space<vmem>>
      %dma_start3A_314 = arith.constant 0 : i32
      %dma_start3A_315 = arith.constant 0 : i32
      %dma_start3A_316 = tpu.memref_slice %arg33[%dma_start3A_314, %dma_start3A_315] : memref<10240x32xf32, #tpu.memory_space<vmem_shared>> -> memref<10240x32xf32, #tpu.memory_space<vmem_shared>>
      tpu.enqueue_indirect_dma source(%arg16 : memref<128x32xf32, #tpu.memory_space<vmem>>) target(%dma_start3A_316 : memref<10240x32xf32, #tpu.memory_space<vmem_shared>>) offsets(%dma_start3A_313 : memref<128xi32, #tpu.memory_space<vmem>>) semaphore(%arg32 : memref<!tpu.dma_semaphore, #tpu.memory_space<semaphore_mem>>) {add = true}
      %add3A_317 = arith.constant 4 : i32
      %add3A_318 = arith.addi %add3A_304, %add3A_317 : i32
      %sub3A_319 = arith.constant 8 : i32
      %sub3A_320 = arith.subi %add3A_318, %sub3A_319 : i32
      %ge3A_321 = arith.constant 0 : i32
      %ge3A_322 = arith.cmpi sge, %sub3A_320, %ge3A_321 : i32
      %convert_element_type3A_323 = arith.extui %ge3A_322 : i1 to i32
      %cond3A_324 = arith.constant 0 : i32
      %cond3A_325 = arith.cmpi ne, %convert_element_type3A_323, %cond3A_324 : i32
      scf.if %cond3A_325 {
        %sub3A_331 = arith.constant 8 : i32
        %sub3A_332 = arith.subi %add3A_318, %sub3A_331 : i32
        %dma_wait3A_333 = arith.constant 0 : i32
        %dma_wait3A_334 = tpu.memref_slice %arg8[%sub3A_332, %dma_wait3A_333] : memref<80x128xi32, #tpu.memory_space<vmem>> -> memref<1x128xi32, #tpu.memory_space<vmem>>
        %dma_wait3A_335 = tpu.memref_squeeze %dma_wait3A_334 : memref<1x128xi32, #tpu.memory_space<vmem>> -> memref<128xi32, #tpu.memory_space<vmem>>
        %dma_wait3A_336 = arith.constant 0 : i32
        %dma_wait3A_337 = arith.constant 0 : i32
        %dma_wait3A_338 = tpu.memref_slice %arg33[%dma_wait3A_336, %dma_wait3A_337] : memref<10240x32xf32, #tpu.memory_space<vmem_shared>> -> memref<10240x32xf32, #tpu.memory_space<vmem_shared>>
        tpu.wait_indirect_dma semaphore(%arg28 : memref<!tpu.dma_semaphore, #tpu.memory_space<semaphore_mem>>) src(%arg12 : memref<128x32xf32, #tpu.memory_space<vmem>>) dst(%dma_wait3A_338 : memref<10240x32xf32, #tpu.memory_space<vmem_shared>>)
      } else {
      }
      %lt3A_326 = arith.constant 80 : i32
      %lt3A_327 = arith.cmpi slt, %add3A_318, %lt3A_326 : i32
      %convert_element_type3A_328 = arith.extui %lt3A_327 : i1 to i32
      %cond3A_329 = arith.constant 0 : i32
      %cond3A_330 = arith.cmpi ne, %convert_element_type3A_328, %cond3A_329 : i32
      scf.if %cond3A_330 {
        %dma_start3A_331 = arith.constant 0 : i32
        %dma_start3A_332 = tpu.memref_slice %arg7[%add3A_318, %dma_start3A_331] : memref<80x128xi32, #tpu.memory_space<vmem>> -> memref<1x128xi32, #tpu.memory_space<vmem>>
        %dma_start3A_333 = tpu.memref_squeeze %dma_start3A_332 : memref<1x128xi32, #tpu.memory_space<vmem>> -> memref<128xi32, #tpu.memory_space<vmem>>
        %dma_start3A_334 = arith.constant 0 : i32
        %dma_start3A_335 = arith.constant 0 : i32
        %dma_start3A_336 = tpu.memref_slice %arg2[%dma_start3A_334, %dma_start3A_335] : memref<10000x32xf32, #tpu.memory_space<hbm>> -> memref<10000x32xf32, #tpu.memory_space<hbm>>
        tpu.enqueue_indirect_dma source(%dma_start3A_336 : memref<10000x32xf32, #tpu.memory_space<hbm>>) target(%arg12 : memref<128x32xf32, #tpu.memory_space<vmem>>) offsets(%dma_start3A_333 : memref<128xi32, #tpu.memory_space<vmem>>) semaphore(%arg20 : memref<!tpu.dma_semaphore, #tpu.memory_space<semaphore_mem>>)
      } else {
      }
    }
    %scan3A_75 = arith.constant 10 : i32
    %dma_wait3A_76 = arith.constant 76 : i32
    %dma_wait3A_77 = arith.constant 0 : i32
    %dma_wait3A_78 = tpu.memref_slice %arg8[%dma_wait3A_76, %dma_wait3A_77] : memref<80x128xi32, #tpu.memory_space<vmem>> -> memref<1x128xi32, #tpu.memory_space<vmem>>
    %dma_wait3A_79 = tpu.memref_squeeze %dma_wait3A_78 : memref<1x128xi32, #tpu.memory_space<vmem>> -> memref<128xi32, #tpu.memory_space<vmem>>
    %dma_wait3A_80 = arith.constant 0 : i32
    %dma_wait3A_81 = arith.constant 0 : i32
    %dma_wait3A_82 = tpu.memref_slice %arg33[%dma_wait3A_80, %dma_wait3A_81] : memref<10240x32xf32, #tpu.memory_space<vmem_shared>> -> memref<10240x32xf32, #tpu.memory_space<vmem_shared>>
    tpu.wait_indirect_dma semaphore(%arg29 : memref<!tpu.dma_semaphore, #tpu.memory_space<semaphore_mem>>) src(%arg13 : memref<128x32xf32, #tpu.memory_space<vmem>>) dst(%dma_wait3A_82 : memref<10240x32xf32, #tpu.memory_space<vmem_shared>>)
    %dma_wait3A_83 = arith.constant 77 : i32
    %dma_wait3A_84 = arith.constant 0 : i32
    %dma_wait3A_85 = tpu.memref_slice %arg8[%dma_wait3A_83, %dma_wait3A_84] : memref<80x128xi32, #tpu.memory_space<vmem>> -> memref<1x128xi32, #tpu.memory_space<vmem>>
    %dma_wait3A_86 = tpu.memref_squeeze %dma_wait3A_85 : memref<1x128xi32, #tpu.memory_space<vmem>> -> memref<128xi32, #tpu.memory_space<vmem>>
    %dma_wait3A_87 = arith.constant 0 : i32
    %dma_wait3A_88 = arith.constant 0 : i32
    %dma_wait3A_89 = tpu.memref_slice %arg33[%dma_wait3A_87, %dma_wait3A_88] : memref<10240x32xf32, #tpu.memory_space<vmem_shared>> -> memref<10240x32xf32, #tpu.memory_space<vmem_shared>>
    tpu.wait_indirect_dma semaphore(%arg30 : memref<!tpu.dma_semaphore, #tpu.memory_space<semaphore_mem>>) src(%arg14 : memref<128x32xf32, #tpu.memory_space<vmem>>) dst(%dma_wait3A_89 : memref<10240x32xf32, #tpu.memory_space<vmem_shared>>)
    %dma_wait3A_90 = arith.constant 78 : i32
    %dma_wait3A_91 = arith.constant 0 : i32
    %dma_wait3A_92 = tpu.memref_slice %arg8[%dma_wait3A_90, %dma_wait3A_91] : memref<80x128xi32, #tpu.memory_space<vmem>> -> memref<1x128xi32, #tpu.memory_space<vmem>>
    %dma_wait3A_93 = tpu.memref_squeeze %dma_wait3A_92 : memref<1x128xi32, #tpu.memory_space<vmem>> -> memref<128xi32, #tpu.memory_space<vmem>>
    %dma_wait3A_94 = arith.constant 0 : i32
    %dma_wait3A_95 = arith.constant 0 : i32
    %dma_wait3A_96 = tpu.memref_slice %arg33[%dma_wait3A_94, %dma_wait3A_95] : memref<10240x32xf32, #tpu.memory_space<vmem_shared>> -> memref<10240x32xf32, #tpu.memory_space<vmem_shared>>
    tpu.wait_indirect_dma semaphore(%arg31 : memref<!tpu.dma_semaphore, #tpu.memory_space<semaphore_mem>>) src(%arg15 : memref<128x32xf32, #tpu.memory_space<vmem>>) dst(%dma_wait3A_96 : memref<10240x32xf32, #tpu.memory_space<vmem_shared>>)
    %dma_wait3A_97 = arith.constant 79 : i32
    %dma_wait3A_98 = arith.constant 0 : i32
    %dma_wait3A_99 = tpu.memref_slice %arg8[%dma_wait3A_97, %dma_wait3A_98] : memref<80x128xi32, #tpu.memory_space<vmem>> -> memref<1x128xi32, #tpu.memory_space<vmem>>
    %dma_wait3A_100 = tpu.memref_squeeze %dma_wait3A_99 : memref<1x128xi32, #tpu.memory_space<vmem>> -> memref<128xi32, #tpu.memory_space<vmem>>
    %dma_wait3A_101 = arith.constant 0 : i32
    %dma_wait3A_102 = arith.constant 0 : i32
    %dma_wait3A_103 = tpu.memref_slice %arg33[%dma_wait3A_101, %dma_wait3A_102] : memref<10240x32xf32, #tpu.memory_space<vmem_shared>> -> memref<10240x32xf32, #tpu.memory_space<vmem_shared>>
    tpu.wait_indirect_dma semaphore(%arg32 : memref<!tpu.dma_semaphore, #tpu.memory_space<semaphore_mem>>) src(%arg16 : memref<128x32xf32, #tpu.memory_space<vmem>>) dst(%dma_wait3A_103 : memref<10240x32xf32, #tpu.memory_space<vmem_shared>>)
    %barrier3A_104 = arith.constant 0 : index
    tpu.barrier barrier_id(%barrier3A_104)
    %mul3A_105 = arith.constant 640 : i32
    %mul3A_106 = arith.muli %arg1, %mul3A_105 : i32
    %mul3A_107 = arith.constant 640 : i32
    %mul3A_108 = arith.muli %arg1, %mul3A_107 : i32
    "tpu.region"() ({
      %run_scoped3A = tpu.sem_alloc : memref<!tpu.dma_semaphore, #tpu.memory_space<semaphore_mem>>
      %dma_start3A_109 = arith.constant 0 : i32
      %dma_start3A_110 = tpu.memref_slice %arg6[%arg0, %mul3A_108, %dma_start3A_109] : memref<2x10240x32xf32, #tpu.memory_space<hbm>> -> memref<1x640x32xf32, #tpu.memory_space<hbm>>
      %dma_start3A_111 = tpu.memref_squeeze %dma_start3A_110 : memref<1x640x32xf32, #tpu.memory_space<hbm>> -> memref<640x32xf32, #tpu.memory_space<hbm>>
      %dma_start3A_112 = arith.constant 0 : i32
      %dma_start3A_113 = tpu.memref_slice %arg33[%mul3A_106, %dma_start3A_112] : memref<10240x32xf32, #tpu.memory_space<vmem_shared>> -> memref<640x32xf32, #tpu.memory_space<vmem_shared>>
      tpu.enqueue_dma source(%dma_start3A_113 : memref<640x32xf32, #tpu.memory_space<vmem_shared>>) target(%dma_start3A_111 : memref<640x32xf32, #tpu.memory_space<hbm>>) target_semaphore(%run_scoped3A : memref<!tpu.dma_semaphore, #tpu.memory_space<semaphore_mem>>)
      %dma_wait3A_114 = arith.constant 0 : i32
      %dma_wait3A_115 = tpu.memref_slice %arg6[%arg0, %mul3A_108, %dma_wait3A_114] : memref<2x10240x32xf32, #tpu.memory_space<hbm>> -> memref<1x640x32xf32, #tpu.memory_space<hbm>>
      %dma_wait3A_116 = tpu.memref_squeeze %dma_wait3A_115 : memref<1x640x32xf32, #tpu.memory_space<hbm>> -> memref<640x32xf32, #tpu.memory_space<hbm>>
      %dma_wait3A_117 = arith.constant 0 : i32
      %dma_wait3A_118 = tpu.memref_slice %arg33[%mul3A_106, %dma_wait3A_117] : memref<10240x32xf32, #tpu.memory_space<vmem_shared>> -> memref<640x32xf32, #tpu.memory_space<vmem_shared>>
      tpu.wait_dma2 semaphore(%run_scoped3A : memref<!tpu.dma_semaphore, #tpu.memory_space<semaphore_mem>>) src(%dma_wait3A_118 : memref<640x32xf32, #tpu.memory_space<vmem_shared>>) dst(%dma_wait3A_116 : memref<640x32xf32, #tpu.memory_space<hbm>>)
      tpu.yield
    }) : () -> ()
    return
  }
}

#map = affine_map<(d0, d1) -> (0, 0)>
#map1 = affine_map<(d0, d1) -> (0, 0, 0)>
module attributes {stable_mosaic.version = 14 : i64} {
  func.func @seg(%arg0: i32, %arg1: i32, %arg2: memref<10000x32xf32, #tpu.memory_space<hbm>>, %arg3: memref<32x80x128xi32, #tpu.memory_space<hbm>>, %arg4: memref<32x80x128xi32, #tpu.memory_space<hbm>>, %arg5: memref<10240x32xf32, #tpu.memory_space<hbm>>, %arg6: memref<2x10240x32xf32, #tpu.memory_space<hbm>>, %arg7: memref<80x128xi32, #tpu.memory_space<vmem>>, %arg8: memref<80x128xi32, #tpu.memory_space<vmem>>, %arg9: memref<128x32xf32, #tpu.memory_space<vmem>>, %arg10: memref<128x32xf32, #tpu.memory_space<vmem>>, %arg11: memref<128x32xf32, #tpu.memory_space<vmem>>, %arg12: memref<128x32xf32, #tpu.memory_space<vmem>>, %arg13: memref<128x32xf32, #tpu.memory_space<vmem>>, %arg14: memref<128x32xf32, #tpu.memory_space<vmem>>, %arg15: memref<128x32xf32, #tpu.memory_space<vmem>>, %arg16: memref<128x32xf32, #tpu.memory_space<vmem>>, %arg17: memref<!tpu.dma_semaphore, #tpu.memory_space<semaphore_mem>>, %arg18: memref<!tpu.dma_semaphore, #tpu.memory_space<semaphore_mem>>, %arg19: memref<!tpu.dma_semaphore, #tpu.memory_space<semaphore_mem>>, %arg20: memref<!tpu.dma_semaphore, #tpu.memory_space<semaphore_mem>>, %arg21: memref<!tpu.dma_semaphore, #tpu.memory_space<semaphore_mem>>, %arg22: memref<!tpu.dma_semaphore, #tpu.memory_space<semaphore_mem>>, %arg23: memref<!tpu.dma_semaphore, #tpu.memory_space<semaphore_mem>>, %arg24: memref<!tpu.dma_semaphore, #tpu.memory_space<semaphore_mem>>, %arg25: memref<!tpu.dma_semaphore, #tpu.memory_space<semaphore_mem>>, %arg26: memref<!tpu.dma_semaphore, #tpu.memory_space<semaphore_mem>>, %arg27: memref<!tpu.dma_semaphore, #tpu.memory_space<semaphore_mem>>, %arg28: memref<!tpu.dma_semaphore, #tpu.memory_space<semaphore_mem>>, %arg29: memref<!tpu.dma_semaphore, #tpu.memory_space<semaphore_mem>>, %arg30: memref<!tpu.dma_semaphore, #tpu.memory_space<semaphore_mem>>, %arg31: memref<!tpu.dma_semaphore, #tpu.memory_space<semaphore_mem>>, %arg32: memref<!tpu.dma_semaphore, #tpu.memory_space<semaphore_mem>>, %arg33: memref<10240x32xf32, #tpu.memory_space<vmem_shared>>, %arg34: memref<!tpu.dma_semaphore, #tpu.memory_space<semaphore_mem>>, %arg35: memref<!tpu.dma_semaphore, #tpu.memory_space<semaphore_mem>>, %arg36: memref<!tpu.dma_semaphore, #tpu.memory_space<semaphore_mem>>) attributes {dimension_semantics = [#tpu.dimension_semantics<core_parallel>, #tpu.dimension_semantics<subcore_parallel>], iteration_bounds = array<i64: 2, 16>, scalar_prefetch = 0 : i64, scratch_operands = 30 : i64, tpu.core_type = #tpu.core_type<sc_vector_subcore>, window_params = [{transform_indices = #map}, {transform_indices = #map1}, {transform_indices = #map1}, {transform_indices = #map}, {transform_indices = #map1}]} {
    %mul3A = arith.constant 16 : i32
    %mul3A_0 = arith.muli %arg0, %mul3A : i32
    %add3A = arith.addi %mul3A_0, %arg1 : i32
    %mul3A_1 = arith.constant 640 : i32
    %mul3A_2 = arith.muli %arg1, %mul3A_1 : i32
    %mul3A_3 = arith.constant 640 : i32
    %mul3A_4 = arith.muli %arg1, %mul3A_3 : i32
    %dma_start3A = arith.constant 0 : i32
    %dma_start3A_5 = tpu.memref_slice %arg33[%mul3A_4, %dma_start3A] : memref<10240x32xf32, #tpu.memory_space<vmem_shared>> -> memref<640x32xf32, #tpu.memory_space<vmem_shared>>
    %dma_start3A_6 = arith.constant 0 : i32
    %dma_start3A_7 = tpu.memref_slice %arg5[%mul3A_2, %dma_start3A_6] : memref<10240x32xf32, #tpu.memory_space<hbm>> -> memref<640x32xf32, #tpu.memory_space<hbm>>
    tpu.enqueue_dma source(%dma_start3A_7 : memref<640x32xf32, #tpu.memory_space<hbm>>) target(%dma_start3A_5 : memref<640x32xf32, #tpu.memory_space<vmem_shared>>) target_semaphore(%arg36 : memref<!tpu.dma_semaphore, #tpu.memory_space<semaphore_mem>>)
    %dma_start3A_8 = arith.constant 0 : i32
    %dma_start3A_9 = arith.constant 0 : i32
    %dma_start3A_10 = tpu.memref_slice %arg3[%add3A, %dma_start3A_8, %dma_start3A_9] : memref<32x80x128xi32, #tpu.memory_space<hbm>> -> memref<1x80x128xi32, #tpu.memory_space<hbm>>
    %dma_start3A_11 = tpu.memref_squeeze %dma_start3A_10 : memref<1x80x128xi32, #tpu.memory_space<hbm>> -> memref<80x128xi32, #tpu.memory_space<hbm>>
    %dma_start3A_12 = arith.constant 0 : i32
    %dma_start3A_13 = arith.constant 0 : i32
    %dma_start3A_14 = tpu.memref_slice %arg3[%add3A, %dma_start3A_12, %dma_start3A_13] : memref<32x80x128xi32, #tpu.memory_space<hbm>> -> memref<1x80x128xi32, #tpu.memory_space<hbm>>
    %dma_start3A_15 = tpu.memref_squeeze %dma_start3A_14 : memref<1x80x128xi32, #tpu.memory_space<hbm>> -> memref<80x128xi32, #tpu.memory_space<hbm>>
    tpu.enqueue_dma source(%dma_start3A_15 : memref<80x128xi32, #tpu.memory_space<hbm>>) target(%arg7 : memref<80x128xi32, #tpu.memory_space<vmem>>) target_semaphore(%arg34 : memref<!tpu.dma_semaphore, #tpu.memory_space<semaphore_mem>>)
    %dma_start3A_16 = arith.constant 0 : i32
    %dma_start3A_17 = arith.constant 0 : i32
    %dma_start3A_18 = tpu.memref_slice %arg4[%add3A, %dma_start3A_16, %dma_start3A_17] : memref<32x80x128xi32, #tpu.memory_space<hbm>> -> memref<1x80x128xi32, #tpu.memory_space<hbm>>
    %dma_start3A_19 = tpu.memref_squeeze %dma_start3A_18 : memref<1x80x128xi32, #tpu.memory_space<hbm>> -> memref<80x128xi32, #tpu.memory_space<hbm>>
    %dma_start3A_20 = arith.constant 0 : i32
    %dma_start3A_21 = arith.constant 0 : i32
    %dma_start3A_22 = tpu.memref_slice %arg4[%add3A, %dma_start3A_20, %dma_start3A_21] : memref<32x80x128xi32, #tpu.memory_space<hbm>> -> memref<1x80x128xi32, #tpu.memory_space<hbm>>
    %dma_start3A_23 = tpu.memref_squeeze %dma_start3A_22 : memref<1x80x128xi32, #tpu.memory_space<hbm>> -> memref<80x128xi32, #tpu.memory_space<hbm>>
    tpu.enqueue_dma source(%dma_start3A_23 : memref<80x128xi32, #tpu.memory_space<hbm>>) target(%arg8 : memref<80x128xi32, #tpu.memory_space<vmem>>) target_semaphore(%arg35 : memref<!tpu.dma_semaphore, #tpu.memory_space<semaphore_mem>>)
    %dma_wait3A = arith.constant 0 : i32
    %dma_wait3A_24 = arith.constant 0 : i32
    %dma_wait3A_25 = tpu.memref_slice %arg3[%add3A, %dma_wait3A, %dma_wait3A_24] : memref<32x80x128xi32, #tpu.memory_space<hbm>> -> memref<1x80x128xi32, #tpu.memory_space<hbm>>
    %dma_wait3A_26 = tpu.memref_squeeze %dma_wait3A_25 : memref<1x80x128xi32, #tpu.memory_space<hbm>> -> memref<80x128xi32, #tpu.memory_space<hbm>>
    %dma_wait3A_27 = arith.constant 0 : i32
    %dma_wait3A_28 = arith.constant 0 : i32
    %dma_wait3A_29 = tpu.memref_slice %arg3[%add3A, %dma_wait3A_27, %dma_wait3A_28] : memref<32x80x128xi32, #tpu.memory_space<hbm>> -> memref<1x80x128xi32, #tpu.memory_space<hbm>>
    %dma_wait3A_30 = tpu.memref_squeeze %dma_wait3A_29 : memref<1x80x128xi32, #tpu.memory_space<hbm>> -> memref<80x128xi32, #tpu.memory_space<hbm>>
    tpu.wait_dma2 semaphore(%arg34 : memref<!tpu.dma_semaphore, #tpu.memory_space<semaphore_mem>>) src(%dma_wait3A_30 : memref<80x128xi32, #tpu.memory_space<hbm>>) dst(%arg7 : memref<80x128xi32, #tpu.memory_space<vmem>>)
    %dma_start3A_31 = arith.constant 0 : i32
    %dma_start3A_32 = arith.constant 0 : i32
    %dma_start3A_33 = tpu.memref_slice %arg7[%dma_start3A_31, %dma_start3A_32] : memref<80x128xi32, #tpu.memory_space<vmem>> -> memref<1x128xi32, #tpu.memory_space<vmem>>
    %dma_start3A_34 = tpu.memref_squeeze %dma_start3A_33 : memref<1x128xi32, #tpu.memory_space<vmem>> -> memref<128xi32, #tpu.memory_space<vmem>>
    %dma_start3A_35 = arith.constant 0 : i32
    %dma_start3A_36 = arith.constant 0 : i32
    %dma_start3A_37 = tpu.memref_slice %arg2[%dma_start3A_35, %dma_start3A_36] : memref<10000x32xf32, #tpu.memory_space<hbm>> -> memref<10000x32xf32, #tpu.memory_space<hbm>>
    tpu.enqueue_indirect_dma source(%dma_start3A_37 : memref<10000x32xf32, #tpu.memory_space<hbm>>) target(%arg9 : memref<128x32xf32, #tpu.memory_space<vmem>>) offsets(%dma_start3A_34 : memref<128xi32, #tpu.memory_space<vmem>>) semaphore(%arg17 : memref<!tpu.dma_semaphore, #tpu.memory_space<semaphore_mem>>)
    %dma_start3A_38 = arith.constant 1 : i32
    %dma_start3A_39 = arith.constant 0 : i32
    %dma_start3A_40 = tpu.memref_slice %arg7[%dma_start3A_38, %dma_start3A_39] : memref<80x128xi32, #tpu.memory_space<vmem>> -> memref<1x128xi32, #tpu.memory_space<vmem>>
    %dma_start3A_41 = tpu.memref_squeeze %dma_start3A_40 : memref<1x128xi32, #tpu.memory_space<vmem>> -> memref<128xi32, #tpu.memory_space<vmem>>
    %dma_start3A_42 = arith.constant 0 : i32
    %dma_start3A_43 = arith.constant 0 : i32
    %dma_start3A_44 = tpu.memref_slice %arg2[%dma_start3A_42, %dma_start3A_43] : memref<10000x32xf32, #tpu.memory_space<hbm>> -> memref<10000x32xf32, #tpu.memory_space<hbm>>
    tpu.enqueue_indirect_dma source(%dma_start3A_44 : memref<10000x32xf32, #tpu.memory_space<hbm>>) target(%arg10 : memref<128x32xf32, #tpu.memory_space<vmem>>) offsets(%dma_start3A_41 : memref<128xi32, #tpu.memory_space<vmem>>) semaphore(%arg18 : memref<!tpu.dma_semaphore, #tpu.memory_space<semaphore_mem>>)
    %dma_start3A_45 = arith.constant 2 : i32
    %dma_start3A_46 = arith.constant 0 : i32
    %dma_start3A_47 = tpu.memref_slice %arg7[%dma_start3A_45, %dma_start3A_46] : memref<80x128xi32, #tpu.memory_space<vmem>> -> memref<1x128xi32, #tpu.memory_space<vmem>>
    %dma_start3A_48 = tpu.memref_squeeze %dma_start3A_47 : memref<1x128xi32, #tpu.memory_space<vmem>> -> memref<128xi32, #tpu.memory_space<vmem>>
    %dma_start3A_49 = arith.constant 0 : i32
    %dma_start3A_50 = arith.constant 0 : i32
    %dma_start3A_51 = tpu.memref_slice %arg2[%dma_start3A_49, %dma_start3A_50] : memref<10000x32xf32, #tpu.memory_space<hbm>> -> memref<10000x32xf32, #tpu.memory_space<hbm>>
    tpu.enqueue_indirect_dma source(%dma_start3A_51 : memref<10000x32xf32, #tpu.memory_space<hbm>>) target(%arg11 : memref<128x32xf32, #tpu.memory_space<vmem>>) offsets(%dma_start3A_48 : memref<128xi32, #tpu.memory_space<vmem>>) semaphore(%arg19 : memref<!tpu.dma_semaphore, #tpu.memory_space<semaphore_mem>>)
    %dma_start3A_52 = arith.constant 3 : i32
    %dma_start3A_53 = arith.constant 0 : i32
    %dma_start3A_54 = tpu.memref_slice %arg7[%dma_start3A_52, %dma_start3A_53] : memref<80x128xi32, #tpu.memory_space<vmem>> -> memref<1x128xi32, #tpu.memory_space<vmem>>
    %dma_start3A_55 = tpu.memref_squeeze %dma_start3A_54 : memref<1x128xi32, #tpu.memory_space<vmem>> -> memref<128xi32, #tpu.memory_space<vmem>>
    %dma_start3A_56 = arith.constant 0 : i32
    %dma_start3A_57 = arith.constant 0 : i32
    %dma_start3A_58 = tpu.memref_slice %arg2[%dma_start3A_56, %dma_start3A_57] : memref<10000x32xf32, #tpu.memory_space<hbm>> -> memref<10000x32xf32, #tpu.memory_space<hbm>>
    tpu.enqueue_indirect_dma source(%dma_start3A_58 : memref<10000x32xf32, #tpu.memory_space<hbm>>) target(%arg12 : memref<128x32xf32, #tpu.memory_space<vmem>>) offsets(%dma_start3A_55 : memref<128xi32, #tpu.memory_space<vmem>>) semaphore(%arg20 : memref<!tpu.dma_semaphore, #tpu.memory_space<semaphore_mem>>)
    %dma_wait3A_59 = arith.constant 0 : i32
    %dma_wait3A_60 = arith.constant 0 : i32
    %dma_wait3A_61 = tpu.memref_slice %arg4[%add3A, %dma_wait3A_59, %dma_wait3A_60] : memref<32x80x128xi32, #tpu.memory_space<hbm>> -> memref<1x80x128xi32, #tpu.memory_space<hbm>>
    %dma_wait3A_62 = tpu.memref_squeeze %dma_wait3A_61 : memref<1x80x128xi32, #tpu.memory_space<hbm>> -> memref<80x128xi32, #tpu.memory_space<hbm>>
    %dma_wait3A_63 = arith.constant 0 : i32
    %dma_wait3A_64 = arith.constant 0 : i32
    %dma_wait3A_65 = tpu.memref_slice %arg4[%add3A, %dma_wait3A_63, %dma_wait3A_64] : memref<32x80x128xi32, #tpu.memory_space<hbm>> -> memref<1x80x128xi32, #tpu.memory_space<hbm>>
    %dma_wait3A_66 = tpu.memref_squeeze %dma_wait3A_65 : memref<1x80x128xi32, #tpu.memory_space<hbm>> -> memref<80x128xi32, #tpu.memory_space<hbm>>
    tpu.wait_dma2 semaphore(%arg35 : memref<!tpu.dma_semaphore, #tpu.memory_space<semaphore_mem>>) src(%dma_wait3A_66 : memref<80x128xi32, #tpu.memory_space<hbm>>) dst(%arg8 : memref<80x128xi32, #tpu.memory_space<vmem>>)
    %dma_wait3A_67 = arith.constant 0 : i32
    %dma_wait3A_68 = tpu.memref_slice %arg33[%mul3A_4, %dma_wait3A_67] : memref<10240x32xf32, #tpu.memory_space<vmem_shared>> -> memref<640x32xf32, #tpu.memory_space<vmem_shared>>
    %dma_wait3A_69 = arith.constant 0 : i32
    %dma_wait3A_70 = tpu.memref_slice %arg5[%mul3A_2, %dma_wait3A_69] : memref<10240x32xf32, #tpu.memory_space<hbm>> -> memref<640x32xf32, #tpu.memory_space<hbm>>
    tpu.wait_dma2 semaphore(%arg36 : memref<!tpu.dma_semaphore, #tpu.memory_space<semaphore_mem>>) src(%dma_wait3A_70 : memref<640x32xf32, #tpu.memory_space<hbm>>) dst(%dma_wait3A_68 : memref<640x32xf32, #tpu.memory_space<vmem_shared>>)
    %barrier3A = arith.constant 0 : index
    tpu.barrier barrier_id(%barrier3A)
    %scan3A = arith.constant 0 : i32
    %scan3A_71 = arith.constant 0 : i32
    %scan3A_72 = arith.constant 10 : i32
    %scan3A_73 = arith.addi %scan3A_71, %scan3A_72 : i32
    %scan3A_74 = arith.constant 1 : i32
    scf.for %scan3A_109 = %scan3A_71 to %scan3A_73 step %scan3A_74  : i32 {
      %mul3A_110 = arith.constant 8 : i32
      %mul3A_111 = arith.muli %mul3A_110, %scan3A_109 : i32
      %add3A_112 = arith.constant 0 : i32
      %add3A_113 = arith.addi %mul3A_111, %add3A_112 : i32
      %dma_wait3A_114 = arith.constant 0 : i32
      %dma_wait3A_115 = tpu.memref_slice %arg7[%add3A_113, %dma_wait3A_114] : memref<80x128xi32, #tpu.memory_space<vmem>> -> memref<1x128xi32, #tpu.memory_space<vmem>>
      %dma_wait3A_116 = tpu.memref_squeeze %dma_wait3A_115 : memref<1x128xi32, #tpu.memory_space<vmem>> -> memref<128xi32, #tpu.memory_space<vmem>>
      %dma_wait3A_117 = arith.constant 0 : i32
      %dma_wait3A_118 = arith.constant 0 : i32
      %dma_wait3A_119 = tpu.memref_slice %arg2[%dma_wait3A_117, %dma_wait3A_118] : memref<10000x32xf32, #tpu.memory_space<hbm>> -> memref<10000x32xf32, #tpu.memory_space<hbm>>
      tpu.wait_indirect_dma semaphore(%arg17 : memref<!tpu.dma_semaphore, #tpu.memory_space<semaphore_mem>>) src(%dma_wait3A_119 : memref<10000x32xf32, #tpu.memory_space<hbm>>) dst(%arg9 : memref<128x32xf32, #tpu.memory_space<vmem>>)
      %dma_start3A_120 = arith.constant 0 : i32
      %dma_start3A_121 = tpu.memref_slice %arg8[%add3A_113, %dma_start3A_120] : memref<80x128xi32, #tpu.memory_space<vmem>> -> memref<1x128xi32, #tpu.memory_space<vmem>>
      %dma_start3A_122 = tpu.memref_squeeze %dma_start3A_121 : memref<1x128xi32, #tpu.memory_space<vmem>> -> memref<128xi32, #tpu.memory_space<vmem>>
      %dma_start3A_123 = arith.constant 0 : i32
      %dma_start3A_124 = arith.constant 0 : i32
      %dma_start3A_125 = tpu.memref_slice %arg33[%dma_start3A_123, %dma_start3A_124] : memref<10240x32xf32, #tpu.memory_space<vmem_shared>> -> memref<10240x32xf32, #tpu.memory_space<vmem_shared>>
      tpu.enqueue_indirect_dma source(%arg9 : memref<128x32xf32, #tpu.memory_space<vmem>>) target(%dma_start3A_125 : memref<10240x32xf32, #tpu.memory_space<vmem_shared>>) offsets(%dma_start3A_122 : memref<128xi32, #tpu.memory_space<vmem>>) semaphore(%arg25 : memref<!tpu.dma_semaphore, #tpu.memory_space<semaphore_mem>>) {add = true}
      %add3A_126 = arith.constant 4 : i32
      %add3A_127 = arith.addi %add3A_113, %add3A_126 : i32
      %sub3A = arith.constant 8 : i32
      %sub3A_128 = arith.subi %add3A_127, %sub3A : i32
      %ge3A = arith.constant 0 : i32
      %ge3A_129 = arith.cmpi sge, %sub3A_128, %ge3A : i32
      %convert_element_type3A = arith.extui %ge3A_129 : i1 to i32
      %cond3A = arith.constant 0 : i32
      %cond3A_130 = arith.cmpi ne, %convert_element_type3A, %cond3A : i32
      scf.if %cond3A_130 {
        %sub3A_331 = arith.constant 8 : i32
        %sub3A_332 = arith.subi %add3A_127, %sub3A_331 : i32
        %dma_wait3A_333 = arith.constant 0 : i32
        %dma_wait3A_334 = tpu.memref_slice %arg8[%sub3A_332, %dma_wait3A_333] : memref<80x128xi32, #tpu.memory_space<vmem>> -> memref<1x128xi32, #tpu.memory_space<vmem>>
        %dma_wait3A_335 = tpu.memref_squeeze %dma_wait3A_334 : memref<1x128xi32, #tpu.memory_space<vmem>> -> memref<128xi32, #tpu.memory_space<vmem>>
        %dma_wait3A_336 = arith.constant 0 : i32
        %dma_wait3A_337 = arith.constant 0 : i32
        %dma_wait3A_338 = tpu.memref_slice %arg33[%dma_wait3A_336, %dma_wait3A_337] : memref<10240x32xf32, #tpu.memory_space<vmem_shared>> -> memref<10240x32xf32, #tpu.memory_space<vmem_shared>>
        tpu.wait_indirect_dma semaphore(%arg29 : memref<!tpu.dma_semaphore, #tpu.memory_space<semaphore_mem>>) src(%arg13 : memref<128x32xf32, #tpu.memory_space<vmem>>) dst(%dma_wait3A_338 : memref<10240x32xf32, #tpu.memory_space<vmem_shared>>)
      } else {
      }
      %lt3A = arith.constant 80 : i32
      %lt3A_131 = arith.cmpi slt, %add3A_127, %lt3A : i32
      %convert_element_type3A_132 = arith.extui %lt3A_131 : i1 to i32
      %cond3A_133 = arith.constant 0 : i32
      %cond3A_134 = arith.cmpi ne, %convert_element_type3A_132, %cond3A_133 : i32
      scf.if %cond3A_134 {
        %dma_start3A_331 = arith.constant 0 : i32
        %dma_start3A_332 = tpu.memref_slice %arg7[%add3A_127, %dma_start3A_331] : memref<80x128xi32, #tpu.memory_space<vmem>> -> memref<1x128xi32, #tpu.memory_space<vmem>>
        %dma_start3A_333 = tpu.memref_squeeze %dma_start3A_332 : memref<1x128xi32, #tpu.memory_space<vmem>> -> memref<128xi32, #tpu.memory_space<vmem>>
        %dma_start3A_334 = arith.constant 0 : i32
        %dma_start3A_335 = arith.constant 0 : i32
        %dma_start3A_336 = tpu.memref_slice %arg2[%dma_start3A_334, %dma_start3A_335] : memref<10000x32xf32, #tpu.memory_space<hbm>> -> memref<10000x32xf32, #tpu.memory_space<hbm>>
        tpu.enqueue_indirect_dma source(%dma_start3A_336 : memref<10000x32xf32, #tpu.memory_space<hbm>>) target(%arg13 : memref<128x32xf32, #tpu.memory_space<vmem>>) offsets(%dma_start3A_333 : memref<128xi32, #tpu.memory_space<vmem>>) semaphore(%arg21 : memref<!tpu.dma_semaphore, #tpu.memory_space<semaphore_mem>>)
      } else {
      }
      %add3A_135 = arith.constant 1 : i32
      %add3A_136 = arith.addi %mul3A_111, %add3A_135 : i32
      %dma_wait3A_137 = arith.constant 0 : i32
      %dma_wait3A_138 = tpu.memref_slice %arg7[%add3A_136, %dma_wait3A_137] : memref<80x128xi32, #tpu.memory_space<vmem>> -> memref<1x128xi32, #tpu.memory_space<vmem>>
      %dma_wait3A_139 = tpu.memref_squeeze %dma_wait3A_138 : memref<1x128xi32, #tpu.memory_space<vmem>> -> memref<128xi32, #tpu.memory_space<vmem>>
      %dma_wait3A_140 = arith.constant 0 : i32
      %dma_wait3A_141 = arith.constant 0 : i32
      %dma_wait3A_142 = tpu.memref_slice %arg2[%dma_wait3A_140, %dma_wait3A_141] : memref<10000x32xf32, #tpu.memory_space<hbm>> -> memref<10000x32xf32, #tpu.memory_space<hbm>>
      tpu.wait_indirect_dma semaphore(%arg18 : memref<!tpu.dma_semaphore, #tpu.memory_space<semaphore_mem>>) src(%dma_wait3A_142 : memref<10000x32xf32, #tpu.memory_space<hbm>>) dst(%arg10 : memref<128x32xf32, #tpu.memory_space<vmem>>)
      %dma_start3A_143 = arith.constant 0 : i32
      %dma_start3A_144 = tpu.memref_slice %arg8[%add3A_136, %dma_start3A_143] : memref<80x128xi32, #tpu.memory_space<vmem>> -> memref<1x128xi32, #tpu.memory_space<vmem>>
      %dma_start3A_145 = tpu.memref_squeeze %dma_start3A_144 : memref<1x128xi32, #tpu.memory_space<vmem>> -> memref<128xi32, #tpu.memory_space<vmem>>
      %dma_start3A_146 = arith.constant 0 : i32
      %dma_start3A_147 = arith.constant 0 : i32
      %dma_start3A_148 = tpu.memref_slice %arg33[%dma_start3A_146, %dma_start3A_147] : memref<10240x32xf32, #tpu.memory_space<vmem_shared>> -> memref<10240x32xf32, #tpu.memory_space<vmem_shared>>
      tpu.enqueue_indirect_dma source(%arg10 : memref<128x32xf32, #tpu.memory_space<vmem>>) target(%dma_start3A_148 : memref<10240x32xf32, #tpu.memory_space<vmem_shared>>) offsets(%dma_start3A_145 : memref<128xi32, #tpu.memory_space<vmem>>) semaphore(%arg26 : memref<!tpu.dma_semaphore, #tpu.memory_space<semaphore_mem>>) {add = true}
      %add3A_149 = arith.constant 4 : i32
      %add3A_150 = arith.addi %add3A_136, %add3A_149 : i32
      %sub3A_151 = arith.constant 8 : i32
      %sub3A_152 = arith.subi %add3A_150, %sub3A_151 : i32
      %ge3A_153 = arith.constant 0 : i32
      %ge3A_154 = arith.cmpi sge, %sub3A_152, %ge3A_153 : i32
      %convert_element_type3A_155 = arith.extui %ge3A_154 : i1 to i32
      %cond3A_156 = arith.constant 0 : i32
      %cond3A_157 = arith.cmpi ne, %convert_element_type3A_155, %cond3A_156 : i32
      scf.if %cond3A_157 {
        %sub3A_331 = arith.constant 8 : i32
        %sub3A_332 = arith.subi %add3A_150, %sub3A_331 : i32
        %dma_wait3A_333 = arith.constant 0 : i32
        %dma_wait3A_334 = tpu.memref_slice %arg8[%sub3A_332, %dma_wait3A_333] : memref<80x128xi32, #tpu.memory_space<vmem>> -> memref<1x128xi32, #tpu.memory_space<vmem>>
        %dma_wait3A_335 = tpu.memref_squeeze %dma_wait3A_334 : memref<1x128xi32, #tpu.memory_space<vmem>> -> memref<128xi32, #tpu.memory_space<vmem>>
        %dma_wait3A_336 = arith.constant 0 : i32
        %dma_wait3A_337 = arith.constant 0 : i32
        %dma_wait3A_338 = tpu.memref_slice %arg33[%dma_wait3A_336, %dma_wait3A_337] : memref<10240x32xf32, #tpu.memory_space<vmem_shared>> -> memref<10240x32xf32, #tpu.memory_space<vmem_shared>>
        tpu.wait_indirect_dma semaphore(%arg30 : memref<!tpu.dma_semaphore, #tpu.memory_space<semaphore_mem>>) src(%arg14 : memref<128x32xf32, #tpu.memory_space<vmem>>) dst(%dma_wait3A_338 : memref<10240x32xf32, #tpu.memory_space<vmem_shared>>)
      } else {
      }
      %lt3A_158 = arith.constant 80 : i32
      %lt3A_159 = arith.cmpi slt, %add3A_150, %lt3A_158 : i32
      %convert_element_type3A_160 = arith.extui %lt3A_159 : i1 to i32
      %cond3A_161 = arith.constant 0 : i32
      %cond3A_162 = arith.cmpi ne, %convert_element_type3A_160, %cond3A_161 : i32
      scf.if %cond3A_162 {
        %dma_start3A_331 = arith.constant 0 : i32
        %dma_start3A_332 = tpu.memref_slice %arg7[%add3A_150, %dma_start3A_331] : memref<80x128xi32, #tpu.memory_space<vmem>> -> memref<1x128xi32, #tpu.memory_space<vmem>>
        %dma_start3A_333 = tpu.memref_squeeze %dma_start3A_332 : memref<1x128xi32, #tpu.memory_space<vmem>> -> memref<128xi32, #tpu.memory_space<vmem>>
        %dma_start3A_334 = arith.constant 0 : i32
        %dma_start3A_335 = arith.constant 0 : i32
        %dma_start3A_336 = tpu.memref_slice %arg2[%dma_start3A_334, %dma_start3A_335] : memref<10000x32xf32, #tpu.memory_space<hbm>> -> memref<10000x32xf32, #tpu.memory_space<hbm>>
        tpu.enqueue_indirect_dma source(%dma_start3A_336 : memref<10000x32xf32, #tpu.memory_space<hbm>>) target(%arg14 : memref<128x32xf32, #tpu.memory_space<vmem>>) offsets(%dma_start3A_333 : memref<128xi32, #tpu.memory_space<vmem>>) semaphore(%arg22 : memref<!tpu.dma_semaphore, #tpu.memory_space<semaphore_mem>>)
      } else {
      }
      %add3A_163 = arith.constant 2 : i32
      %add3A_164 = arith.addi %mul3A_111, %add3A_163 : i32
      %dma_wait3A_165 = arith.constant 0 : i32
      %dma_wait3A_166 = tpu.memref_slice %arg7[%add3A_164, %dma_wait3A_165] : memref<80x128xi32, #tpu.memory_space<vmem>> -> memref<1x128xi32, #tpu.memory_space<vmem>>
      %dma_wait3A_167 = tpu.memref_squeeze %dma_wait3A_166 : memref<1x128xi32, #tpu.memory_space<vmem>> -> memref<128xi32, #tpu.memory_space<vmem>>
      %dma_wait3A_168 = arith.constant 0 : i32
      %dma_wait3A_169 = arith.constant 0 : i32
      %dma_wait3A_170 = tpu.memref_slice %arg2[%dma_wait3A_168, %dma_wait3A_169] : memref<10000x32xf32, #tpu.memory_space<hbm>> -> memref<10000x32xf32, #tpu.memory_space<hbm>>
      tpu.wait_indirect_dma semaphore(%arg19 : memref<!tpu.dma_semaphore, #tpu.memory_space<semaphore_mem>>) src(%dma_wait3A_170 : memref<10000x32xf32, #tpu.memory_space<hbm>>) dst(%arg11 : memref<128x32xf32, #tpu.memory_space<vmem>>)
      %dma_start3A_171 = arith.constant 0 : i32
      %dma_start3A_172 = tpu.memref_slice %arg8[%add3A_164, %dma_start3A_171] : memref<80x128xi32, #tpu.memory_space<vmem>> -> memref<1x128xi32, #tpu.memory_space<vmem>>
      %dma_start3A_173 = tpu.memref_squeeze %dma_start3A_172 : memref<1x128xi32, #tpu.memory_space<vmem>> -> memref<128xi32, #tpu.memory_space<vmem>>
      %dma_start3A_174 = arith.constant 0 : i32
      %dma_start3A_175 = arith.constant 0 : i32
      %dma_start3A_176 = tpu.memref_slice %arg33[%dma_start3A_174, %dma_start3A_175] : memref<10240x32xf32, #tpu.memory_space<vmem_shared>> -> memref<10240x32xf32, #tpu.memory_space<vmem_shared>>
      tpu.enqueue_indirect_dma source(%arg11 : memref<128x32xf32, #tpu.memory_space<vmem>>) target(%dma_start3A_176 : memref<10240x32xf32, #tpu.memory_space<vmem_shared>>) offsets(%dma_start3A_173 : memref<128xi32, #tpu.memory_space<vmem>>) semaphore(%arg27 : memref<!tpu.dma_semaphore, #tpu.memory_space<semaphore_mem>>) {add = true}
      %add3A_177 = arith.constant 4 : i32
      %add3A_178 = arith.addi %add3A_164, %add3A_177 : i32
      %sub3A_179 = arith.constant 8 : i32
      %sub3A_180 = arith.subi %add3A_178, %sub3A_179 : i32
      %ge3A_181 = arith.constant 0 : i32
      %ge3A_182 = arith.cmpi sge, %sub3A_180, %ge3A_181 : i32
      %convert_element_type3A_183 = arith.extui %ge3A_182 : i1 to i32
      %cond3A_184 = arith.constant 0 : i32
      %cond3A_185 = arith.cmpi ne, %convert_element_type3A_183, %cond3A_184 : i32
      scf.if %cond3A_185 {
        %sub3A_331 = arith.constant 8 : i32
        %sub3A_332 = arith.subi %add3A_178, %sub3A_331 : i32
        %dma_wait3A_333 = arith.constant 0 : i32
        %dma_wait3A_334 = tpu.memref_slice %arg8[%sub3A_332, %dma_wait3A_333] : memref<80x128xi32, #tpu.memory_space<vmem>> -> memref<1x128xi32, #tpu.memory_space<vmem>>
        %dma_wait3A_335 = tpu.memref_squeeze %dma_wait3A_334 : memref<1x128xi32, #tpu.memory_space<vmem>> -> memref<128xi32, #tpu.memory_space<vmem>>
        %dma_wait3A_336 = arith.constant 0 : i32
        %dma_wait3A_337 = arith.constant 0 : i32
        %dma_wait3A_338 = tpu.memref_slice %arg33[%dma_wait3A_336, %dma_wait3A_337] : memref<10240x32xf32, #tpu.memory_space<vmem_shared>> -> memref<10240x32xf32, #tpu.memory_space<vmem_shared>>
        tpu.wait_indirect_dma semaphore(%arg31 : memref<!tpu.dma_semaphore, #tpu.memory_space<semaphore_mem>>) src(%arg15 : memref<128x32xf32, #tpu.memory_space<vmem>>) dst(%dma_wait3A_338 : memref<10240x32xf32, #tpu.memory_space<vmem_shared>>)
      } else {
      }
      %lt3A_186 = arith.constant 80 : i32
      %lt3A_187 = arith.cmpi slt, %add3A_178, %lt3A_186 : i32
      %convert_element_type3A_188 = arith.extui %lt3A_187 : i1 to i32
      %cond3A_189 = arith.constant 0 : i32
      %cond3A_190 = arith.cmpi ne, %convert_element_type3A_188, %cond3A_189 : i32
      scf.if %cond3A_190 {
        %dma_start3A_331 = arith.constant 0 : i32
        %dma_start3A_332 = tpu.memref_slice %arg7[%add3A_178, %dma_start3A_331] : memref<80x128xi32, #tpu.memory_space<vmem>> -> memref<1x128xi32, #tpu.memory_space<vmem>>
        %dma_start3A_333 = tpu.memref_squeeze %dma_start3A_332 : memref<1x128xi32, #tpu.memory_space<vmem>> -> memref<128xi32, #tpu.memory_space<vmem>>
        %dma_start3A_334 = arith.constant 0 : i32
        %dma_start3A_335 = arith.constant 0 : i32
        %dma_start3A_336 = tpu.memref_slice %arg2[%dma_start3A_334, %dma_start3A_335] : memref<10000x32xf32, #tpu.memory_space<hbm>> -> memref<10000x32xf32, #tpu.memory_space<hbm>>
        tpu.enqueue_indirect_dma source(%dma_start3A_336 : memref<10000x32xf32, #tpu.memory_space<hbm>>) target(%arg15 : memref<128x32xf32, #tpu.memory_space<vmem>>) offsets(%dma_start3A_333 : memref<128xi32, #tpu.memory_space<vmem>>) semaphore(%arg23 : memref<!tpu.dma_semaphore, #tpu.memory_space<semaphore_mem>>)
      } else {
      }
      %add3A_191 = arith.constant 3 : i32
      %add3A_192 = arith.addi %mul3A_111, %add3A_191 : i32
      %dma_wait3A_193 = arith.constant 0 : i32
      %dma_wait3A_194 = tpu.memref_slice %arg7[%add3A_192, %dma_wait3A_193] : memref<80x128xi32, #tpu.memory_space<vmem>> -> memref<1x128xi32, #tpu.memory_space<vmem>>
      %dma_wait3A_195 = tpu.memref_squeeze %dma_wait3A_194 : memref<1x128xi32, #tpu.memory_space<vmem>> -> memref<128xi32, #tpu.memory_space<vmem>>
      %dma_wait3A_196 = arith.constant 0 : i32
      %dma_wait3A_197 = arith.constant 0 : i32
      %dma_wait3A_198 = tpu.memref_slice %arg2[%dma_wait3A_196, %dma_wait3A_197] : memref<10000x32xf32, #tpu.memory_space<hbm>> -> memref<10000x32xf32, #tpu.memory_space<hbm>>
      tpu.wait_indirect_dma semaphore(%arg20 : memref<!tpu.dma_semaphore, #tpu.memory_space<semaphore_mem>>) src(%dma_wait3A_198 : memref<10000x32xf32, #tpu.memory_space<hbm>>) dst(%arg12 : memref<128x32xf32, #tpu.memory_space<vmem>>)
      %dma_start3A_199 = arith.constant 0 : i32
      %dma_start3A_200 = tpu.memref_slice %arg8[%add3A_192, %dma_start3A_199] : memref<80x128xi32, #tpu.memory_space<vmem>> -> memref<1x128xi32, #tpu.memory_space<vmem>>
      %dma_start3A_201 = tpu.memref_squeeze %dma_start3A_200 : memref<1x128xi32, #tpu.memory_space<vmem>> -> memref<128xi32, #tpu.memory_space<vmem>>
      %dma_start3A_202 = arith.constant 0 : i32
      %dma_start3A_203 = arith.constant 0 : i32
      %dma_start3A_204 = tpu.memref_slice %arg33[%dma_start3A_202, %dma_start3A_203] : memref<10240x32xf32, #tpu.memory_space<vmem_shared>> -> memref<10240x32xf32, #tpu.memory_space<vmem_shared>>
      tpu.enqueue_indirect_dma source(%arg12 : memref<128x32xf32, #tpu.memory_space<vmem>>) target(%dma_start3A_204 : memref<10240x32xf32, #tpu.memory_space<vmem_shared>>) offsets(%dma_start3A_201 : memref<128xi32, #tpu.memory_space<vmem>>) semaphore(%arg28 : memref<!tpu.dma_semaphore, #tpu.memory_space<semaphore_mem>>) {add = true}
      %add3A_205 = arith.constant 4 : i32
      %add3A_206 = arith.addi %add3A_192, %add3A_205 : i32
      %sub3A_207 = arith.constant 8 : i32
      %sub3A_208 = arith.subi %add3A_206, %sub3A_207 : i32
      %ge3A_209 = arith.constant 0 : i32
      %ge3A_210 = arith.cmpi sge, %sub3A_208, %ge3A_209 : i32
      %convert_element_type3A_211 = arith.extui %ge3A_210 : i1 to i32
      %cond3A_212 = arith.constant 0 : i32
      %cond3A_213 = arith.cmpi ne, %convert_element_type3A_211, %cond3A_212 : i32
      scf.if %cond3A_213 {
        %sub3A_331 = arith.constant 8 : i32
        %sub3A_332 = arith.subi %add3A_206, %sub3A_331 : i32
        %dma_wait3A_333 = arith.constant 0 : i32
        %dma_wait3A_334 = tpu.memref_slice %arg8[%sub3A_332, %dma_wait3A_333] : memref<80x128xi32, #tpu.memory_space<vmem>> -> memref<1x128xi32, #tpu.memory_space<vmem>>
        %dma_wait3A_335 = tpu.memref_squeeze %dma_wait3A_334 : memref<1x128xi32, #tpu.memory_space<vmem>> -> memref<128xi32, #tpu.memory_space<vmem>>
        %dma_wait3A_336 = arith.constant 0 : i32
        %dma_wait3A_337 = arith.constant 0 : i32
        %dma_wait3A_338 = tpu.memref_slice %arg33[%dma_wait3A_336, %dma_wait3A_337] : memref<10240x32xf32, #tpu.memory_space<vmem_shared>> -> memref<10240x32xf32, #tpu.memory_space<vmem_shared>>
        tpu.wait_indirect_dma semaphore(%arg32 : memref<!tpu.dma_semaphore, #tpu.memory_space<semaphore_mem>>) src(%arg16 : memref<128x32xf32, #tpu.memory_space<vmem>>) dst(%dma_wait3A_338 : memref<10240x32xf32, #tpu.memory_space<vmem_shared>>)
      } else {
      }
      %lt3A_214 = arith.constant 80 : i32
      %lt3A_215 = arith.cmpi slt, %add3A_206, %lt3A_214 : i32
      %convert_element_type3A_216 = arith.extui %lt3A_215 : i1 to i32
      %cond3A_217 = arith.constant 0 : i32
      %cond3A_218 = arith.cmpi ne, %convert_element_type3A_216, %cond3A_217 : i32
      scf.if %cond3A_218 {
        %dma_start3A_331 = arith.constant 0 : i32
        %dma_start3A_332 = tpu.memref_slice %arg7[%add3A_206, %dma_start3A_331] : memref<80x128xi32, #tpu.memory_space<vmem>> -> memref<1x128xi32, #tpu.memory_space<vmem>>
        %dma_start3A_333 = tpu.memref_squeeze %dma_start3A_332 : memref<1x128xi32, #tpu.memory_space<vmem>> -> memref<128xi32, #tpu.memory_space<vmem>>
        %dma_start3A_334 = arith.constant 0 : i32
        %dma_start3A_335 = arith.constant 0 : i32
        %dma_start3A_336 = tpu.memref_slice %arg2[%dma_start3A_334, %dma_start3A_335] : memref<10000x32xf32, #tpu.memory_space<hbm>> -> memref<10000x32xf32, #tpu.memory_space<hbm>>
        tpu.enqueue_indirect_dma source(%dma_start3A_336 : memref<10000x32xf32, #tpu.memory_space<hbm>>) target(%arg16 : memref<128x32xf32, #tpu.memory_space<vmem>>) offsets(%dma_start3A_333 : memref<128xi32, #tpu.memory_space<vmem>>) semaphore(%arg24 : memref<!tpu.dma_semaphore, #tpu.memory_space<semaphore_mem>>)
      } else {
      }
      %add3A_219 = arith.constant 4 : i32
      %add3A_220 = arith.addi %mul3A_111, %add3A_219 : i32
      %dma_wait3A_221 = arith.constant 0 : i32
      %dma_wait3A_222 = tpu.memref_slice %arg7[%add3A_220, %dma_wait3A_221] : memref<80x128xi32, #tpu.memory_space<vmem>> -> memref<1x128xi32, #tpu.memory_space<vmem>>
      %dma_wait3A_223 = tpu.memref_squeeze %dma_wait3A_222 : memref<1x128xi32, #tpu.memory_space<vmem>> -> memref<128xi32, #tpu.memory_space<vmem>>
      %dma_wait3A_224 = arith.constant 0 : i32
      %dma_wait3A_225 = arith.constant 0 : i32
      %dma_wait3A_226 = tpu.memref_slice %arg2[%dma_wait3A_224, %dma_wait3A_225] : memref<10000x32xf32, #tpu.memory_space<hbm>> -> memref<10000x32xf32, #tpu.memory_space<hbm>>
      tpu.wait_indirect_dma semaphore(%arg21 : memref<!tpu.dma_semaphore, #tpu.memory_space<semaphore_mem>>) src(%dma_wait3A_226 : memref<10000x32xf32, #tpu.memory_space<hbm>>) dst(%arg13 : memref<128x32xf32, #tpu.memory_space<vmem>>)
      %dma_start3A_227 = arith.constant 0 : i32
      %dma_start3A_228 = tpu.memref_slice %arg8[%add3A_220, %dma_start3A_227] : memref<80x128xi32, #tpu.memory_space<vmem>> -> memref<1x128xi32, #tpu.memory_space<vmem>>
      %dma_start3A_229 = tpu.memref_squeeze %dma_start3A_228 : memref<1x128xi32, #tpu.memory_space<vmem>> -> memref<128xi32, #tpu.memory_space<vmem>>
      %dma_start3A_230 = arith.constant 0 : i32
      %dma_start3A_231 = arith.constant 0 : i32
      %dma_start3A_232 = tpu.memref_slice %arg33[%dma_start3A_230, %dma_start3A_231] : memref<10240x32xf32, #tpu.memory_space<vmem_shared>> -> memref<10240x32xf32, #tpu.memory_space<vmem_shared>>
      tpu.enqueue_indirect_dma source(%arg13 : memref<128x32xf32, #tpu.memory_space<vmem>>) target(%dma_start3A_232 : memref<10240x32xf32, #tpu.memory_space<vmem_shared>>) offsets(%dma_start3A_229 : memref<128xi32, #tpu.memory_space<vmem>>) semaphore(%arg29 : memref<!tpu.dma_semaphore, #tpu.memory_space<semaphore_mem>>) {add = true}
      %add3A_233 = arith.constant 4 : i32
      %add3A_234 = arith.addi %add3A_220, %add3A_233 : i32
      %sub3A_235 = arith.constant 8 : i32
      %sub3A_236 = arith.subi %add3A_234, %sub3A_235 : i32
      %ge3A_237 = arith.constant 0 : i32
      %ge3A_238 = arith.cmpi sge, %sub3A_236, %ge3A_237 : i32
      %convert_element_type3A_239 = arith.extui %ge3A_238 : i1 to i32
      %cond3A_240 = arith.constant 0 : i32
      %cond3A_241 = arith.cmpi ne, %convert_element_type3A_239, %cond3A_240 : i32
      scf.if %cond3A_241 {
        %sub3A_331 = arith.constant 8 : i32
        %sub3A_332 = arith.subi %add3A_234, %sub3A_331 : i32
        %dma_wait3A_333 = arith.constant 0 : i32
        %dma_wait3A_334 = tpu.memref_slice %arg8[%sub3A_332, %dma_wait3A_333] : memref<80x128xi32, #tpu.memory_space<vmem>> -> memref<1x128xi32, #tpu.memory_space<vmem>>
        %dma_wait3A_335 = tpu.memref_squeeze %dma_wait3A_334 : memref<1x128xi32, #tpu.memory_space<vmem>> -> memref<128xi32, #tpu.memory_space<vmem>>
        %dma_wait3A_336 = arith.constant 0 : i32
        %dma_wait3A_337 = arith.constant 0 : i32
        %dma_wait3A_338 = tpu.memref_slice %arg33[%dma_wait3A_336, %dma_wait3A_337] : memref<10240x32xf32, #tpu.memory_space<vmem_shared>> -> memref<10240x32xf32, #tpu.memory_space<vmem_shared>>
        tpu.wait_indirect_dma semaphore(%arg25 : memref<!tpu.dma_semaphore, #tpu.memory_space<semaphore_mem>>) src(%arg9 : memref<128x32xf32, #tpu.memory_space<vmem>>) dst(%dma_wait3A_338 : memref<10240x32xf32, #tpu.memory_space<vmem_shared>>)
      } else {
      }
      %lt3A_242 = arith.constant 80 : i32
      %lt3A_243 = arith.cmpi slt, %add3A_234, %lt3A_242 : i32
      %convert_element_type3A_244 = arith.extui %lt3A_243 : i1 to i32
      %cond3A_245 = arith.constant 0 : i32
      %cond3A_246 = arith.cmpi ne, %convert_element_type3A_244, %cond3A_245 : i32
      scf.if %cond3A_246 {
        %dma_start3A_331 = arith.constant 0 : i32
        %dma_start3A_332 = tpu.memref_slice %arg7[%add3A_234, %dma_start3A_331] : memref<80x128xi32, #tpu.memory_space<vmem>> -> memref<1x128xi32, #tpu.memory_space<vmem>>
        %dma_start3A_333 = tpu.memref_squeeze %dma_start3A_332 : memref<1x128xi32, #tpu.memory_space<vmem>> -> memref<128xi32, #tpu.memory_space<vmem>>
        %dma_start3A_334 = arith.constant 0 : i32
        %dma_start3A_335 = arith.constant 0 : i32
        %dma_start3A_336 = tpu.memref_slice %arg2[%dma_start3A_334, %dma_start3A_335] : memref<10000x32xf32, #tpu.memory_space<hbm>> -> memref<10000x32xf32, #tpu.memory_space<hbm>>
        tpu.enqueue_indirect_dma source(%dma_start3A_336 : memref<10000x32xf32, #tpu.memory_space<hbm>>) target(%arg9 : memref<128x32xf32, #tpu.memory_space<vmem>>) offsets(%dma_start3A_333 : memref<128xi32, #tpu.memory_space<vmem>>) semaphore(%arg17 : memref<!tpu.dma_semaphore, #tpu.memory_space<semaphore_mem>>)
      } else {
      }
      %add3A_247 = arith.constant 5 : i32
      %add3A_248 = arith.addi %mul3A_111, %add3A_247 : i32
      %dma_wait3A_249 = arith.constant 0 : i32
      %dma_wait3A_250 = tpu.memref_slice %arg7[%add3A_248, %dma_wait3A_249] : memref<80x128xi32, #tpu.memory_space<vmem>> -> memref<1x128xi32, #tpu.memory_space<vmem>>
      %dma_wait3A_251 = tpu.memref_squeeze %dma_wait3A_250 : memref<1x128xi32, #tpu.memory_space<vmem>> -> memref<128xi32, #tpu.memory_space<vmem>>
      %dma_wait3A_252 = arith.constant 0 : i32
      %dma_wait3A_253 = arith.constant 0 : i32
      %dma_wait3A_254 = tpu.memref_slice %arg2[%dma_wait3A_252, %dma_wait3A_253] : memref<10000x32xf32, #tpu.memory_space<hbm>> -> memref<10000x32xf32, #tpu.memory_space<hbm>>
      tpu.wait_indirect_dma semaphore(%arg22 : memref<!tpu.dma_semaphore, #tpu.memory_space<semaphore_mem>>) src(%dma_wait3A_254 : memref<10000x32xf32, #tpu.memory_space<hbm>>) dst(%arg14 : memref<128x32xf32, #tpu.memory_space<vmem>>)
      %dma_start3A_255 = arith.constant 0 : i32
      %dma_start3A_256 = tpu.memref_slice %arg8[%add3A_248, %dma_start3A_255] : memref<80x128xi32, #tpu.memory_space<vmem>> -> memref<1x128xi32, #tpu.memory_space<vmem>>
      %dma_start3A_257 = tpu.memref_squeeze %dma_start3A_256 : memref<1x128xi32, #tpu.memory_space<vmem>> -> memref<128xi32, #tpu.memory_space<vmem>>
      %dma_start3A_258 = arith.constant 0 : i32
      %dma_start3A_259 = arith.constant 0 : i32
      %dma_start3A_260 = tpu.memref_slice %arg33[%dma_start3A_258, %dma_start3A_259] : memref<10240x32xf32, #tpu.memory_space<vmem_shared>> -> memref<10240x32xf32, #tpu.memory_space<vmem_shared>>
      tpu.enqueue_indirect_dma source(%arg14 : memref<128x32xf32, #tpu.memory_space<vmem>>) target(%dma_start3A_260 : memref<10240x32xf32, #tpu.memory_space<vmem_shared>>) offsets(%dma_start3A_257 : memref<128xi32, #tpu.memory_space<vmem>>) semaphore(%arg30 : memref<!tpu.dma_semaphore, #tpu.memory_space<semaphore_mem>>) {add = true}
      %add3A_261 = arith.constant 4 : i32
      %add3A_262 = arith.addi %add3A_248, %add3A_261 : i32
      %sub3A_263 = arith.constant 8 : i32
      %sub3A_264 = arith.subi %add3A_262, %sub3A_263 : i32
      %ge3A_265 = arith.constant 0 : i32
      %ge3A_266 = arith.cmpi sge, %sub3A_264, %ge3A_265 : i32
      %convert_element_type3A_267 = arith.extui %ge3A_266 : i1 to i32
      %cond3A_268 = arith.constant 0 : i32
      %cond3A_269 = arith.cmpi ne, %convert_element_type3A_267, %cond3A_268 : i32
      scf.if %cond3A_269 {
        %sub3A_331 = arith.constant 8 : i32
        %sub3A_332 = arith.subi %add3A_262, %sub3A_331 : i32
        %dma_wait3A_333 = arith.constant 0 : i32
        %dma_wait3A_334 = tpu.memref_slice %arg8[%sub3A_332, %dma_wait3A_333] : memref<80x128xi32, #tpu.memory_space<vmem>> -> memref<1x128xi32, #tpu.memory_space<vmem>>
        %dma_wait3A_335 = tpu.memref_squeeze %dma_wait3A_334 : memref<1x128xi32, #tpu.memory_space<vmem>> -> memref<128xi32, #tpu.memory_space<vmem>>
        %dma_wait3A_336 = arith.constant 0 : i32
        %dma_wait3A_337 = arith.constant 0 : i32
        %dma_wait3A_338 = tpu.memref_slice %arg33[%dma_wait3A_336, %dma_wait3A_337] : memref<10240x32xf32, #tpu.memory_space<vmem_shared>> -> memref<10240x32xf32, #tpu.memory_space<vmem_shared>>
        tpu.wait_indirect_dma semaphore(%arg26 : memref<!tpu.dma_semaphore, #tpu.memory_space<semaphore_mem>>) src(%arg10 : memref<128x32xf32, #tpu.memory_space<vmem>>) dst(%dma_wait3A_338 : memref<10240x32xf32, #tpu.memory_space<vmem_shared>>)
      } else {
      }
      %lt3A_270 = arith.constant 80 : i32
      %lt3A_271 = arith.cmpi slt, %add3A_262, %lt3A_270 : i32
      %convert_element_type3A_272 = arith.extui %lt3A_271 : i1 to i32
      %cond3A_273 = arith.constant 0 : i32
      %cond3A_274 = arith.cmpi ne, %convert_element_type3A_272, %cond3A_273 : i32
      scf.if %cond3A_274 {
        %dma_start3A_331 = arith.constant 0 : i32
        %dma_start3A_332 = tpu.memref_slice %arg7[%add3A_262, %dma_start3A_331] : memref<80x128xi32, #tpu.memory_space<vmem>> -> memref<1x128xi32, #tpu.memory_space<vmem>>
        %dma_start3A_333 = tpu.memref_squeeze %dma_start3A_332 : memref<1x128xi32, #tpu.memory_space<vmem>> -> memref<128xi32, #tpu.memory_space<vmem>>
        %dma_start3A_334 = arith.constant 0 : i32
        %dma_start3A_335 = arith.constant 0 : i32
        %dma_start3A_336 = tpu.memref_slice %arg2[%dma_start3A_334, %dma_start3A_335] : memref<10000x32xf32, #tpu.memory_space<hbm>> -> memref<10000x32xf32, #tpu.memory_space<hbm>>
        tpu.enqueue_indirect_dma source(%dma_start3A_336 : memref<10000x32xf32, #tpu.memory_space<hbm>>) target(%arg10 : memref<128x32xf32, #tpu.memory_space<vmem>>) offsets(%dma_start3A_333 : memref<128xi32, #tpu.memory_space<vmem>>) semaphore(%arg18 : memref<!tpu.dma_semaphore, #tpu.memory_space<semaphore_mem>>)
      } else {
      }
      %add3A_275 = arith.constant 6 : i32
      %add3A_276 = arith.addi %mul3A_111, %add3A_275 : i32
      %dma_wait3A_277 = arith.constant 0 : i32
      %dma_wait3A_278 = tpu.memref_slice %arg7[%add3A_276, %dma_wait3A_277] : memref<80x128xi32, #tpu.memory_space<vmem>> -> memref<1x128xi32, #tpu.memory_space<vmem>>
      %dma_wait3A_279 = tpu.memref_squeeze %dma_wait3A_278 : memref<1x128xi32, #tpu.memory_space<vmem>> -> memref<128xi32, #tpu.memory_space<vmem>>
      %dma_wait3A_280 = arith.constant 0 : i32
      %dma_wait3A_281 = arith.constant 0 : i32
      %dma_wait3A_282 = tpu.memref_slice %arg2[%dma_wait3A_280, %dma_wait3A_281] : memref<10000x32xf32, #tpu.memory_space<hbm>> -> memref<10000x32xf32, #tpu.memory_space<hbm>>
      tpu.wait_indirect_dma semaphore(%arg23 : memref<!tpu.dma_semaphore, #tpu.memory_space<semaphore_mem>>) src(%dma_wait3A_282 : memref<10000x32xf32, #tpu.memory_space<hbm>>) dst(%arg15 : memref<128x32xf32, #tpu.memory_space<vmem>>)
      %dma_start3A_283 = arith.constant 0 : i32
      %dma_start3A_284 = tpu.memref_slice %arg8[%add3A_276, %dma_start3A_283] : memref<80x128xi32, #tpu.memory_space<vmem>> -> memref<1x128xi32, #tpu.memory_space<vmem>>
      %dma_start3A_285 = tpu.memref_squeeze %dma_start3A_284 : memref<1x128xi32, #tpu.memory_space<vmem>> -> memref<128xi32, #tpu.memory_space<vmem>>
      %dma_start3A_286 = arith.constant 0 : i32
      %dma_start3A_287 = arith.constant 0 : i32
      %dma_start3A_288 = tpu.memref_slice %arg33[%dma_start3A_286, %dma_start3A_287] : memref<10240x32xf32, #tpu.memory_space<vmem_shared>> -> memref<10240x32xf32, #tpu.memory_space<vmem_shared>>
      tpu.enqueue_indirect_dma source(%arg15 : memref<128x32xf32, #tpu.memory_space<vmem>>) target(%dma_start3A_288 : memref<10240x32xf32, #tpu.memory_space<vmem_shared>>) offsets(%dma_start3A_285 : memref<128xi32, #tpu.memory_space<vmem>>) semaphore(%arg31 : memref<!tpu.dma_semaphore, #tpu.memory_space<semaphore_mem>>) {add = true}
      %add3A_289 = arith.constant 4 : i32
      %add3A_290 = arith.addi %add3A_276, %add3A_289 : i32
      %sub3A_291 = arith.constant 8 : i32
      %sub3A_292 = arith.subi %add3A_290, %sub3A_291 : i32
      %ge3A_293 = arith.constant 0 : i32
      %ge3A_294 = arith.cmpi sge, %sub3A_292, %ge3A_293 : i32
      %convert_element_type3A_295 = arith.extui %ge3A_294 : i1 to i32
      %cond3A_296 = arith.constant 0 : i32
      %cond3A_297 = arith.cmpi ne, %convert_element_type3A_295, %cond3A_296 : i32
      scf.if %cond3A_297 {
        %sub3A_331 = arith.constant 8 : i32
        %sub3A_332 = arith.subi %add3A_290, %sub3A_331 : i32
        %dma_wait3A_333 = arith.constant 0 : i32
        %dma_wait3A_334 = tpu.memref_slice %arg8[%sub3A_332, %dma_wait3A_333] : memref<80x128xi32, #tpu.memory_space<vmem>> -> memref<1x128xi32, #tpu.memory_space<vmem>>
        %dma_wait3A_335 = tpu.memref_squeeze %dma_wait3A_334 : memref<1x128xi32, #tpu.memory_space<vmem>> -> memref<128xi32, #tpu.memory_space<vmem>>
        %dma_wait3A_336 = arith.constant 0 : i32
        %dma_wait3A_337 = arith.constant 0 : i32
        %dma_wait3A_338 = tpu.memref_slice %arg33[%dma_wait3A_336, %dma_wait3A_337] : memref<10240x32xf32, #tpu.memory_space<vmem_shared>> -> memref<10240x32xf32, #tpu.memory_space<vmem_shared>>
        tpu.wait_indirect_dma semaphore(%arg27 : memref<!tpu.dma_semaphore, #tpu.memory_space<semaphore_mem>>) src(%arg11 : memref<128x32xf32, #tpu.memory_space<vmem>>) dst(%dma_wait3A_338 : memref<10240x32xf32, #tpu.memory_space<vmem_shared>>)
      } else {
      }
      %lt3A_298 = arith.constant 80 : i32
      %lt3A_299 = arith.cmpi slt, %add3A_290, %lt3A_298 : i32
      %convert_element_type3A_300 = arith.extui %lt3A_299 : i1 to i32
      %cond3A_301 = arith.constant 0 : i32
      %cond3A_302 = arith.cmpi ne, %convert_element_type3A_300, %cond3A_301 : i32
      scf.if %cond3A_302 {
        %dma_start3A_331 = arith.constant 0 : i32
        %dma_start3A_332 = tpu.memref_slice %arg7[%add3A_290, %dma_start3A_331] : memref<80x128xi32, #tpu.memory_space<vmem>> -> memref<1x128xi32, #tpu.memory_space<vmem>>
        %dma_start3A_333 = tpu.memref_squeeze %dma_start3A_332 : memref<1x128xi32, #tpu.memory_space<vmem>> -> memref<128xi32, #tpu.memory_space<vmem>>
        %dma_start3A_334 = arith.constant 0 : i32
        %dma_start3A_335 = arith.constant 0 : i32
        %dma_start3A_336 = tpu.memref_slice %arg2[%dma_start3A_334, %dma_start3A_335] : memref<10000x32xf32, #tpu.memory_space<hbm>> -> memref<10000x32xf32, #tpu.memory_space<hbm>>
        tpu.enqueue_indirect_dma source(%dma_start3A_336 : memref<10000x32xf32, #tpu.memory_space<hbm>>) target(%arg11 : memref<128x32xf32, #tpu.memory_space<vmem>>) offsets(%dma_start3A_333 : memref<128xi32, #tpu.memory_space<vmem>>) semaphore(%arg19 : memref<!tpu.dma_semaphore, #tpu.memory_space<semaphore_mem>>)
      } else {
      }
      %add3A_303 = arith.constant 7 : i32
      %add3A_304 = arith.addi %mul3A_111, %add3A_303 : i32
      %dma_wait3A_305 = arith.constant 0 : i32
      %dma_wait3A_306 = tpu.memref_slice %arg7[%add3A_304, %dma_wait3A_305] : memref<80x128xi32, #tpu.memory_space<vmem>> -> memref<1x128xi32, #tpu.memory_space<vmem>>
      %dma_wait3A_307 = tpu.memref_squeeze %dma_wait3A_306 : memref<1x128xi32, #tpu.memory_space<vmem>> -> memref<128xi32, #tpu.memory_space<vmem>>
      %dma_wait3A_308 = arith.constant 0 : i32
      %dma_wait3A_309 = arith.constant 0 : i32
      %dma_wait3A_310 = tpu.memref_slice %arg2[%dma_wait3A_308, %dma_wait3A_309] : memref<10000x32xf32, #tpu.memory_space<hbm>> -> memref<10000x32xf32, #tpu.memory_space<hbm>>
      tpu.wait_indirect_dma semaphore(%arg24 : memref<!tpu.dma_semaphore, #tpu.memory_space<semaphore_mem>>) src(%dma_wait3A_310 : memref<10000x32xf32, #tpu.memory_space<hbm>>) dst(%arg16 : memref<128x32xf32, #tpu.memory_space<vmem>>)
      %dma_start3A_311 = arith.constant 0 : i32
      %dma_start3A_312 = tpu.memref_slice %arg8[%add3A_304, %dma_start3A_311] : memref<80x128xi32, #tpu.memory_space<vmem>> -> memref<1x128xi32, #tpu.memory_space<vmem>>
      %dma_start3A_313 = tpu.memref_squeeze %dma_start3A_312 : memref<1x128xi32, #tpu.memory_space<vmem>> -> memref<128xi32, #tpu.memory_space<vmem>>
      %dma_start3A_314 = arith.constant 0 : i32
      %dma_start3A_315 = arith.constant 0 : i32
      %dma_start3A_316 = tpu.memref_slice %arg33[%dma_start3A_314, %dma_start3A_315] : memref<10240x32xf32, #tpu.memory_space<vmem_shared>> -> memref<10240x32xf32, #tpu.memory_space<vmem_shared>>
      tpu.enqueue_indirect_dma source(%arg16 : memref<128x32xf32, #tpu.memory_space<vmem>>) target(%dma_start3A_316 : memref<10240x32xf32, #tpu.memory_space<vmem_shared>>) offsets(%dma_start3A_313 : memref<128xi32, #tpu.memory_space<vmem>>) semaphore(%arg32 : memref<!tpu.dma_semaphore, #tpu.memory_space<semaphore_mem>>) {add = true}
      %add3A_317 = arith.constant 4 : i32
      %add3A_318 = arith.addi %add3A_304, %add3A_317 : i32
      %sub3A_319 = arith.constant 8 : i32
      %sub3A_320 = arith.subi %add3A_318, %sub3A_319 : i32
      %ge3A_321 = arith.constant 0 : i32
      %ge3A_322 = arith.cmpi sge, %sub3A_320, %ge3A_321 : i32
      %convert_element_type3A_323 = arith.extui %ge3A_322 : i1 to i32
      %cond3A_324 = arith.constant 0 : i32
      %cond3A_325 = arith.cmpi ne, %convert_element_type3A_323, %cond3A_324 : i32
      scf.if %cond3A_325 {
        %sub3A_331 = arith.constant 8 : i32
        %sub3A_332 = arith.subi %add3A_318, %sub3A_331 : i32
        %dma_wait3A_333 = arith.constant 0 : i32
        %dma_wait3A_334 = tpu.memref_slice %arg8[%sub3A_332, %dma_wait3A_333] : memref<80x128xi32, #tpu.memory_space<vmem>> -> memref<1x128xi32, #tpu.memory_space<vmem>>
        %dma_wait3A_335 = tpu.memref_squeeze %dma_wait3A_334 : memref<1x128xi32, #tpu.memory_space<vmem>> -> memref<128xi32, #tpu.memory_space<vmem>>
        %dma_wait3A_336 = arith.constant 0 : i32
        %dma_wait3A_337 = arith.constant 0 : i32
        %dma_wait3A_338 = tpu.memref_slice %arg33[%dma_wait3A_336, %dma_wait3A_337] : memref<10240x32xf32, #tpu.memory_space<vmem_shared>> -> memref<10240x32xf32, #tpu.memory_space<vmem_shared>>
        tpu.wait_indirect_dma semaphore(%arg28 : memref<!tpu.dma_semaphore, #tpu.memory_space<semaphore_mem>>) src(%arg12 : memref<128x32xf32, #tpu.memory_space<vmem>>) dst(%dma_wait3A_338 : memref<10240x32xf32, #tpu.memory_space<vmem_shared>>)
      } else {
      }
      %lt3A_326 = arith.constant 80 : i32
      %lt3A_327 = arith.cmpi slt, %add3A_318, %lt3A_326 : i32
      %convert_element_type3A_328 = arith.extui %lt3A_327 : i1 to i32
      %cond3A_329 = arith.constant 0 : i32
      %cond3A_330 = arith.cmpi ne, %convert_element_type3A_328, %cond3A_329 : i32
      scf.if %cond3A_330 {
        %dma_start3A_331 = arith.constant 0 : i32
        %dma_start3A_332 = tpu.memref_slice %arg7[%add3A_318, %dma_start3A_331] : memref<80x128xi32, #tpu.memory_space<vmem>> -> memref<1x128xi32, #tpu.memory_space<vmem>>
        %dma_start3A_333 = tpu.memref_squeeze %dma_start3A_332 : memref<1x128xi32, #tpu.memory_space<vmem>> -> memref<128xi32, #tpu.memory_space<vmem>>
        %dma_start3A_334 = arith.constant 0 : i32
        %dma_start3A_335 = arith.constant 0 : i32
        %dma_start3A_336 = tpu.memref_slice %arg2[%dma_start3A_334, %dma_start3A_335] : memref<10000x32xf32, #tpu.memory_space<hbm>> -> memref<10000x32xf32, #tpu.memory_space<hbm>>
        tpu.enqueue_indirect_dma source(%dma_start3A_336 : memref<10000x32xf32, #tpu.memory_space<hbm>>) target(%arg12 : memref<128x32xf32, #tpu.memory_space<vmem>>) offsets(%dma_start3A_333 : memref<128xi32, #tpu.memory_space<vmem>>) semaphore(%arg20 : memref<!tpu.dma_semaphore, #tpu.memory_space<semaphore_mem>>)
      } else {
      }
    }
    %scan3A_75 = arith.constant 10 : i32
    %dma_wait3A_76 = arith.constant 76 : i32
    %dma_wait3A_77 = arith.constant 0 : i32
    %dma_wait3A_78 = tpu.memref_slice %arg8[%dma_wait3A_76, %dma_wait3A_77] : memref<80x128xi32, #tpu.memory_space<vmem>> -> memref<1x128xi32, #tpu.memory_space<vmem>>
    %dma_wait3A_79 = tpu.memref_squeeze %dma_wait3A_78 : memref<1x128xi32, #tpu.memory_space<vmem>> -> memref<128xi32, #tpu.memory_space<vmem>>
    %dma_wait3A_80 = arith.constant 0 : i32
    %dma_wait3A_81 = arith.constant 0 : i32
    %dma_wait3A_82 = tpu.memref_slice %arg33[%dma_wait3A_80, %dma_wait3A_81] : memref<10240x32xf32, #tpu.memory_space<vmem_shared>> -> memref<10240x32xf32, #tpu.memory_space<vmem_shared>>
    tpu.wait_indirect_dma semaphore(%arg29 : memref<!tpu.dma_semaphore, #tpu.memory_space<semaphore_mem>>) src(%arg13 : memref<128x32xf32, #tpu.memory_space<vmem>>) dst(%dma_wait3A_82 : memref<10240x32xf32, #tpu.memory_space<vmem_shared>>)
    %dma_wait3A_83 = arith.constant 77 : i32
    %dma_wait3A_84 = arith.constant 0 : i32
    %dma_wait3A_85 = tpu.memref_slice %arg8[%dma_wait3A_83, %dma_wait3A_84] : memref<80x128xi32, #tpu.memory_space<vmem>> -> memref<1x128xi32, #tpu.memory_space<vmem>>
    %dma_wait3A_86 = tpu.memref_squeeze %dma_wait3A_85 : memref<1x128xi32, #tpu.memory_space<vmem>> -> memref<128xi32, #tpu.memory_space<vmem>>
    %dma_wait3A_87 = arith.constant 0 : i32
    %dma_wait3A_88 = arith.constant 0 : i32
    %dma_wait3A_89 = tpu.memref_slice %arg33[%dma_wait3A_87, %dma_wait3A_88] : memref<10240x32xf32, #tpu.memory_space<vmem_shared>> -> memref<10240x32xf32, #tpu.memory_space<vmem_shared>>
    tpu.wait_indirect_dma semaphore(%arg30 : memref<!tpu.dma_semaphore, #tpu.memory_space<semaphore_mem>>) src(%arg14 : memref<128x32xf32, #tpu.memory_space<vmem>>) dst(%dma_wait3A_89 : memref<10240x32xf32, #tpu.memory_space<vmem_shared>>)
    %dma_wait3A_90 = arith.constant 78 : i32
    %dma_wait3A_91 = arith.constant 0 : i32
    %dma_wait3A_92 = tpu.memref_slice %arg8[%dma_wait3A_90, %dma_wait3A_91] : memref<80x128xi32, #tpu.memory_space<vmem>> -> memref<1x128xi32, #tpu.memory_space<vmem>>
    %dma_wait3A_93 = tpu.memref_squeeze %dma_wait3A_92 : memref<1x128xi32, #tpu.memory_space<vmem>> -> memref<128xi32, #tpu.memory_space<vmem>>
    %dma_wait3A_94 = arith.constant 0 : i32
    %dma_wait3A_95 = arith.constant 0 : i32
    %dma_wait3A_96 = tpu.memref_slice %arg33[%dma_wait3A_94, %dma_wait3A_95] : memref<10240x32xf32, #tpu.memory_space<vmem_shared>> -> memref<10240x32xf32, #tpu.memory_space<vmem_shared>>
    tpu.wait_indirect_dma semaphore(%arg31 : memref<!tpu.dma_semaphore, #tpu.memory_space<semaphore_mem>>) src(%arg15 : memref<128x32xf32, #tpu.memory_space<vmem>>) dst(%dma_wait3A_96 : memref<10240x32xf32, #tpu.memory_space<vmem_shared>>)
    %dma_wait3A_97 = arith.constant 79 : i32
    %dma_wait3A_98 = arith.constant 0 : i32
    %dma_wait3A_99 = tpu.memref_slice %arg8[%dma_wait3A_97, %dma_wait3A_98] : memref<80x128xi32, #tpu.memory_space<vmem>> -> memref<1x128xi32, #tpu.memory_space<vmem>>
    %dma_wait3A_100 = tpu.memref_squeeze %dma_wait3A_99 : memref<1x128xi32, #tpu.memory_space<vmem>> -> memref<128xi32, #tpu.memory_space<vmem>>
    %dma_wait3A_101 = arith.constant 0 : i32
    %dma_wait3A_102 = arith.constant 0 : i32
    %dma_wait3A_103 = tpu.memref_slice %arg33[%dma_wait3A_101, %dma_wait3A_102] : memref<10240x32xf32, #tpu.memory_space<vmem_shared>> -> memref<10240x32xf32, #tpu.memory_space<vmem_shared>>
    tpu.wait_indirect_dma semaphore(%arg32 : memref<!tpu.dma_semaphore, #tpu.memory_space<semaphore_mem>>) src(%arg16 : memref<128x32xf32, #tpu.memory_space<vmem>>) dst(%dma_wait3A_103 : memref<10240x32xf32, #tpu.memory_space<vmem_shared>>)
    %barrier3A_104 = arith.constant 0 : index
    tpu.barrier barrier_id(%barrier3A_104)
    %mul3A_105 = arith.constant 640 : i32
    %mul3A_106 = arith.muli %arg1, %mul3A_105 : i32
    %mul3A_107 = arith.constant 640 : i32
    %mul3A_108 = arith.muli %arg1, %mul3A_107 : i32
    "tpu.region"() ({
      %run_scoped3A = tpu.sem_alloc : memref<!tpu.dma_semaphore, #tpu.memory_space<semaphore_mem>>
      %dma_start3A_109 = arith.constant 0 : i32
      %dma_start3A_110 = tpu.memref_slice %arg6[%arg0, %mul3A_108, %dma_start3A_109] : memref<2x10240x32xf32, #tpu.memory_space<hbm>> -> memref<1x640x32xf32, #tpu.memory_space<hbm>>
      %dma_start3A_111 = tpu.memref_squeeze %dma_start3A_110 : memref<1x640x32xf32, #tpu.memory_space<hbm>> -> memref<640x32xf32, #tpu.memory_space<hbm>>
      %dma_start3A_112 = arith.constant 0 : i32
      %dma_start3A_113 = tpu.memref_slice %arg33[%mul3A_106, %dma_start3A_112] : memref<10240x32xf32, #tpu.memory_space<vmem_shared>> -> memref<640x32xf32, #tpu.memory_space<vmem_shared>>
      tpu.enqueue_dma source(%dma_start3A_113 : memref<640x32xf32, #tpu.memory_space<vmem_shared>>) target(%dma_start3A_111 : memref<640x32xf32, #tpu.memory_space<hbm>>) target_semaphore(%run_scoped3A : memref<!tpu.dma_semaphore, #tpu.memory_space<semaphore_mem>>)
      %dma_wait3A_114 = arith.constant 0 : i32
      %dma_wait3A_115 = tpu.memref_slice %arg6[%arg0, %mul3A_108, %dma_wait3A_114] : memref<2x10240x32xf32, #tpu.memory_space<hbm>> -> memref<1x640x32xf32, #tpu.memory_space<hbm>>
      %dma_wait3A_116 = tpu.memref_squeeze %dma_wait3A_115 : memref<1x640x32xf32, #tpu.memory_space<hbm>> -> memref<640x32xf32, #tpu.memory_space<hbm>>
      %dma_wait3A_117 = arith.constant 0 : i32
      %dma_wait3A_118 = tpu.memref_slice %arg33[%mul3A_106, %dma_wait3A_117] : memref<10240x32xf32, #tpu.memory_space<vmem_shared>> -> memref<640x32xf32, #tpu.memory_space<vmem_shared>>
      tpu.wait_dma2 semaphore(%run_scoped3A : memref<!tpu.dma_semaphore, #tpu.memory_space<semaphore_mem>>) src(%dma_wait3A_118 : memref<640x32xf32, #tpu.memory_space<vmem_shared>>) dst(%dma_wait3A_116 : memref<640x32xf32, #tpu.memory_space<hbm>>)
      tpu.yield
    }) : () -> ()
    return
  }
}

#map = affine_map<(d0, d1) -> (0, 0)>
#map1 = affine_map<(d0, d1) -> (0, 0, 0)>
module attributes {stable_mosaic.version = 14 : i64} {
  func.func @seg(%arg0: i32, %arg1: i32, %arg2: memref<10000x32xf32, #tpu.memory_space<hbm>>, %arg3: memref<32x80x128xi32, #tpu.memory_space<hbm>>, %arg4: memref<32x80x128xi32, #tpu.memory_space<hbm>>, %arg5: memref<10240x32xf32, #tpu.memory_space<hbm>>, %arg6: memref<2x10240x32xf32, #tpu.memory_space<hbm>>, %arg7: memref<80x128xi32, #tpu.memory_space<vmem>>, %arg8: memref<80x128xi32, #tpu.memory_space<vmem>>, %arg9: memref<128x32xf32, #tpu.memory_space<vmem>>, %arg10: memref<128x32xf32, #tpu.memory_space<vmem>>, %arg11: memref<128x32xf32, #tpu.memory_space<vmem>>, %arg12: memref<128x32xf32, #tpu.memory_space<vmem>>, %arg13: memref<128x32xf32, #tpu.memory_space<vmem>>, %arg14: memref<128x32xf32, #tpu.memory_space<vmem>>, %arg15: memref<128x32xf32, #tpu.memory_space<vmem>>, %arg16: memref<128x32xf32, #tpu.memory_space<vmem>>, %arg17: memref<!tpu.dma_semaphore, #tpu.memory_space<semaphore_mem>>, %arg18: memref<!tpu.dma_semaphore, #tpu.memory_space<semaphore_mem>>, %arg19: memref<!tpu.dma_semaphore, #tpu.memory_space<semaphore_mem>>, %arg20: memref<!tpu.dma_semaphore, #tpu.memory_space<semaphore_mem>>, %arg21: memref<!tpu.dma_semaphore, #tpu.memory_space<semaphore_mem>>, %arg22: memref<!tpu.dma_semaphore, #tpu.memory_space<semaphore_mem>>, %arg23: memref<!tpu.dma_semaphore, #tpu.memory_space<semaphore_mem>>, %arg24: memref<!tpu.dma_semaphore, #tpu.memory_space<semaphore_mem>>, %arg25: memref<!tpu.dma_semaphore, #tpu.memory_space<semaphore_mem>>, %arg26: memref<!tpu.dma_semaphore, #tpu.memory_space<semaphore_mem>>, %arg27: memref<!tpu.dma_semaphore, #tpu.memory_space<semaphore_mem>>, %arg28: memref<!tpu.dma_semaphore, #tpu.memory_space<semaphore_mem>>, %arg29: memref<!tpu.dma_semaphore, #tpu.memory_space<semaphore_mem>>, %arg30: memref<!tpu.dma_semaphore, #tpu.memory_space<semaphore_mem>>, %arg31: memref<!tpu.dma_semaphore, #tpu.memory_space<semaphore_mem>>, %arg32: memref<!tpu.dma_semaphore, #tpu.memory_space<semaphore_mem>>, %arg33: memref<10240x32xf32, #tpu.memory_space<vmem_shared>>, %arg34: memref<!tpu.dma_semaphore, #tpu.memory_space<semaphore_mem>>, %arg35: memref<!tpu.dma_semaphore, #tpu.memory_space<semaphore_mem>>, %arg36: memref<!tpu.dma_semaphore, #tpu.memory_space<semaphore_mem>>) attributes {dimension_semantics = [#tpu.dimension_semantics<core_parallel>, #tpu.dimension_semantics<subcore_parallel>], iteration_bounds = array<i64: 2, 16>, scalar_prefetch = 0 : i64, scratch_operands = 30 : i64, tpu.core_type = #tpu.core_type<sc_vector_subcore>, window_params = [{transform_indices = #map}, {transform_indices = #map1}, {transform_indices = #map1}, {transform_indices = #map}, {transform_indices = #map1}]} {
    %mul3A = arith.constant 16 : i32
    %mul3A_0 = arith.muli %arg0, %mul3A : i32
    %add3A = arith.addi %mul3A_0, %arg1 : i32
    %mul3A_1 = arith.constant 640 : i32
    %mul3A_2 = arith.muli %arg1, %mul3A_1 : i32
    %mul3A_3 = arith.constant 640 : i32
    %mul3A_4 = arith.muli %arg1, %mul3A_3 : i32
    %dma_start3A = arith.constant 0 : i32
    %dma_start3A_5 = tpu.memref_slice %arg33[%mul3A_4, %dma_start3A] : memref<10240x32xf32, #tpu.memory_space<vmem_shared>> -> memref<640x32xf32, #tpu.memory_space<vmem_shared>>
    %dma_start3A_6 = arith.constant 0 : i32
    %dma_start3A_7 = tpu.memref_slice %arg5[%mul3A_2, %dma_start3A_6] : memref<10240x32xf32, #tpu.memory_space<hbm>> -> memref<640x32xf32, #tpu.memory_space<hbm>>
    tpu.enqueue_dma source(%dma_start3A_7 : memref<640x32xf32, #tpu.memory_space<hbm>>) target(%dma_start3A_5 : memref<640x32xf32, #tpu.memory_space<vmem_shared>>) target_semaphore(%arg36 : memref<!tpu.dma_semaphore, #tpu.memory_space<semaphore_mem>>)
    %dma_start3A_8 = arith.constant 0 : i32
    %dma_start3A_9 = arith.constant 0 : i32
    %dma_start3A_10 = tpu.memref_slice %arg3[%add3A, %dma_start3A_8, %dma_start3A_9] : memref<32x80x128xi32, #tpu.memory_space<hbm>> -> memref<1x80x128xi32, #tpu.memory_space<hbm>>
    %dma_start3A_11 = tpu.memref_squeeze %dma_start3A_10 : memref<1x80x128xi32, #tpu.memory_space<hbm>> -> memref<80x128xi32, #tpu.memory_space<hbm>>
    %dma_start3A_12 = arith.constant 0 : i32
    %dma_start3A_13 = arith.constant 0 : i32
    %dma_start3A_14 = tpu.memref_slice %arg3[%add3A, %dma_start3A_12, %dma_start3A_13] : memref<32x80x128xi32, #tpu.memory_space<hbm>> -> memref<1x80x128xi32, #tpu.memory_space<hbm>>
    %dma_start3A_15 = tpu.memref_squeeze %dma_start3A_14 : memref<1x80x128xi32, #tpu.memory_space<hbm>> -> memref<80x128xi32, #tpu.memory_space<hbm>>
    tpu.enqueue_dma source(%dma_start3A_15 : memref<80x128xi32, #tpu.memory_space<hbm>>) target(%arg7 : memref<80x128xi32, #tpu.memory_space<vmem>>) target_semaphore(%arg34 : memref<!tpu.dma_semaphore, #tpu.memory_space<semaphore_mem>>)
    %dma_start3A_16 = arith.constant 0 : i32
    %dma_start3A_17 = arith.constant 0 : i32
    %dma_start3A_18 = tpu.memref_slice %arg4[%add3A, %dma_start3A_16, %dma_start3A_17] : memref<32x80x128xi32, #tpu.memory_space<hbm>> -> memref<1x80x128xi32, #tpu.memory_space<hbm>>
    %dma_start3A_19 = tpu.memref_squeeze %dma_start3A_18 : memref<1x80x128xi32, #tpu.memory_space<hbm>> -> memref<80x128xi32, #tpu.memory_space<hbm>>
    %dma_start3A_20 = arith.constant 0 : i32
    %dma_start3A_21 = arith.constant 0 : i32
    %dma_start3A_22 = tpu.memref_slice %arg4[%add3A, %dma_start3A_20, %dma_start3A_21] : memref<32x80x128xi32, #tpu.memory_space<hbm>> -> memref<1x80x128xi32, #tpu.memory_space<hbm>>
    %dma_start3A_23 = tpu.memref_squeeze %dma_start3A_22 : memref<1x80x128xi32, #tpu.memory_space<hbm>> -> memref<80x128xi32, #tpu.memory_space<hbm>>
    tpu.enqueue_dma source(%dma_start3A_23 : memref<80x128xi32, #tpu.memory_space<hbm>>) target(%arg8 : memref<80x128xi32, #tpu.memory_space<vmem>>) target_semaphore(%arg35 : memref<!tpu.dma_semaphore, #tpu.memory_space<semaphore_mem>>)
    %dma_wait3A = arith.constant 0 : i32
    %dma_wait3A_24 = arith.constant 0 : i32
    %dma_wait3A_25 = tpu.memref_slice %arg3[%add3A, %dma_wait3A, %dma_wait3A_24] : memref<32x80x128xi32, #tpu.memory_space<hbm>> -> memref<1x80x128xi32, #tpu.memory_space<hbm>>
    %dma_wait3A_26 = tpu.memref_squeeze %dma_wait3A_25 : memref<1x80x128xi32, #tpu.memory_space<hbm>> -> memref<80x128xi32, #tpu.memory_space<hbm>>
    %dma_wait3A_27 = arith.constant 0 : i32
    %dma_wait3A_28 = arith.constant 0 : i32
    %dma_wait3A_29 = tpu.memref_slice %arg3[%add3A, %dma_wait3A_27, %dma_wait3A_28] : memref<32x80x128xi32, #tpu.memory_space<hbm>> -> memref<1x80x128xi32, #tpu.memory_space<hbm>>
    %dma_wait3A_30 = tpu.memref_squeeze %dma_wait3A_29 : memref<1x80x128xi32, #tpu.memory_space<hbm>> -> memref<80x128xi32, #tpu.memory_space<hbm>>
    tpu.wait_dma2 semaphore(%arg34 : memref<!tpu.dma_semaphore, #tpu.memory_space<semaphore_mem>>) src(%dma_wait3A_30 : memref<80x128xi32, #tpu.memory_space<hbm>>) dst(%arg7 : memref<80x128xi32, #tpu.memory_space<vmem>>)
    %dma_start3A_31 = arith.constant 0 : i32
    %dma_start3A_32 = arith.constant 0 : i32
    %dma_start3A_33 = tpu.memref_slice %arg7[%dma_start3A_31, %dma_start3A_32] : memref<80x128xi32, #tpu.memory_space<vmem>> -> memref<1x128xi32, #tpu.memory_space<vmem>>
    %dma_start3A_34 = tpu.memref_squeeze %dma_start3A_33 : memref<1x128xi32, #tpu.memory_space<vmem>> -> memref<128xi32, #tpu.memory_space<vmem>>
    %dma_start3A_35 = arith.constant 0 : i32
    %dma_start3A_36 = arith.constant 0 : i32
    %dma_start3A_37 = tpu.memref_slice %arg2[%dma_start3A_35, %dma_start3A_36] : memref<10000x32xf32, #tpu.memory_space<hbm>> -> memref<10000x32xf32, #tpu.memory_space<hbm>>
    tpu.enqueue_indirect_dma source(%dma_start3A_37 : memref<10000x32xf32, #tpu.memory_space<hbm>>) target(%arg9 : memref<128x32xf32, #tpu.memory_space<vmem>>) offsets(%dma_start3A_34 : memref<128xi32, #tpu.memory_space<vmem>>) semaphore(%arg17 : memref<!tpu.dma_semaphore, #tpu.memory_space<semaphore_mem>>)
    %dma_start3A_38 = arith.constant 1 : i32
    %dma_start3A_39 = arith.constant 0 : i32
    %dma_start3A_40 = tpu.memref_slice %arg7[%dma_start3A_38, %dma_start3A_39] : memref<80x128xi32, #tpu.memory_space<vmem>> -> memref<1x128xi32, #tpu.memory_space<vmem>>
    %dma_start3A_41 = tpu.memref_squeeze %dma_start3A_40 : memref<1x128xi32, #tpu.memory_space<vmem>> -> memref<128xi32, #tpu.memory_space<vmem>>
    %dma_start3A_42 = arith.constant 0 : i32
    %dma_start3A_43 = arith.constant 0 : i32
    %dma_start3A_44 = tpu.memref_slice %arg2[%dma_start3A_42, %dma_start3A_43] : memref<10000x32xf32, #tpu.memory_space<hbm>> -> memref<10000x32xf32, #tpu.memory_space<hbm>>
    tpu.enqueue_indirect_dma source(%dma_start3A_44 : memref<10000x32xf32, #tpu.memory_space<hbm>>) target(%arg10 : memref<128x32xf32, #tpu.memory_space<vmem>>) offsets(%dma_start3A_41 : memref<128xi32, #tpu.memory_space<vmem>>) semaphore(%arg18 : memref<!tpu.dma_semaphore, #tpu.memory_space<semaphore_mem>>)
    %dma_start3A_45 = arith.constant 2 : i32
    %dma_start3A_46 = arith.constant 0 : i32
    %dma_start3A_47 = tpu.memref_slice %arg7[%dma_start3A_45, %dma_start3A_46] : memref<80x128xi32, #tpu.memory_space<vmem>> -> memref<1x128xi32, #tpu.memory_space<vmem>>
    %dma_start3A_48 = tpu.memref_squeeze %dma_start3A_47 : memref<1x128xi32, #tpu.memory_space<vmem>> -> memref<128xi32, #tpu.memory_space<vmem>>
    %dma_start3A_49 = arith.constant 0 : i32
    %dma_start3A_50 = arith.constant 0 : i32
    %dma_start3A_51 = tpu.memref_slice %arg2[%dma_start3A_49, %dma_start3A_50] : memref<10000x32xf32, #tpu.memory_space<hbm>> -> memref<10000x32xf32, #tpu.memory_space<hbm>>
    tpu.enqueue_indirect_dma source(%dma_start3A_51 : memref<10000x32xf32, #tpu.memory_space<hbm>>) target(%arg11 : memref<128x32xf32, #tpu.memory_space<vmem>>) offsets(%dma_start3A_48 : memref<128xi32, #tpu.memory_space<vmem>>) semaphore(%arg19 : memref<!tpu.dma_semaphore, #tpu.memory_space<semaphore_mem>>)
    %dma_start3A_52 = arith.constant 3 : i32
    %dma_start3A_53 = arith.constant 0 : i32
    %dma_start3A_54 = tpu.memref_slice %arg7[%dma_start3A_52, %dma_start3A_53] : memref<80x128xi32, #tpu.memory_space<vmem>> -> memref<1x128xi32, #tpu.memory_space<vmem>>
    %dma_start3A_55 = tpu.memref_squeeze %dma_start3A_54 : memref<1x128xi32, #tpu.memory_space<vmem>> -> memref<128xi32, #tpu.memory_space<vmem>>
    %dma_start3A_56 = arith.constant 0 : i32
    %dma_start3A_57 = arith.constant 0 : i32
    %dma_start3A_58 = tpu.memref_slice %arg2[%dma_start3A_56, %dma_start3A_57] : memref<10000x32xf32, #tpu.memory_space<hbm>> -> memref<10000x32xf32, #tpu.memory_space<hbm>>
    tpu.enqueue_indirect_dma source(%dma_start3A_58 : memref<10000x32xf32, #tpu.memory_space<hbm>>) target(%arg12 : memref<128x32xf32, #tpu.memory_space<vmem>>) offsets(%dma_start3A_55 : memref<128xi32, #tpu.memory_space<vmem>>) semaphore(%arg20 : memref<!tpu.dma_semaphore, #tpu.memory_space<semaphore_mem>>)
    %dma_wait3A_59 = arith.constant 0 : i32
    %dma_wait3A_60 = arith.constant 0 : i32
    %dma_wait3A_61 = tpu.memref_slice %arg4[%add3A, %dma_wait3A_59, %dma_wait3A_60] : memref<32x80x128xi32, #tpu.memory_space<hbm>> -> memref<1x80x128xi32, #tpu.memory_space<hbm>>
    %dma_wait3A_62 = tpu.memref_squeeze %dma_wait3A_61 : memref<1x80x128xi32, #tpu.memory_space<hbm>> -> memref<80x128xi32, #tpu.memory_space<hbm>>
    %dma_wait3A_63 = arith.constant 0 : i32
    %dma_wait3A_64 = arith.constant 0 : i32
    %dma_wait3A_65 = tpu.memref_slice %arg4[%add3A, %dma_wait3A_63, %dma_wait3A_64] : memref<32x80x128xi32, #tpu.memory_space<hbm>> -> memref<1x80x128xi32, #tpu.memory_space<hbm>>
    %dma_wait3A_66 = tpu.memref_squeeze %dma_wait3A_65 : memref<1x80x128xi32, #tpu.memory_space<hbm>> -> memref<80x128xi32, #tpu.memory_space<hbm>>
    tpu.wait_dma2 semaphore(%arg35 : memref<!tpu.dma_semaphore, #tpu.memory_space<semaphore_mem>>) src(%dma_wait3A_66 : memref<80x128xi32, #tpu.memory_space<hbm>>) dst(%arg8 : memref<80x128xi32, #tpu.memory_space<vmem>>)
    %dma_wait3A_67 = arith.constant 0 : i32
    %dma_wait3A_68 = tpu.memref_slice %arg33[%mul3A_4, %dma_wait3A_67] : memref<10240x32xf32, #tpu.memory_space<vmem_shared>> -> memref<640x32xf32, #tpu.memory_space<vmem_shared>>
    %dma_wait3A_69 = arith.constant 0 : i32
    %dma_wait3A_70 = tpu.memref_slice %arg5[%mul3A_2, %dma_wait3A_69] : memref<10240x32xf32, #tpu.memory_space<hbm>> -> memref<640x32xf32, #tpu.memory_space<hbm>>
    tpu.wait_dma2 semaphore(%arg36 : memref<!tpu.dma_semaphore, #tpu.memory_space<semaphore_mem>>) src(%dma_wait3A_70 : memref<640x32xf32, #tpu.memory_space<hbm>>) dst(%dma_wait3A_68 : memref<640x32xf32, #tpu.memory_space<vmem_shared>>)
    %barrier3A = arith.constant 0 : index
    tpu.barrier barrier_id(%barrier3A)
    %scan3A = arith.constant 0 : i32
    %scan3A_71 = arith.constant 0 : i32
    %scan3A_72 = arith.constant 10 : i32
    %scan3A_73 = arith.addi %scan3A_71, %scan3A_72 : i32
    %scan3A_74 = arith.constant 1 : i32
    scf.for %scan3A_109 = %scan3A_71 to %scan3A_73 step %scan3A_74  : i32 {
      %mul3A_110 = arith.constant 8 : i32
      %mul3A_111 = arith.muli %mul3A_110, %scan3A_109 : i32
      %add3A_112 = arith.constant 0 : i32
      %add3A_113 = arith.addi %mul3A_111, %add3A_112 : i32
      %dma_wait3A_114 = arith.constant 0 : i32
      %dma_wait3A_115 = tpu.memref_slice %arg7[%add3A_113, %dma_wait3A_114] : memref<80x128xi32, #tpu.memory_space<vmem>> -> memref<1x128xi32, #tpu.memory_space<vmem>>
      %dma_wait3A_116 = tpu.memref_squeeze %dma_wait3A_115 : memref<1x128xi32, #tpu.memory_space<vmem>> -> memref<128xi32, #tpu.memory_space<vmem>>
      %dma_wait3A_117 = arith.constant 0 : i32
      %dma_wait3A_118 = arith.constant 0 : i32
      %dma_wait3A_119 = tpu.memref_slice %arg2[%dma_wait3A_117, %dma_wait3A_118] : memref<10000x32xf32, #tpu.memory_space<hbm>> -> memref<10000x32xf32, #tpu.memory_space<hbm>>
      tpu.wait_indirect_dma semaphore(%arg17 : memref<!tpu.dma_semaphore, #tpu.memory_space<semaphore_mem>>) src(%dma_wait3A_119 : memref<10000x32xf32, #tpu.memory_space<hbm>>) dst(%arg9 : memref<128x32xf32, #tpu.memory_space<vmem>>)
      %dma_start3A_120 = arith.constant 0 : i32
      %dma_start3A_121 = tpu.memref_slice %arg8[%add3A_113, %dma_start3A_120] : memref<80x128xi32, #tpu.memory_space<vmem>> -> memref<1x128xi32, #tpu.memory_space<vmem>>
      %dma_start3A_122 = tpu.memref_squeeze %dma_start3A_121 : memref<1x128xi32, #tpu.memory_space<vmem>> -> memref<128xi32, #tpu.memory_space<vmem>>
      %dma_start3A_123 = arith.constant 0 : i32
      %dma_start3A_124 = arith.constant 0 : i32
      %dma_start3A_125 = tpu.memref_slice %arg33[%dma_start3A_123, %dma_start3A_124] : memref<10240x32xf32, #tpu.memory_space<vmem_shared>> -> memref<10240x32xf32, #tpu.memory_space<vmem_shared>>
      tpu.enqueue_indirect_dma source(%arg9 : memref<128x32xf32, #tpu.memory_space<vmem>>) target(%dma_start3A_125 : memref<10240x32xf32, #tpu.memory_space<vmem_shared>>) offsets(%dma_start3A_122 : memref<128xi32, #tpu.memory_space<vmem>>) semaphore(%arg25 : memref<!tpu.dma_semaphore, #tpu.memory_space<semaphore_mem>>) {add = true}
      %add3A_126 = arith.constant 4 : i32
      %add3A_127 = arith.addi %add3A_113, %add3A_126 : i32
      %sub3A = arith.constant 8 : i32
      %sub3A_128 = arith.subi %add3A_127, %sub3A : i32
      %ge3A = arith.constant 0 : i32
      %ge3A_129 = arith.cmpi sge, %sub3A_128, %ge3A : i32
      %convert_element_type3A = arith.extui %ge3A_129 : i1 to i32
      %cond3A = arith.constant 0 : i32
      %cond3A_130 = arith.cmpi ne, %convert_element_type3A, %cond3A : i32
      scf.if %cond3A_130 {
        %sub3A_331 = arith.constant 8 : i32
        %sub3A_332 = arith.subi %add3A_127, %sub3A_331 : i32
        %dma_wait3A_333 = arith.constant 0 : i32
        %dma_wait3A_334 = tpu.memref_slice %arg8[%sub3A_332, %dma_wait3A_333] : memref<80x128xi32, #tpu.memory_space<vmem>> -> memref<1x128xi32, #tpu.memory_space<vmem>>
        %dma_wait3A_335 = tpu.memref_squeeze %dma_wait3A_334 : memref<1x128xi32, #tpu.memory_space<vmem>> -> memref<128xi32, #tpu.memory_space<vmem>>
        %dma_wait3A_336 = arith.constant 0 : i32
        %dma_wait3A_337 = arith.constant 0 : i32
        %dma_wait3A_338 = tpu.memref_slice %arg33[%dma_wait3A_336, %dma_wait3A_337] : memref<10240x32xf32, #tpu.memory_space<vmem_shared>> -> memref<10240x32xf32, #tpu.memory_space<vmem_shared>>
        tpu.wait_indirect_dma semaphore(%arg29 : memref<!tpu.dma_semaphore, #tpu.memory_space<semaphore_mem>>) src(%arg13 : memref<128x32xf32, #tpu.memory_space<vmem>>) dst(%dma_wait3A_338 : memref<10240x32xf32, #tpu.memory_space<vmem_shared>>)
      } else {
      }
      %lt3A = arith.constant 80 : i32
      %lt3A_131 = arith.cmpi slt, %add3A_127, %lt3A : i32
      %convert_element_type3A_132 = arith.extui %lt3A_131 : i1 to i32
      %cond3A_133 = arith.constant 0 : i32
      %cond3A_134 = arith.cmpi ne, %convert_element_type3A_132, %cond3A_133 : i32
      scf.if %cond3A_134 {
        %dma_start3A_331 = arith.constant 0 : i32
        %dma_start3A_332 = tpu.memref_slice %arg7[%add3A_127, %dma_start3A_331] : memref<80x128xi32, #tpu.memory_space<vmem>> -> memref<1x128xi32, #tpu.memory_space<vmem>>
        %dma_start3A_333 = tpu.memref_squeeze %dma_start3A_332 : memref<1x128xi32, #tpu.memory_space<vmem>> -> memref<128xi32, #tpu.memory_space<vmem>>
        %dma_start3A_334 = arith.constant 0 : i32
        %dma_start3A_335 = arith.constant 0 : i32
        %dma_start3A_336 = tpu.memref_slice %arg2[%dma_start3A_334, %dma_start3A_335] : memref<10000x32xf32, #tpu.memory_space<hbm>> -> memref<10000x32xf32, #tpu.memory_space<hbm>>
        tpu.enqueue_indirect_dma source(%dma_start3A_336 : memref<10000x32xf32, #tpu.memory_space<hbm>>) target(%arg13 : memref<128x32xf32, #tpu.memory_space<vmem>>) offsets(%dma_start3A_333 : memref<128xi32, #tpu.memory_space<vmem>>) semaphore(%arg21 : memref<!tpu.dma_semaphore, #tpu.memory_space<semaphore_mem>>)
      } else {
      }
      %add3A_135 = arith.constant 1 : i32
      %add3A_136 = arith.addi %mul3A_111, %add3A_135 : i32
      %dma_wait3A_137 = arith.constant 0 : i32
      %dma_wait3A_138 = tpu.memref_slice %arg7[%add3A_136, %dma_wait3A_137] : memref<80x128xi32, #tpu.memory_space<vmem>> -> memref<1x128xi32, #tpu.memory_space<vmem>>
      %dma_wait3A_139 = tpu.memref_squeeze %dma_wait3A_138 : memref<1x128xi32, #tpu.memory_space<vmem>> -> memref<128xi32, #tpu.memory_space<vmem>>
      %dma_wait3A_140 = arith.constant 0 : i32
      %dma_wait3A_141 = arith.constant 0 : i32
      %dma_wait3A_142 = tpu.memref_slice %arg2[%dma_wait3A_140, %dma_wait3A_141] : memref<10000x32xf32, #tpu.memory_space<hbm>> -> memref<10000x32xf32, #tpu.memory_space<hbm>>
      tpu.wait_indirect_dma semaphore(%arg18 : memref<!tpu.dma_semaphore, #tpu.memory_space<semaphore_mem>>) src(%dma_wait3A_142 : memref<10000x32xf32, #tpu.memory_space<hbm>>) dst(%arg10 : memref<128x32xf32, #tpu.memory_space<vmem>>)
      %dma_start3A_143 = arith.constant 0 : i32
      %dma_start3A_144 = tpu.memref_slice %arg8[%add3A_136, %dma_start3A_143] : memref<80x128xi32, #tpu.memory_space<vmem>> -> memref<1x128xi32, #tpu.memory_space<vmem>>
      %dma_start3A_145 = tpu.memref_squeeze %dma_start3A_144 : memref<1x128xi32, #tpu.memory_space<vmem>> -> memref<128xi32, #tpu.memory_space<vmem>>
      %dma_start3A_146 = arith.constant 0 : i32
      %dma_start3A_147 = arith.constant 0 : i32
      %dma_start3A_148 = tpu.memref_slice %arg33[%dma_start3A_146, %dma_start3A_147] : memref<10240x32xf32, #tpu.memory_space<vmem_shared>> -> memref<10240x32xf32, #tpu.memory_space<vmem_shared>>
      tpu.enqueue_indirect_dma source(%arg10 : memref<128x32xf32, #tpu.memory_space<vmem>>) target(%dma_start3A_148 : memref<10240x32xf32, #tpu.memory_space<vmem_shared>>) offsets(%dma_start3A_145 : memref<128xi32, #tpu.memory_space<vmem>>) semaphore(%arg26 : memref<!tpu.dma_semaphore, #tpu.memory_space<semaphore_mem>>) {add = true}
      %add3A_149 = arith.constant 4 : i32
      %add3A_150 = arith.addi %add3A_136, %add3A_149 : i32
      %sub3A_151 = arith.constant 8 : i32
      %sub3A_152 = arith.subi %add3A_150, %sub3A_151 : i32
      %ge3A_153 = arith.constant 0 : i32
      %ge3A_154 = arith.cmpi sge, %sub3A_152, %ge3A_153 : i32
      %convert_element_type3A_155 = arith.extui %ge3A_154 : i1 to i32
      %cond3A_156 = arith.constant 0 : i32
      %cond3A_157 = arith.cmpi ne, %convert_element_type3A_155, %cond3A_156 : i32
      scf.if %cond3A_157 {
        %sub3A_331 = arith.constant 8 : i32
        %sub3A_332 = arith.subi %add3A_150, %sub3A_331 : i32
        %dma_wait3A_333 = arith.constant 0 : i32
        %dma_wait3A_334 = tpu.memref_slice %arg8[%sub3A_332, %dma_wait3A_333] : memref<80x128xi32, #tpu.memory_space<vmem>> -> memref<1x128xi32, #tpu.memory_space<vmem>>
        %dma_wait3A_335 = tpu.memref_squeeze %dma_wait3A_334 : memref<1x128xi32, #tpu.memory_space<vmem>> -> memref<128xi32, #tpu.memory_space<vmem>>
        %dma_wait3A_336 = arith.constant 0 : i32
        %dma_wait3A_337 = arith.constant 0 : i32
        %dma_wait3A_338 = tpu.memref_slice %arg33[%dma_wait3A_336, %dma_wait3A_337] : memref<10240x32xf32, #tpu.memory_space<vmem_shared>> -> memref<10240x32xf32, #tpu.memory_space<vmem_shared>>
        tpu.wait_indirect_dma semaphore(%arg30 : memref<!tpu.dma_semaphore, #tpu.memory_space<semaphore_mem>>) src(%arg14 : memref<128x32xf32, #tpu.memory_space<vmem>>) dst(%dma_wait3A_338 : memref<10240x32xf32, #tpu.memory_space<vmem_shared>>)
      } else {
      }
      %lt3A_158 = arith.constant 80 : i32
      %lt3A_159 = arith.cmpi slt, %add3A_150, %lt3A_158 : i32
      %convert_element_type3A_160 = arith.extui %lt3A_159 : i1 to i32
      %cond3A_161 = arith.constant 0 : i32
      %cond3A_162 = arith.cmpi ne, %convert_element_type3A_160, %cond3A_161 : i32
      scf.if %cond3A_162 {
        %dma_start3A_331 = arith.constant 0 : i32
        %dma_start3A_332 = tpu.memref_slice %arg7[%add3A_150, %dma_start3A_331] : memref<80x128xi32, #tpu.memory_space<vmem>> -> memref<1x128xi32, #tpu.memory_space<vmem>>
        %dma_start3A_333 = tpu.memref_squeeze %dma_start3A_332 : memref<1x128xi32, #tpu.memory_space<vmem>> -> memref<128xi32, #tpu.memory_space<vmem>>
        %dma_start3A_334 = arith.constant 0 : i32
        %dma_start3A_335 = arith.constant 0 : i32
        %dma_start3A_336 = tpu.memref_slice %arg2[%dma_start3A_334, %dma_start3A_335] : memref<10000x32xf32, #tpu.memory_space<hbm>> -> memref<10000x32xf32, #tpu.memory_space<hbm>>
        tpu.enqueue_indirect_dma source(%dma_start3A_336 : memref<10000x32xf32, #tpu.memory_space<hbm>>) target(%arg14 : memref<128x32xf32, #tpu.memory_space<vmem>>) offsets(%dma_start3A_333 : memref<128xi32, #tpu.memory_space<vmem>>) semaphore(%arg22 : memref<!tpu.dma_semaphore, #tpu.memory_space<semaphore_mem>>)
      } else {
      }
      %add3A_163 = arith.constant 2 : i32
      %add3A_164 = arith.addi %mul3A_111, %add3A_163 : i32
      %dma_wait3A_165 = arith.constant 0 : i32
      %dma_wait3A_166 = tpu.memref_slice %arg7[%add3A_164, %dma_wait3A_165] : memref<80x128xi32, #tpu.memory_space<vmem>> -> memref<1x128xi32, #tpu.memory_space<vmem>>
      %dma_wait3A_167 = tpu.memref_squeeze %dma_wait3A_166 : memref<1x128xi32, #tpu.memory_space<vmem>> -> memref<128xi32, #tpu.memory_space<vmem>>
      %dma_wait3A_168 = arith.constant 0 : i32
      %dma_wait3A_169 = arith.constant 0 : i32
      %dma_wait3A_170 = tpu.memref_slice %arg2[%dma_wait3A_168, %dma_wait3A_169] : memref<10000x32xf32, #tpu.memory_space<hbm>> -> memref<10000x32xf32, #tpu.memory_space<hbm>>
      tpu.wait_indirect_dma semaphore(%arg19 : memref<!tpu.dma_semaphore, #tpu.memory_space<semaphore_mem>>) src(%dma_wait3A_170 : memref<10000x32xf32, #tpu.memory_space<hbm>>) dst(%arg11 : memref<128x32xf32, #tpu.memory_space<vmem>>)
      %dma_start3A_171 = arith.constant 0 : i32
      %dma_start3A_172 = tpu.memref_slice %arg8[%add3A_164, %dma_start3A_171] : memref<80x128xi32, #tpu.memory_space<vmem>> -> memref<1x128xi32, #tpu.memory_space<vmem>>
      %dma_start3A_173 = tpu.memref_squeeze %dma_start3A_172 : memref<1x128xi32, #tpu.memory_space<vmem>> -> memref<128xi32, #tpu.memory_space<vmem>>
      %dma_start3A_174 = arith.constant 0 : i32
      %dma_start3A_175 = arith.constant 0 : i32
      %dma_start3A_176 = tpu.memref_slice %arg33[%dma_start3A_174, %dma_start3A_175] : memref<10240x32xf32, #tpu.memory_space<vmem_shared>> -> memref<10240x32xf32, #tpu.memory_space<vmem_shared>>
      tpu.enqueue_indirect_dma source(%arg11 : memref<128x32xf32, #tpu.memory_space<vmem>>) target(%dma_start3A_176 : memref<10240x32xf32, #tpu.memory_space<vmem_shared>>) offsets(%dma_start3A_173 : memref<128xi32, #tpu.memory_space<vmem>>) semaphore(%arg27 : memref<!tpu.dma_semaphore, #tpu.memory_space<semaphore_mem>>) {add = true}
      %add3A_177 = arith.constant 4 : i32
      %add3A_178 = arith.addi %add3A_164, %add3A_177 : i32
      %sub3A_179 = arith.constant 8 : i32
      %sub3A_180 = arith.subi %add3A_178, %sub3A_179 : i32
      %ge3A_181 = arith.constant 0 : i32
      %ge3A_182 = arith.cmpi sge, %sub3A_180, %ge3A_181 : i32
      %convert_element_type3A_183 = arith.extui %ge3A_182 : i1 to i32
      %cond3A_184 = arith.constant 0 : i32
      %cond3A_185 = arith.cmpi ne, %convert_element_type3A_183, %cond3A_184 : i32
      scf.if %cond3A_185 {
        %sub3A_331 = arith.constant 8 : i32
        %sub3A_332 = arith.subi %add3A_178, %sub3A_331 : i32
        %dma_wait3A_333 = arith.constant 0 : i32
        %dma_wait3A_334 = tpu.memref_slice %arg8[%sub3A_332, %dma_wait3A_333] : memref<80x128xi32, #tpu.memory_space<vmem>> -> memref<1x128xi32, #tpu.memory_space<vmem>>
        %dma_wait3A_335 = tpu.memref_squeeze %dma_wait3A_334 : memref<1x128xi32, #tpu.memory_space<vmem>> -> memref<128xi32, #tpu.memory_space<vmem>>
        %dma_wait3A_336 = arith.constant 0 : i32
        %dma_wait3A_337 = arith.constant 0 : i32
        %dma_wait3A_338 = tpu.memref_slice %arg33[%dma_wait3A_336, %dma_wait3A_337] : memref<10240x32xf32, #tpu.memory_space<vmem_shared>> -> memref<10240x32xf32, #tpu.memory_space<vmem_shared>>
        tpu.wait_indirect_dma semaphore(%arg31 : memref<!tpu.dma_semaphore, #tpu.memory_space<semaphore_mem>>) src(%arg15 : memref<128x32xf32, #tpu.memory_space<vmem>>) dst(%dma_wait3A_338 : memref<10240x32xf32, #tpu.memory_space<vmem_shared>>)
      } else {
      }
      %lt3A_186 = arith.constant 80 : i32
      %lt3A_187 = arith.cmpi slt, %add3A_178, %lt3A_186 : i32
      %convert_element_type3A_188 = arith.extui %lt3A_187 : i1 to i32
      %cond3A_189 = arith.constant 0 : i32
      %cond3A_190 = arith.cmpi ne, %convert_element_type3A_188, %cond3A_189 : i32
      scf.if %cond3A_190 {
        %dma_start3A_331 = arith.constant 0 : i32
        %dma_start3A_332 = tpu.memref_slice %arg7[%add3A_178, %dma_start3A_331] : memref<80x128xi32, #tpu.memory_space<vmem>> -> memref<1x128xi32, #tpu.memory_space<vmem>>
        %dma_start3A_333 = tpu.memref_squeeze %dma_start3A_332 : memref<1x128xi32, #tpu.memory_space<vmem>> -> memref<128xi32, #tpu.memory_space<vmem>>
        %dma_start3A_334 = arith.constant 0 : i32
        %dma_start3A_335 = arith.constant 0 : i32
        %dma_start3A_336 = tpu.memref_slice %arg2[%dma_start3A_334, %dma_start3A_335] : memref<10000x32xf32, #tpu.memory_space<hbm>> -> memref<10000x32xf32, #tpu.memory_space<hbm>>
        tpu.enqueue_indirect_dma source(%dma_start3A_336 : memref<10000x32xf32, #tpu.memory_space<hbm>>) target(%arg15 : memref<128x32xf32, #tpu.memory_space<vmem>>) offsets(%dma_start3A_333 : memref<128xi32, #tpu.memory_space<vmem>>) semaphore(%arg23 : memref<!tpu.dma_semaphore, #tpu.memory_space<semaphore_mem>>)
      } else {
      }
      %add3A_191 = arith.constant 3 : i32
      %add3A_192 = arith.addi %mul3A_111, %add3A_191 : i32
      %dma_wait3A_193 = arith.constant 0 : i32
      %dma_wait3A_194 = tpu.memref_slice %arg7[%add3A_192, %dma_wait3A_193] : memref<80x128xi32, #tpu.memory_space<vmem>> -> memref<1x128xi32, #tpu.memory_space<vmem>>
      %dma_wait3A_195 = tpu.memref_squeeze %dma_wait3A_194 : memref<1x128xi32, #tpu.memory_space<vmem>> -> memref<128xi32, #tpu.memory_space<vmem>>
      %dma_wait3A_196 = arith.constant 0 : i32
      %dma_wait3A_197 = arith.constant 0 : i32
      %dma_wait3A_198 = tpu.memref_slice %arg2[%dma_wait3A_196, %dma_wait3A_197] : memref<10000x32xf32, #tpu.memory_space<hbm>> -> memref<10000x32xf32, #tpu.memory_space<hbm>>
      tpu.wait_indirect_dma semaphore(%arg20 : memref<!tpu.dma_semaphore, #tpu.memory_space<semaphore_mem>>) src(%dma_wait3A_198 : memref<10000x32xf32, #tpu.memory_space<hbm>>) dst(%arg12 : memref<128x32xf32, #tpu.memory_space<vmem>>)
      %dma_start3A_199 = arith.constant 0 : i32
      %dma_start3A_200 = tpu.memref_slice %arg8[%add3A_192, %dma_start3A_199] : memref<80x128xi32, #tpu.memory_space<vmem>> -> memref<1x128xi32, #tpu.memory_space<vmem>>
      %dma_start3A_201 = tpu.memref_squeeze %dma_start3A_200 : memref<1x128xi32, #tpu.memory_space<vmem>> -> memref<128xi32, #tpu.memory_space<vmem>>
      %dma_start3A_202 = arith.constant 0 : i32
      %dma_start3A_203 = arith.constant 0 : i32
      %dma_start3A_204 = tpu.memref_slice %arg33[%dma_start3A_202, %dma_start3A_203] : memref<10240x32xf32, #tpu.memory_space<vmem_shared>> -> memref<10240x32xf32, #tpu.memory_space<vmem_shared>>
      tpu.enqueue_indirect_dma source(%arg12 : memref<128x32xf32, #tpu.memory_space<vmem>>) target(%dma_start3A_204 : memref<10240x32xf32, #tpu.memory_space<vmem_shared>>) offsets(%dma_start3A_201 : memref<128xi32, #tpu.memory_space<vmem>>) semaphore(%arg28 : memref<!tpu.dma_semaphore, #tpu.memory_space<semaphore_mem>>) {add = true}
      %add3A_205 = arith.constant 4 : i32
      %add3A_206 = arith.addi %add3A_192, %add3A_205 : i32
      %sub3A_207 = arith.constant 8 : i32
      %sub3A_208 = arith.subi %add3A_206, %sub3A_207 : i32
      %ge3A_209 = arith.constant 0 : i32
      %ge3A_210 = arith.cmpi sge, %sub3A_208, %ge3A_209 : i32
      %convert_element_type3A_211 = arith.extui %ge3A_210 : i1 to i32
      %cond3A_212 = arith.constant 0 : i32
      %cond3A_213 = arith.cmpi ne, %convert_element_type3A_211, %cond3A_212 : i32
      scf.if %cond3A_213 {
        %sub3A_331 = arith.constant 8 : i32
        %sub3A_332 = arith.subi %add3A_206, %sub3A_331 : i32
        %dma_wait3A_333 = arith.constant 0 : i32
        %dma_wait3A_334 = tpu.memref_slice %arg8[%sub3A_332, %dma_wait3A_333] : memref<80x128xi32, #tpu.memory_space<vmem>> -> memref<1x128xi32, #tpu.memory_space<vmem>>
        %dma_wait3A_335 = tpu.memref_squeeze %dma_wait3A_334 : memref<1x128xi32, #tpu.memory_space<vmem>> -> memref<128xi32, #tpu.memory_space<vmem>>
        %dma_wait3A_336 = arith.constant 0 : i32
        %dma_wait3A_337 = arith.constant 0 : i32
        %dma_wait3A_338 = tpu.memref_slice %arg33[%dma_wait3A_336, %dma_wait3A_337] : memref<10240x32xf32, #tpu.memory_space<vmem_shared>> -> memref<10240x32xf32, #tpu.memory_space<vmem_shared>>
        tpu.wait_indirect_dma semaphore(%arg32 : memref<!tpu.dma_semaphore, #tpu.memory_space<semaphore_mem>>) src(%arg16 : memref<128x32xf32, #tpu.memory_space<vmem>>) dst(%dma_wait3A_338 : memref<10240x32xf32, #tpu.memory_space<vmem_shared>>)
      } else {
      }
      %lt3A_214 = arith.constant 80 : i32
      %lt3A_215 = arith.cmpi slt, %add3A_206, %lt3A_214 : i32
      %convert_element_type3A_216 = arith.extui %lt3A_215 : i1 to i32
      %cond3A_217 = arith.constant 0 : i32
      %cond3A_218 = arith.cmpi ne, %convert_element_type3A_216, %cond3A_217 : i32
      scf.if %cond3A_218 {
        %dma_start3A_331 = arith.constant 0 : i32
        %dma_start3A_332 = tpu.memref_slice %arg7[%add3A_206, %dma_start3A_331] : memref<80x128xi32, #tpu.memory_space<vmem>> -> memref<1x128xi32, #tpu.memory_space<vmem>>
        %dma_start3A_333 = tpu.memref_squeeze %dma_start3A_332 : memref<1x128xi32, #tpu.memory_space<vmem>> -> memref<128xi32, #tpu.memory_space<vmem>>
        %dma_start3A_334 = arith.constant 0 : i32
        %dma_start3A_335 = arith.constant 0 : i32
        %dma_start3A_336 = tpu.memref_slice %arg2[%dma_start3A_334, %dma_start3A_335] : memref<10000x32xf32, #tpu.memory_space<hbm>> -> memref<10000x32xf32, #tpu.memory_space<hbm>>
        tpu.enqueue_indirect_dma source(%dma_start3A_336 : memref<10000x32xf32, #tpu.memory_space<hbm>>) target(%arg16 : memref<128x32xf32, #tpu.memory_space<vmem>>) offsets(%dma_start3A_333 : memref<128xi32, #tpu.memory_space<vmem>>) semaphore(%arg24 : memref<!tpu.dma_semaphore, #tpu.memory_space<semaphore_mem>>)
      } else {
      }
      %add3A_219 = arith.constant 4 : i32
      %add3A_220 = arith.addi %mul3A_111, %add3A_219 : i32
      %dma_wait3A_221 = arith.constant 0 : i32
      %dma_wait3A_222 = tpu.memref_slice %arg7[%add3A_220, %dma_wait3A_221] : memref<80x128xi32, #tpu.memory_space<vmem>> -> memref<1x128xi32, #tpu.memory_space<vmem>>
      %dma_wait3A_223 = tpu.memref_squeeze %dma_wait3A_222 : memref<1x128xi32, #tpu.memory_space<vmem>> -> memref<128xi32, #tpu.memory_space<vmem>>
      %dma_wait3A_224 = arith.constant 0 : i32
      %dma_wait3A_225 = arith.constant 0 : i32
      %dma_wait3A_226 = tpu.memref_slice %arg2[%dma_wait3A_224, %dma_wait3A_225] : memref<10000x32xf32, #tpu.memory_space<hbm>> -> memref<10000x32xf32, #tpu.memory_space<hbm>>
      tpu.wait_indirect_dma semaphore(%arg21 : memref<!tpu.dma_semaphore, #tpu.memory_space<semaphore_mem>>) src(%dma_wait3A_226 : memref<10000x32xf32, #tpu.memory_space<hbm>>) dst(%arg13 : memref<128x32xf32, #tpu.memory_space<vmem>>)
      %dma_start3A_227 = arith.constant 0 : i32
      %dma_start3A_228 = tpu.memref_slice %arg8[%add3A_220, %dma_start3A_227] : memref<80x128xi32, #tpu.memory_space<vmem>> -> memref<1x128xi32, #tpu.memory_space<vmem>>
      %dma_start3A_229 = tpu.memref_squeeze %dma_start3A_228 : memref<1x128xi32, #tpu.memory_space<vmem>> -> memref<128xi32, #tpu.memory_space<vmem>>
      %dma_start3A_230 = arith.constant 0 : i32
      %dma_start3A_231 = arith.constant 0 : i32
      %dma_start3A_232 = tpu.memref_slice %arg33[%dma_start3A_230, %dma_start3A_231] : memref<10240x32xf32, #tpu.memory_space<vmem_shared>> -> memref<10240x32xf32, #tpu.memory_space<vmem_shared>>
      tpu.enqueue_indirect_dma source(%arg13 : memref<128x32xf32, #tpu.memory_space<vmem>>) target(%dma_start3A_232 : memref<10240x32xf32, #tpu.memory_space<vmem_shared>>) offsets(%dma_start3A_229 : memref<128xi32, #tpu.memory_space<vmem>>) semaphore(%arg29 : memref<!tpu.dma_semaphore, #tpu.memory_space<semaphore_mem>>) {add = true}
      %add3A_233 = arith.constant 4 : i32
      %add3A_234 = arith.addi %add3A_220, %add3A_233 : i32
      %sub3A_235 = arith.constant 8 : i32
      %sub3A_236 = arith.subi %add3A_234, %sub3A_235 : i32
      %ge3A_237 = arith.constant 0 : i32
      %ge3A_238 = arith.cmpi sge, %sub3A_236, %ge3A_237 : i32
      %convert_element_type3A_239 = arith.extui %ge3A_238 : i1 to i32
      %cond3A_240 = arith.constant 0 : i32
      %cond3A_241 = arith.cmpi ne, %convert_element_type3A_239, %cond3A_240 : i32
      scf.if %cond3A_241 {
        %sub3A_331 = arith.constant 8 : i32
        %sub3A_332 = arith.subi %add3A_234, %sub3A_331 : i32
        %dma_wait3A_333 = arith.constant 0 : i32
        %dma_wait3A_334 = tpu.memref_slice %arg8[%sub3A_332, %dma_wait3A_333] : memref<80x128xi32, #tpu.memory_space<vmem>> -> memref<1x128xi32, #tpu.memory_space<vmem>>
        %dma_wait3A_335 = tpu.memref_squeeze %dma_wait3A_334 : memref<1x128xi32, #tpu.memory_space<vmem>> -> memref<128xi32, #tpu.memory_space<vmem>>
        %dma_wait3A_336 = arith.constant 0 : i32
        %dma_wait3A_337 = arith.constant 0 : i32
        %dma_wait3A_338 = tpu.memref_slice %arg33[%dma_wait3A_336, %dma_wait3A_337] : memref<10240x32xf32, #tpu.memory_space<vmem_shared>> -> memref<10240x32xf32, #tpu.memory_space<vmem_shared>>
        tpu.wait_indirect_dma semaphore(%arg25 : memref<!tpu.dma_semaphore, #tpu.memory_space<semaphore_mem>>) src(%arg9 : memref<128x32xf32, #tpu.memory_space<vmem>>) dst(%dma_wait3A_338 : memref<10240x32xf32, #tpu.memory_space<vmem_shared>>)
      } else {
      }
      %lt3A_242 = arith.constant 80 : i32
      %lt3A_243 = arith.cmpi slt, %add3A_234, %lt3A_242 : i32
      %convert_element_type3A_244 = arith.extui %lt3A_243 : i1 to i32
      %cond3A_245 = arith.constant 0 : i32
      %cond3A_246 = arith.cmpi ne, %convert_element_type3A_244, %cond3A_245 : i32
      scf.if %cond3A_246 {
        %dma_start3A_331 = arith.constant 0 : i32
        %dma_start3A_332 = tpu.memref_slice %arg7[%add3A_234, %dma_start3A_331] : memref<80x128xi32, #tpu.memory_space<vmem>> -> memref<1x128xi32, #tpu.memory_space<vmem>>
        %dma_start3A_333 = tpu.memref_squeeze %dma_start3A_332 : memref<1x128xi32, #tpu.memory_space<vmem>> -> memref<128xi32, #tpu.memory_space<vmem>>
        %dma_start3A_334 = arith.constant 0 : i32
        %dma_start3A_335 = arith.constant 0 : i32
        %dma_start3A_336 = tpu.memref_slice %arg2[%dma_start3A_334, %dma_start3A_335] : memref<10000x32xf32, #tpu.memory_space<hbm>> -> memref<10000x32xf32, #tpu.memory_space<hbm>>
        tpu.enqueue_indirect_dma source(%dma_start3A_336 : memref<10000x32xf32, #tpu.memory_space<hbm>>) target(%arg9 : memref<128x32xf32, #tpu.memory_space<vmem>>) offsets(%dma_start3A_333 : memref<128xi32, #tpu.memory_space<vmem>>) semaphore(%arg17 : memref<!tpu.dma_semaphore, #tpu.memory_space<semaphore_mem>>)
      } else {
      }
      %add3A_247 = arith.constant 5 : i32
      %add3A_248 = arith.addi %mul3A_111, %add3A_247 : i32
      %dma_wait3A_249 = arith.constant 0 : i32
      %dma_wait3A_250 = tpu.memref_slice %arg7[%add3A_248, %dma_wait3A_249] : memref<80x128xi32, #tpu.memory_space<vmem>> -> memref<1x128xi32, #tpu.memory_space<vmem>>
      %dma_wait3A_251 = tpu.memref_squeeze %dma_wait3A_250 : memref<1x128xi32, #tpu.memory_space<vmem>> -> memref<128xi32, #tpu.memory_space<vmem>>
      %dma_wait3A_252 = arith.constant 0 : i32
      %dma_wait3A_253 = arith.constant 0 : i32
      %dma_wait3A_254 = tpu.memref_slice %arg2[%dma_wait3A_252, %dma_wait3A_253] : memref<10000x32xf32, #tpu.memory_space<hbm>> -> memref<10000x32xf32, #tpu.memory_space<hbm>>
      tpu.wait_indirect_dma semaphore(%arg22 : memref<!tpu.dma_semaphore, #tpu.memory_space<semaphore_mem>>) src(%dma_wait3A_254 : memref<10000x32xf32, #tpu.memory_space<hbm>>) dst(%arg14 : memref<128x32xf32, #tpu.memory_space<vmem>>)
      %dma_start3A_255 = arith.constant 0 : i32
      %dma_start3A_256 = tpu.memref_slice %arg8[%add3A_248, %dma_start3A_255] : memref<80x128xi32, #tpu.memory_space<vmem>> -> memref<1x128xi32, #tpu.memory_space<vmem>>
      %dma_start3A_257 = tpu.memref_squeeze %dma_start3A_256 : memref<1x128xi32, #tpu.memory_space<vmem>> -> memref<128xi32, #tpu.memory_space<vmem>>
      %dma_start3A_258 = arith.constant 0 : i32
      %dma_start3A_259 = arith.constant 0 : i32
      %dma_start3A_260 = tpu.memref_slice %arg33[%dma_start3A_258, %dma_start3A_259] : memref<10240x32xf32, #tpu.memory_space<vmem_shared>> -> memref<10240x32xf32, #tpu.memory_space<vmem_shared>>
      tpu.enqueue_indirect_dma source(%arg14 : memref<128x32xf32, #tpu.memory_space<vmem>>) target(%dma_start3A_260 : memref<10240x32xf32, #tpu.memory_space<vmem_shared>>) offsets(%dma_start3A_257 : memref<128xi32, #tpu.memory_space<vmem>>) semaphore(%arg30 : memref<!tpu.dma_semaphore, #tpu.memory_space<semaphore_mem>>) {add = true}
      %add3A_261 = arith.constant 4 : i32
      %add3A_262 = arith.addi %add3A_248, %add3A_261 : i32
      %sub3A_263 = arith.constant 8 : i32
      %sub3A_264 = arith.subi %add3A_262, %sub3A_263 : i32
      %ge3A_265 = arith.constant 0 : i32
      %ge3A_266 = arith.cmpi sge, %sub3A_264, %ge3A_265 : i32
      %convert_element_type3A_267 = arith.extui %ge3A_266 : i1 to i32
      %cond3A_268 = arith.constant 0 : i32
      %cond3A_269 = arith.cmpi ne, %convert_element_type3A_267, %cond3A_268 : i32
      scf.if %cond3A_269 {
        %sub3A_331 = arith.constant 8 : i32
        %sub3A_332 = arith.subi %add3A_262, %sub3A_331 : i32
        %dma_wait3A_333 = arith.constant 0 : i32
        %dma_wait3A_334 = tpu.memref_slice %arg8[%sub3A_332, %dma_wait3A_333] : memref<80x128xi32, #tpu.memory_space<vmem>> -> memref<1x128xi32, #tpu.memory_space<vmem>>
        %dma_wait3A_335 = tpu.memref_squeeze %dma_wait3A_334 : memref<1x128xi32, #tpu.memory_space<vmem>> -> memref<128xi32, #tpu.memory_space<vmem>>
        %dma_wait3A_336 = arith.constant 0 : i32
        %dma_wait3A_337 = arith.constant 0 : i32
        %dma_wait3A_338 = tpu.memref_slice %arg33[%dma_wait3A_336, %dma_wait3A_337] : memref<10240x32xf32, #tpu.memory_space<vmem_shared>> -> memref<10240x32xf32, #tpu.memory_space<vmem_shared>>
        tpu.wait_indirect_dma semaphore(%arg26 : memref<!tpu.dma_semaphore, #tpu.memory_space<semaphore_mem>>) src(%arg10 : memref<128x32xf32, #tpu.memory_space<vmem>>) dst(%dma_wait3A_338 : memref<10240x32xf32, #tpu.memory_space<vmem_shared>>)
      } else {
      }
      %lt3A_270 = arith.constant 80 : i32
      %lt3A_271 = arith.cmpi slt, %add3A_262, %lt3A_270 : i32
      %convert_element_type3A_272 = arith.extui %lt3A_271 : i1 to i32
      %cond3A_273 = arith.constant 0 : i32
      %cond3A_274 = arith.cmpi ne, %convert_element_type3A_272, %cond3A_273 : i32
      scf.if %cond3A_274 {
        %dma_start3A_331 = arith.constant 0 : i32
        %dma_start3A_332 = tpu.memref_slice %arg7[%add3A_262, %dma_start3A_331] : memref<80x128xi32, #tpu.memory_space<vmem>> -> memref<1x128xi32, #tpu.memory_space<vmem>>
        %dma_start3A_333 = tpu.memref_squeeze %dma_start3A_332 : memref<1x128xi32, #tpu.memory_space<vmem>> -> memref<128xi32, #tpu.memory_space<vmem>>
        %dma_start3A_334 = arith.constant 0 : i32
        %dma_start3A_335 = arith.constant 0 : i32
        %dma_start3A_336 = tpu.memref_slice %arg2[%dma_start3A_334, %dma_start3A_335] : memref<10000x32xf32, #tpu.memory_space<hbm>> -> memref<10000x32xf32, #tpu.memory_space<hbm>>
        tpu.enqueue_indirect_dma source(%dma_start3A_336 : memref<10000x32xf32, #tpu.memory_space<hbm>>) target(%arg10 : memref<128x32xf32, #tpu.memory_space<vmem>>) offsets(%dma_start3A_333 : memref<128xi32, #tpu.memory_space<vmem>>) semaphore(%arg18 : memref<!tpu.dma_semaphore, #tpu.memory_space<semaphore_mem>>)
      } else {
      }
      %add3A_275 = arith.constant 6 : i32
      %add3A_276 = arith.addi %mul3A_111, %add3A_275 : i32
      %dma_wait3A_277 = arith.constant 0 : i32
      %dma_wait3A_278 = tpu.memref_slice %arg7[%add3A_276, %dma_wait3A_277] : memref<80x128xi32, #tpu.memory_space<vmem>> -> memref<1x128xi32, #tpu.memory_space<vmem>>
      %dma_wait3A_279 = tpu.memref_squeeze %dma_wait3A_278 : memref<1x128xi32, #tpu.memory_space<vmem>> -> memref<128xi32, #tpu.memory_space<vmem>>
      %dma_wait3A_280 = arith.constant 0 : i32
      %dma_wait3A_281 = arith.constant 0 : i32
      %dma_wait3A_282 = tpu.memref_slice %arg2[%dma_wait3A_280, %dma_wait3A_281] : memref<10000x32xf32, #tpu.memory_space<hbm>> -> memref<10000x32xf32, #tpu.memory_space<hbm>>
      tpu.wait_indirect_dma semaphore(%arg23 : memref<!tpu.dma_semaphore, #tpu.memory_space<semaphore_mem>>) src(%dma_wait3A_282 : memref<10000x32xf32, #tpu.memory_space<hbm>>) dst(%arg15 : memref<128x32xf32, #tpu.memory_space<vmem>>)
      %dma_start3A_283 = arith.constant 0 : i32
      %dma_start3A_284 = tpu.memref_slice %arg8[%add3A_276, %dma_start3A_283] : memref<80x128xi32, #tpu.memory_space<vmem>> -> memref<1x128xi32, #tpu.memory_space<vmem>>
      %dma_start3A_285 = tpu.memref_squeeze %dma_start3A_284 : memref<1x128xi32, #tpu.memory_space<vmem>> -> memref<128xi32, #tpu.memory_space<vmem>>
      %dma_start3A_286 = arith.constant 0 : i32
      %dma_start3A_287 = arith.constant 0 : i32
      %dma_start3A_288 = tpu.memref_slice %arg33[%dma_start3A_286, %dma_start3A_287] : memref<10240x32xf32, #tpu.memory_space<vmem_shared>> -> memref<10240x32xf32, #tpu.memory_space<vmem_shared>>
      tpu.enqueue_indirect_dma source(%arg15 : memref<128x32xf32, #tpu.memory_space<vmem>>) target(%dma_start3A_288 : memref<10240x32xf32, #tpu.memory_space<vmem_shared>>) offsets(%dma_start3A_285 : memref<128xi32, #tpu.memory_space<vmem>>) semaphore(%arg31 : memref<!tpu.dma_semaphore, #tpu.memory_space<semaphore_mem>>) {add = true}
      %add3A_289 = arith.constant 4 : i32
      %add3A_290 = arith.addi %add3A_276, %add3A_289 : i32
      %sub3A_291 = arith.constant 8 : i32
      %sub3A_292 = arith.subi %add3A_290, %sub3A_291 : i32
      %ge3A_293 = arith.constant 0 : i32
      %ge3A_294 = arith.cmpi sge, %sub3A_292, %ge3A_293 : i32
      %convert_element_type3A_295 = arith.extui %ge3A_294 : i1 to i32
      %cond3A_296 = arith.constant 0 : i32
      %cond3A_297 = arith.cmpi ne, %convert_element_type3A_295, %cond3A_296 : i32
      scf.if %cond3A_297 {
        %sub3A_331 = arith.constant 8 : i32
        %sub3A_332 = arith.subi %add3A_290, %sub3A_331 : i32
        %dma_wait3A_333 = arith.constant 0 : i32
        %dma_wait3A_334 = tpu.memref_slice %arg8[%sub3A_332, %dma_wait3A_333] : memref<80x128xi32, #tpu.memory_space<vmem>> -> memref<1x128xi32, #tpu.memory_space<vmem>>
        %dma_wait3A_335 = tpu.memref_squeeze %dma_wait3A_334 : memref<1x128xi32, #tpu.memory_space<vmem>> -> memref<128xi32, #tpu.memory_space<vmem>>
        %dma_wait3A_336 = arith.constant 0 : i32
        %dma_wait3A_337 = arith.constant 0 : i32
        %dma_wait3A_338 = tpu.memref_slice %arg33[%dma_wait3A_336, %dma_wait3A_337] : memref<10240x32xf32, #tpu.memory_space<vmem_shared>> -> memref<10240x32xf32, #tpu.memory_space<vmem_shared>>
        tpu.wait_indirect_dma semaphore(%arg27 : memref<!tpu.dma_semaphore, #tpu.memory_space<semaphore_mem>>) src(%arg11 : memref<128x32xf32, #tpu.memory_space<vmem>>) dst(%dma_wait3A_338 : memref<10240x32xf32, #tpu.memory_space<vmem_shared>>)
      } else {
      }
      %lt3A_298 = arith.constant 80 : i32
      %lt3A_299 = arith.cmpi slt, %add3A_290, %lt3A_298 : i32
      %convert_element_type3A_300 = arith.extui %lt3A_299 : i1 to i32
      %cond3A_301 = arith.constant 0 : i32
      %cond3A_302 = arith.cmpi ne, %convert_element_type3A_300, %cond3A_301 : i32
      scf.if %cond3A_302 {
        %dma_start3A_331 = arith.constant 0 : i32
        %dma_start3A_332 = tpu.memref_slice %arg7[%add3A_290, %dma_start3A_331] : memref<80x128xi32, #tpu.memory_space<vmem>> -> memref<1x128xi32, #tpu.memory_space<vmem>>
        %dma_start3A_333 = tpu.memref_squeeze %dma_start3A_332 : memref<1x128xi32, #tpu.memory_space<vmem>> -> memref<128xi32, #tpu.memory_space<vmem>>
        %dma_start3A_334 = arith.constant 0 : i32
        %dma_start3A_335 = arith.constant 0 : i32
        %dma_start3A_336 = tpu.memref_slice %arg2[%dma_start3A_334, %dma_start3A_335] : memref<10000x32xf32, #tpu.memory_space<hbm>> -> memref<10000x32xf32, #tpu.memory_space<hbm>>
        tpu.enqueue_indirect_dma source(%dma_start3A_336 : memref<10000x32xf32, #tpu.memory_space<hbm>>) target(%arg11 : memref<128x32xf32, #tpu.memory_space<vmem>>) offsets(%dma_start3A_333 : memref<128xi32, #tpu.memory_space<vmem>>) semaphore(%arg19 : memref<!tpu.dma_semaphore, #tpu.memory_space<semaphore_mem>>)
      } else {
      }
      %add3A_303 = arith.constant 7 : i32
      %add3A_304 = arith.addi %mul3A_111, %add3A_303 : i32
      %dma_wait3A_305 = arith.constant 0 : i32
      %dma_wait3A_306 = tpu.memref_slice %arg7[%add3A_304, %dma_wait3A_305] : memref<80x128xi32, #tpu.memory_space<vmem>> -> memref<1x128xi32, #tpu.memory_space<vmem>>
      %dma_wait3A_307 = tpu.memref_squeeze %dma_wait3A_306 : memref<1x128xi32, #tpu.memory_space<vmem>> -> memref<128xi32, #tpu.memory_space<vmem>>
      %dma_wait3A_308 = arith.constant 0 : i32
      %dma_wait3A_309 = arith.constant 0 : i32
      %dma_wait3A_310 = tpu.memref_slice %arg2[%dma_wait3A_308, %dma_wait3A_309] : memref<10000x32xf32, #tpu.memory_space<hbm>> -> memref<10000x32xf32, #tpu.memory_space<hbm>>
      tpu.wait_indirect_dma semaphore(%arg24 : memref<!tpu.dma_semaphore, #tpu.memory_space<semaphore_mem>>) src(%dma_wait3A_310 : memref<10000x32xf32, #tpu.memory_space<hbm>>) dst(%arg16 : memref<128x32xf32, #tpu.memory_space<vmem>>)
      %dma_start3A_311 = arith.constant 0 : i32
      %dma_start3A_312 = tpu.memref_slice %arg8[%add3A_304, %dma_start3A_311] : memref<80x128xi32, #tpu.memory_space<vmem>> -> memref<1x128xi32, #tpu.memory_space<vmem>>
      %dma_start3A_313 = tpu.memref_squeeze %dma_start3A_312 : memref<1x128xi32, #tpu.memory_space<vmem>> -> memref<128xi32, #tpu.memory_space<vmem>>
      %dma_start3A_314 = arith.constant 0 : i32
      %dma_start3A_315 = arith.constant 0 : i32
      %dma_start3A_316 = tpu.memref_slice %arg33[%dma_start3A_314, %dma_start3A_315] : memref<10240x32xf32, #tpu.memory_space<vmem_shared>> -> memref<10240x32xf32, #tpu.memory_space<vmem_shared>>
      tpu.enqueue_indirect_dma source(%arg16 : memref<128x32xf32, #tpu.memory_space<vmem>>) target(%dma_start3A_316 : memref<10240x32xf32, #tpu.memory_space<vmem_shared>>) offsets(%dma_start3A_313 : memref<128xi32, #tpu.memory_space<vmem>>) semaphore(%arg32 : memref<!tpu.dma_semaphore, #tpu.memory_space<semaphore_mem>>) {add = true}
      %add3A_317 = arith.constant 4 : i32
      %add3A_318 = arith.addi %add3A_304, %add3A_317 : i32
      %sub3A_319 = arith.constant 8 : i32
      %sub3A_320 = arith.subi %add3A_318, %sub3A_319 : i32
      %ge3A_321 = arith.constant 0 : i32
      %ge3A_322 = arith.cmpi sge, %sub3A_320, %ge3A_321 : i32
      %convert_element_type3A_323 = arith.extui %ge3A_322 : i1 to i32
      %cond3A_324 = arith.constant 0 : i32
      %cond3A_325 = arith.cmpi ne, %convert_element_type3A_323, %cond3A_324 : i32
      scf.if %cond3A_325 {
        %sub3A_331 = arith.constant 8 : i32
        %sub3A_332 = arith.subi %add3A_318, %sub3A_331 : i32
        %dma_wait3A_333 = arith.constant 0 : i32
        %dma_wait3A_334 = tpu.memref_slice %arg8[%sub3A_332, %dma_wait3A_333] : memref<80x128xi32, #tpu.memory_space<vmem>> -> memref<1x128xi32, #tpu.memory_space<vmem>>
        %dma_wait3A_335 = tpu.memref_squeeze %dma_wait3A_334 : memref<1x128xi32, #tpu.memory_space<vmem>> -> memref<128xi32, #tpu.memory_space<vmem>>
        %dma_wait3A_336 = arith.constant 0 : i32
        %dma_wait3A_337 = arith.constant 0 : i32
        %dma_wait3A_338 = tpu.memref_slice %arg33[%dma_wait3A_336, %dma_wait3A_337] : memref<10240x32xf32, #tpu.memory_space<vmem_shared>> -> memref<10240x32xf32, #tpu.memory_space<vmem_shared>>
        tpu.wait_indirect_dma semaphore(%arg28 : memref<!tpu.dma_semaphore, #tpu.memory_space<semaphore_mem>>) src(%arg12 : memref<128x32xf32, #tpu.memory_space<vmem>>) dst(%dma_wait3A_338 : memref<10240x32xf32, #tpu.memory_space<vmem_shared>>)
      } else {
      }
      %lt3A_326 = arith.constant 80 : i32
      %lt3A_327 = arith.cmpi slt, %add3A_318, %lt3A_326 : i32
      %convert_element_type3A_328 = arith.extui %lt3A_327 : i1 to i32
      %cond3A_329 = arith.constant 0 : i32
      %cond3A_330 = arith.cmpi ne, %convert_element_type3A_328, %cond3A_329 : i32
      scf.if %cond3A_330 {
        %dma_start3A_331 = arith.constant 0 : i32
        %dma_start3A_332 = tpu.memref_slice %arg7[%add3A_318, %dma_start3A_331] : memref<80x128xi32, #tpu.memory_space<vmem>> -> memref<1x128xi32, #tpu.memory_space<vmem>>
        %dma_start3A_333 = tpu.memref_squeeze %dma_start3A_332 : memref<1x128xi32, #tpu.memory_space<vmem>> -> memref<128xi32, #tpu.memory_space<vmem>>
        %dma_start3A_334 = arith.constant 0 : i32
        %dma_start3A_335 = arith.constant 0 : i32
        %dma_start3A_336 = tpu.memref_slice %arg2[%dma_start3A_334, %dma_start3A_335] : memref<10000x32xf32, #tpu.memory_space<hbm>> -> memref<10000x32xf32, #tpu.memory_space<hbm>>
        tpu.enqueue_indirect_dma source(%dma_start3A_336 : memref<10000x32xf32, #tpu.memory_space<hbm>>) target(%arg12 : memref<128x32xf32, #tpu.memory_space<vmem>>) offsets(%dma_start3A_333 : memref<128xi32, #tpu.memory_space<vmem>>) semaphore(%arg20 : memref<!tpu.dma_semaphore, #tpu.memory_space<semaphore_mem>>)
      } else {
      }
    }
    %scan3A_75 = arith.constant 10 : i32
    %dma_wait3A_76 = arith.constant 76 : i32
    %dma_wait3A_77 = arith.constant 0 : i32
    %dma_wait3A_78 = tpu.memref_slice %arg8[%dma_wait3A_76, %dma_wait3A_77] : memref<80x128xi32, #tpu.memory_space<vmem>> -> memref<1x128xi32, #tpu.memory_space<vmem>>
    %dma_wait3A_79 = tpu.memref_squeeze %dma_wait3A_78 : memref<1x128xi32, #tpu.memory_space<vmem>> -> memref<128xi32, #tpu.memory_space<vmem>>
    %dma_wait3A_80 = arith.constant 0 : i32
    %dma_wait3A_81 = arith.constant 0 : i32
    %dma_wait3A_82 = tpu.memref_slice %arg33[%dma_wait3A_80, %dma_wait3A_81] : memref<10240x32xf32, #tpu.memory_space<vmem_shared>> -> memref<10240x32xf32, #tpu.memory_space<vmem_shared>>
    tpu.wait_indirect_dma semaphore(%arg29 : memref<!tpu.dma_semaphore, #tpu.memory_space<semaphore_mem>>) src(%arg13 : memref<128x32xf32, #tpu.memory_space<vmem>>) dst(%dma_wait3A_82 : memref<10240x32xf32, #tpu.memory_space<vmem_shared>>)
    %dma_wait3A_83 = arith.constant 77 : i32
    %dma_wait3A_84 = arith.constant 0 : i32
    %dma_wait3A_85 = tpu.memref_slice %arg8[%dma_wait3A_83, %dma_wait3A_84] : memref<80x128xi32, #tpu.memory_space<vmem>> -> memref<1x128xi32, #tpu.memory_space<vmem>>
    %dma_wait3A_86 = tpu.memref_squeeze %dma_wait3A_85 : memref<1x128xi32, #tpu.memory_space<vmem>> -> memref<128xi32, #tpu.memory_space<vmem>>
    %dma_wait3A_87 = arith.constant 0 : i32
    %dma_wait3A_88 = arith.constant 0 : i32
    %dma_wait3A_89 = tpu.memref_slice %arg33[%dma_wait3A_87, %dma_wait3A_88] : memref<10240x32xf32, #tpu.memory_space<vmem_shared>> -> memref<10240x32xf32, #tpu.memory_space<vmem_shared>>
    tpu.wait_indirect_dma semaphore(%arg30 : memref<!tpu.dma_semaphore, #tpu.memory_space<semaphore_mem>>) src(%arg14 : memref<128x32xf32, #tpu.memory_space<vmem>>) dst(%dma_wait3A_89 : memref<10240x32xf32, #tpu.memory_space<vmem_shared>>)
    %dma_wait3A_90 = arith.constant 78 : i32
    %dma_wait3A_91 = arith.constant 0 : i32
    %dma_wait3A_92 = tpu.memref_slice %arg8[%dma_wait3A_90, %dma_wait3A_91] : memref<80x128xi32, #tpu.memory_space<vmem>> -> memref<1x128xi32, #tpu.memory_space<vmem>>
    %dma_wait3A_93 = tpu.memref_squeeze %dma_wait3A_92 : memref<1x128xi32, #tpu.memory_space<vmem>> -> memref<128xi32, #tpu.memory_space<vmem>>
    %dma_wait3A_94 = arith.constant 0 : i32
    %dma_wait3A_95 = arith.constant 0 : i32
    %dma_wait3A_96 = tpu.memref_slice %arg33[%dma_wait3A_94, %dma_wait3A_95] : memref<10240x32xf32, #tpu.memory_space<vmem_shared>> -> memref<10240x32xf32, #tpu.memory_space<vmem_shared>>
    tpu.wait_indirect_dma semaphore(%arg31 : memref<!tpu.dma_semaphore, #tpu.memory_space<semaphore_mem>>) src(%arg15 : memref<128x32xf32, #tpu.memory_space<vmem>>) dst(%dma_wait3A_96 : memref<10240x32xf32, #tpu.memory_space<vmem_shared>>)
    %dma_wait3A_97 = arith.constant 79 : i32
    %dma_wait3A_98 = arith.constant 0 : i32
    %dma_wait3A_99 = tpu.memref_slice %arg8[%dma_wait3A_97, %dma_wait3A_98] : memref<80x128xi32, #tpu.memory_space<vmem>> -> memref<1x128xi32, #tpu.memory_space<vmem>>
    %dma_wait3A_100 = tpu.memref_squeeze %dma_wait3A_99 : memref<1x128xi32, #tpu.memory_space<vmem>> -> memref<128xi32, #tpu.memory_space<vmem>>
    %dma_wait3A_101 = arith.constant 0 : i32
    %dma_wait3A_102 = arith.constant 0 : i32
    %dma_wait3A_103 = tpu.memref_slice %arg33[%dma_wait3A_101, %dma_wait3A_102] : memref<10240x32xf32, #tpu.memory_space<vmem_shared>> -> memref<10240x32xf32, #tpu.memory_space<vmem_shared>>
    tpu.wait_indirect_dma semaphore(%arg32 : memref<!tpu.dma_semaphore, #tpu.memory_space<semaphore_mem>>) src(%arg16 : memref<128x32xf32, #tpu.memory_space<vmem>>) dst(%dma_wait3A_103 : memref<10240x32xf32, #tpu.memory_space<vmem_shared>>)
    %barrier3A_104 = arith.constant 0 : index
    tpu.barrier barrier_id(%barrier3A_104)
    %mul3A_105 = arith.constant 640 : i32
    %mul3A_106 = arith.muli %arg1, %mul3A_105 : i32
    %mul3A_107 = arith.constant 640 : i32
    %mul3A_108 = arith.muli %arg1, %mul3A_107 : i32
    "tpu.region"() ({
      %run_scoped3A = tpu.sem_alloc : memref<!tpu.dma_semaphore, #tpu.memory_space<semaphore_mem>>
      %dma_start3A_109 = arith.constant 0 : i32
      %dma_start3A_110 = tpu.memref_slice %arg6[%arg0, %mul3A_108, %dma_start3A_109] : memref<2x10240x32xf32, #tpu.memory_space<hbm>> -> memref<1x640x32xf32, #tpu.memory_space<hbm>>
      %dma_start3A_111 = tpu.memref_squeeze %dma_start3A_110 : memref<1x640x32xf32, #tpu.memory_space<hbm>> -> memref<640x32xf32, #tpu.memory_space<hbm>>
      %dma_start3A_112 = arith.constant 0 : i32
      %dma_start3A_113 = tpu.memref_slice %arg33[%mul3A_106, %dma_start3A_112] : memref<10240x32xf32, #tpu.memory_space<vmem_shared>> -> memref<640x32xf32, #tpu.memory_space<vmem_shared>>
      tpu.enqueue_dma source(%dma_start3A_113 : memref<640x32xf32, #tpu.memory_space<vmem_shared>>) target(%dma_start3A_111 : memref<640x32xf32, #tpu.memory_space<hbm>>) target_semaphore(%run_scoped3A : memref<!tpu.dma_semaphore, #tpu.memory_space<semaphore_mem>>)
      %dma_wait3A_114 = arith.constant 0 : i32
      %dma_wait3A_115 = tpu.memref_slice %arg6[%arg0, %mul3A_108, %dma_wait3A_114] : memref<2x10240x32xf32, #tpu.memory_space<hbm>> -> memref<1x640x32xf32, #tpu.memory_space<hbm>>
      %dma_wait3A_116 = tpu.memref_squeeze %dma_wait3A_115 : memref<1x640x32xf32, #tpu.memory_space<hbm>> -> memref<640x32xf32, #tpu.memory_space<hbm>>
      %dma_wait3A_117 = arith.constant 0 : i32
      %dma_wait3A_118 = tpu.memref_slice %arg33[%mul3A_106, %dma_wait3A_117] : memref<10240x32xf32, #tpu.memory_space<vmem_shared>> -> memref<640x32xf32, #tpu.memory_space<vmem_shared>>
      tpu.wait_dma2 semaphore(%run_scoped3A : memref<!tpu.dma_semaphore, #tpu.memory_space<semaphore_mem>>) src(%dma_wait3A_118 : memref<640x32xf32, #tpu.memory_space<vmem_shared>>) dst(%dma_wait3A_116 : memref<640x32xf32, #tpu.memory_space<hbm>>)
      tpu.yield
    }) : () -> ()
    return
  }
}

module attributes {stable_mosaic.version = 14 : i64} {
  func.func @body(%arg0: i32, %arg1: memref<1000x128xf32, #tpu.memory_space<vmem>>, %arg2: memref<128x32xf32, #tpu.memory_space<vmem>>, %arg3: memref<1x32xf32, #tpu.memory_space<vmem>>, %arg4: memref<32x32xf32, #tpu.memory_space<vmem>>, %arg5: memref<1x32xf32, #tpu.memory_space<vmem>>, %arg6: memref<1x1xf32, #tpu.memory_space<vmem>>, %arg7: memref<1000x32xf32, #tpu.memory_space<vmem>>, %arg8: memref<1000x32xf32, #tpu.memory_space<vmem>>) attributes {dimension_semantics = [#tpu.dimension_semantics<arbitrary>], iteration_bounds = array<i64: 10>, scalar_prefetch = 0 : i64, scratch_operands = 0 : i64, tpu.core_type = #tpu.core_type<tc>, window_params = [{transform_indices = @transform_0, window_bounds = array<i64: 1000, 128>}, {pipeline_mode = #tpu.pipeline_mode<synchronous>, transform_indices = @transform_1, window_bounds = array<i64: 128, 32>}, {pipeline_mode = #tpu.pipeline_mode<synchronous>, transform_indices = @transform_2, window_bounds = array<i64: 1, 32>}, {pipeline_mode = #tpu.pipeline_mode<synchronous>, transform_indices = @transform_3, window_bounds = array<i64: 32, 32>}, {pipeline_mode = #tpu.pipeline_mode<synchronous>, transform_indices = @transform_4, window_bounds = array<i64: 1, 32>}, {pipeline_mode = #tpu.pipeline_mode<synchronous>, transform_indices = @transform_5, window_bounds = array<i64: 1, 1>}, {transform_indices = @transform_6, window_bounds = array<i64: 1000, 32>}, {transform_indices = @transform_7, window_bounds = array<i64: 1000, 32>}]} {
    %get3A = arith.constant 0 : index
    %get3A_0 = arith.constant 0 : index
    %get3A_1 = vector.load %arg1[%get3A, %get3A_0] : memref<1000x128xf32, #tpu.memory_space<vmem>>, vector<1000x128xf32>
    %get3A_2 = arith.constant 0 : index
    %get3A_3 = arith.constant 0 : index
    %get3A_4 = vector.load %arg2[%get3A_2, %get3A_3] : memref<128x32xf32, #tpu.memory_space<vmem>>, vector<128x32xf32>
    %dot_general3A = arith.constant dense<0.000000e+00> : vector<1000x32xf32>
    %dot_general3A_5 = tpu.matmul %get3A_1, %get3A_4, %dot_general3A {dimension_numbers = #tpu.dot_dimension_numbers<[1], [0], [0], [1], [0, 0, 1, 1], [], []>, transpose_lhs_hint = false} : vector<1000x128xf32>, vector<128x32xf32>, vector<1000x32xf32> -> vector<1000x32xf32>
    %get3A_6 = arith.constant 0 : index
    %get3A_7 = arith.constant 0 : index
    %get3A_8 = vector.load %arg3[%get3A_6, %get3A_7] : memref<1x32xf32, #tpu.memory_space<vmem>>, vector<1x32xf32>
    %add3A = vector.broadcast %get3A_8 : vector<1x32xf32> to vector<1000x32xf32>
    %add3A_9 = arith.addf %dot_general3A_5, %add3A : vector<1000x32xf32>
    %max3A = arith.constant 0.000000e+00 : f32
    %max3A_10 = vector.broadcast %max3A : f32 to vector<1000x32xf32>
    %max3A_11 = arith.maximumf %add3A_9, %max3A_10 : vector<1000x32xf32>
    %get3A_12 = arith.constant 0 : index
    %get3A_13 = arith.constant 0 : index
    %get3A_14 = vector.load %arg4[%get3A_12, %get3A_13] : memref<32x32xf32, #tpu.memory_space<vmem>>, vector<32x32xf32>
    %dot_general3A_15 = arith.constant dense<0.000000e+00> : vector<1000x32xf32>
    %dot_general3A_16 = tpu.matmul %max3A_11, %get3A_14, %dot_general3A_15 {dimension_numbers = #tpu.dot_dimension_numbers<[1], [0], [0], [1], [0, 0, 1, 1], [], []>, transpose_lhs_hint = false} : vector<1000x32xf32>, vector<32x32xf32>, vector<1000x32xf32> -> vector<1000x32xf32>
    %get3A_17 = arith.constant 0 : index
    %get3A_18 = arith.constant 0 : index
    %get3A_19 = vector.load %arg5[%get3A_17, %get3A_18] : memref<1x32xf32, #tpu.memory_space<vmem>>, vector<1x32xf32>
    %add3A_20 = vector.broadcast %get3A_19 : vector<1x32xf32> to vector<1000x32xf32>
    %add3A_21 = arith.addf %dot_general3A_16, %add3A_20 : vector<1000x32xf32>
    %max3A_22 = arith.constant 0.000000e+00 : f32
    %max3A_23 = vector.broadcast %max3A_22 : f32 to vector<1000x32xf32>
    %max3A_24 = arith.maximumf %add3A_21, %max3A_23 : vector<1000x32xf32>
    %swap3A = arith.constant 0 : index
    %swap3A_25 = arith.constant 0 : index
    %swap3A_26 = vector.load %arg7[%swap3A, %swap3A_25] : memref<1000x32xf32, #tpu.memory_space<vmem>>, vector<1000x32xf32>
    tpu.vector_store %arg7[%swap3A, %swap3A_25], %max3A_24 {strides = array<i32>} : memref<1000x32xf32, #tpu.memory_space<vmem>>, vector<1000x32xf32>,
    %get3A_27 = arith.constant 0 : index
    %get3A_28 = arith.constant 0 : index
    %get3A_29 = vector.load %arg6[%get3A_27, %get3A_28] : memref<1x1xf32, #tpu.memory_space<vmem>>, vector<1x1xf32>
    %get3A_30 = vector.extract %get3A_29[0, 0] : f32 from vector<1x1xf32>
    %mul3A = vector.broadcast %get3A_30 : f32 to vector<1000x32xf32>
    %mul3A_31 = arith.mulf %mul3A, %max3A_24 : vector<1000x32xf32>
    %swap3A_32 = arith.constant 0 : index
    %swap3A_33 = arith.constant 0 : index
    %swap3A_34 = vector.load %arg8[%swap3A_32, %swap3A_33] : memref<1000x32xf32, #tpu.memory_space<vmem>>, vector<1000x32xf32>
    tpu.vector_store %arg8[%swap3A_32, %swap3A_33], %mul3A_31 {strides = array<i32>} : memref<1000x32xf32, #tpu.memory_space<vmem>>, vector<1000x32xf32>,
    return
  }
  func.func @transform_0(%arg0: i32) -> (i32, i32) {
    %c0_i32 = arith.constant 0 : i32
    %c0_i32_0 = arith.constant 0 : i32
    return %arg0, %c0_i32 : i32, i32
  }
  func.func @transform_1(%arg0: i32) -> (i32, i32) {
    %c0_i32 = arith.constant 0 : i32
    %c0_i32_0 = arith.constant 0 : i32
    %c0_i32_1 = arith.constant 0 : i32
    return %c0_i32, %c0_i32_0 : i32, i32
  }
  func.func @transform_2(%arg0: i32) -> (i32, i32) {
    %c0_i32 = arith.constant 0 : i32
    %c0_i32_0 = arith.constant 0 : i32
    %c0_i32_1 = arith.constant 0 : i32
    return %c0_i32, %c0_i32_0 : i32, i32
  }
  func.func @transform_3(%arg0: i32) -> (i32, i32) {
    %c0_i32 = arith.constant 0 : i32
    %c0_i32_0 = arith.constant 0 : i32
    %c0_i32_1 = arith.constant 0 : i32
    return %c0_i32, %c0_i32_0 : i32, i32
  }
  func.func @transform_4(%arg0: i32) -> (i32, i32) {
    %c0_i32 = arith.constant 0 : i32
    %c0_i32_0 = arith.constant 0 : i32
    %c0_i32_1 = arith.constant 0 : i32
    return %c0_i32, %c0_i32_0 : i32, i32
  }
  func.func @transform_5(%arg0: i32) -> (i32, i32) {
    %c0_i32 = arith.constant 0 : i32
    %c0_i32_0 = arith.constant 0 : i32
    %c0_i32_1 = arith.constant 0 : i32
    return %c0_i32, %c0_i32_0 : i32, i32
  }
  func.func @transform_6(%arg0: i32) -> (i32, i32) {
    %c0_i32 = arith.constant 0 : i32
    %c0_i32_0 = arith.constant 0 : i32
    return %arg0, %c0_i32 : i32, i32
  }
  func.func @transform_7(%arg0: i32) -> (i32, i32) {
    %c0_i32 = arith.constant 0 : i32
    %c0_i32_0 = arith.constant 0 : i32
    return %arg0, %c0_i32 : i32, i32
  }
}

module attributes {stable_mosaic.version = 14 : i64} {
  func.func @body(%arg0: i32, %arg1: memref<1000x32xf32, #tpu.memory_space<vmem>>, %arg2: memref<2x1000x32xf32, #tpu.memory_space<vmem>>, %arg3: memref<96x32xf32, #tpu.memory_space<vmem>>, %arg4: memref<1x32xf32, #tpu.memory_space<vmem>>, %arg5: memref<32x32xf32, #tpu.memory_space<vmem>>, %arg6: memref<1x32xf32, #tpu.memory_space<vmem>>, %arg7: memref<1x1xf32, #tpu.memory_space<vmem>>, %arg8: memref<1000x32xf32, #tpu.memory_space<vmem>>, %arg9: memref<1000x32xf32, #tpu.memory_space<vmem>>, %arg10: memref<1000x32xf32, #tpu.memory_space<vmem>>) attributes {dimension_semantics = [#tpu.dimension_semantics<arbitrary>], iteration_bounds = array<i64: 10>, scalar_prefetch = 0 : i64, scratch_operands = 0 : i64, tpu.core_type = #tpu.core_type<tc>, window_params = [{transform_indices = @transform_0, window_bounds = array<i64: 1000, 32>}, {transform_indices = @transform_1, window_bounds = array<i64: 2, 1000, 32>}, {pipeline_mode = #tpu.pipeline_mode<synchronous>, transform_indices = @transform_2, window_bounds = array<i64: 96, 32>}, {pipeline_mode = #tpu.pipeline_mode<synchronous>, transform_indices = @transform_3, window_bounds = array<i64: 1, 32>}, {pipeline_mode = #tpu.pipeline_mode<synchronous>, transform_indices = @transform_4, window_bounds = array<i64: 32, 32>}, {pipeline_mode = #tpu.pipeline_mode<synchronous>, transform_indices = @transform_5, window_bounds = array<i64: 1, 32>}, {pipeline_mode = #tpu.pipeline_mode<synchronous>, transform_indices = @transform_6, window_bounds = array<i64: 1, 1>}, {transform_indices = @transform_7, window_bounds = array<i64: 1000, 32>}, {transform_indices = @transform_8, window_bounds = array<i64: 1000, 32>}, {transform_indices = @transform_9, window_bounds = array<i64: 1000, 32>}]} {
    %get3A = arith.constant 0 : index
    %get3A_0 = arith.constant 0 : index
    %get3A_1 = vector.load %arg1[%get3A, %get3A_0] : memref<1000x32xf32, #tpu.memory_space<vmem>>, vector<1000x32xf32>
    %get3A_2 = arith.constant 0 : index
    %get3A_3 = arith.constant 0 : index
    %get3A_4 = arith.constant 0 : index
    %get3A_5 = vector.load %arg2[%get3A_2, %get3A_3, %get3A_4] : memref<2x1000x32xf32, #tpu.memory_space<vmem>>, vector<1x1000x32xf32>
    %get3A_6 = vector.shape_cast %get3A_5 : vector<1x1000x32xf32> to vector<1000x32xf32>
    %get3A_7 = arith.constant 1 : index
    %get3A_8 = arith.constant 0 : index
    %get3A_9 = arith.constant 0 : index
    %get3A_10 = vector.load %arg2[%get3A_7, %get3A_8, %get3A_9] : memref<2x1000x32xf32, #tpu.memory_space<vmem>>, vector<1x1000x32xf32>
    %get3A_11 = vector.shape_cast %get3A_10 : vector<1x1000x32xf32> to vector<1000x32xf32>
    %add3A = arith.addf %get3A_6, %get3A_11 : vector<1000x32xf32>
    %add3A_12 = arith.addf %add3A, %get3A_1 : vector<1000x32xf32>
    %concatenate3A = tpu.concatenate %get3A_1, %add3A, %add3A_12 in 1 : vector<1000x32xf32>, vector<1000x32xf32>, vector<1000x32xf32> -> vector<1000x96xf32>
    %get3A_13 = arith.constant 0 : index
    %get3A_14 = arith.constant 0 : index
    %get3A_15 = vector.load %arg3[%get3A_13, %get3A_14] : memref<96x32xf32, #tpu.memory_space<vmem>>, vector<96x32xf32>
    %dot_general3A = arith.constant dense<0.000000e+00> : vector<1000x32xf32>
    %dot_general3A_16 = tpu.matmul %concatenate3A, %get3A_15, %dot_general3A {dimension_numbers = #tpu.dot_dimension_numbers<[1], [0], [0], [1], [0, 0, 1, 1], [], []>, transpose_lhs_hint = false} : vector<1000x96xf32>, vector<96x32xf32>, vector<1000x32xf32> -> vector<1000x32xf32>
    %get3A_17 = arith.constant 0 : index
    %get3A_18 = arith.constant 0 : index
    %get3A_19 = vector.load %arg4[%get3A_17, %get3A_18] : memref<1x32xf32, #tpu.memory_space<vmem>>, vector<1x32xf32>
    %add3A_20 = vector.broadcast %get3A_19 : vector<1x32xf32> to vector<1000x32xf32>
    %add3A_21 = arith.addf %dot_general3A_16, %add3A_20 : vector<1000x32xf32>
    %max3A = arith.constant 0.000000e+00 : f32
    %max3A_22 = vector.broadcast %max3A : f32 to vector<1000x32xf32>
    %max3A_23 = arith.maximumf %add3A_21, %max3A_22 : vector<1000x32xf32>
    %get3A_24 = arith.constant 0 : index
    %get3A_25 = arith.constant 0 : index
    %get3A_26 = vector.load %arg5[%get3A_24, %get3A_25] : memref<32x32xf32, #tpu.memory_space<vmem>>, vector<32x32xf32>
    %dot_general3A_27 = arith.constant dense<0.000000e+00> : vector<1000x32xf32>
    %dot_general3A_28 = tpu.matmul %max3A_23, %get3A_26, %dot_general3A_27 {dimension_numbers = #tpu.dot_dimension_numbers<[1], [0], [0], [1], [0, 0, 1, 1], [], []>, transpose_lhs_hint = false} : vector<1000x32xf32>, vector<32x32xf32>, vector<1000x32xf32> -> vector<1000x32xf32>
    %get3A_29 = arith.constant 0 : index
    %get3A_30 = arith.constant 0 : index
    %get3A_31 = vector.load %arg6[%get3A_29, %get3A_30] : memref<1x32xf32, #tpu.memory_space<vmem>>, vector<1x32xf32>
    %add3A_32 = vector.broadcast %get3A_31 : vector<1x32xf32> to vector<1000x32xf32>
    %add3A_33 = arith.addf %dot_general3A_28, %add3A_32 : vector<1000x32xf32>
    %max3A_34 = arith.constant 0.000000e+00 : f32
    %max3A_35 = vector.broadcast %max3A_34 : f32 to vector<1000x32xf32>
    %max3A_36 = arith.maximumf %add3A_33, %max3A_35 : vector<1000x32xf32>
    %swap3A = arith.constant 0 : index
    %swap3A_37 = arith.constant 0 : index
    %swap3A_38 = vector.load %arg9[%swap3A, %swap3A_37] : memref<1000x32xf32, #tpu.memory_space<vmem>>, vector<1000x32xf32>
    tpu.vector_store %arg9[%swap3A, %swap3A_37], %max3A_36 {strides = array<i32>} : memref<1000x32xf32, #tpu.memory_space<vmem>>, vector<1000x32xf32>,
    %get3A_39 = arith.constant 0 : index
    %get3A_40 = arith.constant 0 : index
    %get3A_41 = vector.load %arg8[%get3A_39, %get3A_40] : memref<1000x32xf32, #tpu.memory_space<vmem>>, vector<1000x32xf32>
    %get3A_42 = arith.constant 0 : index
    %get3A_43 = arith.constant 0 : index
    %get3A_44 = vector.load %arg7[%get3A_42, %get3A_43] : memref<1x1xf32, #tpu.memory_space<vmem>>, vector<1x1xf32>
    %get3A_45 = vector.extract %get3A_44[0, 0] : f32 from vector<1x1xf32>
    %mul3A = vector.broadcast %get3A_45 : f32 to vector<1000x32xf32>
    %mul3A_46 = arith.mulf %mul3A, %max3A_36 : vector<1000x32xf32>
    %add3A_47 = arith.addf %get3A_41, %mul3A_46 : vector<1000x32xf32>
    %swap3A_48 = arith.constant 0 : index
    %swap3A_49 = arith.constant 0 : index
    %swap3A_50 = vector.load %arg10[%swap3A_48, %swap3A_49] : memref<1000x32xf32, #tpu.memory_space<vmem>>, vector<1000x32xf32>
    tpu.vector_store %arg10[%swap3A_48, %swap3A_49], %add3A_47 {strides = array<i32>} : memref<1000x32xf32, #tpu.memory_space<vmem>>, vector<1000x32xf32>,
    return
  }
  func.func @transform_0(%arg0: i32) -> (i32, i32) {
    %c0_i32 = arith.constant 0 : i32
    %c0_i32_0 = arith.constant 0 : i32
    return %arg0, %c0_i32 : i32, i32
  }
  func.func @transform_1(%arg0: i32) -> (i32, i32, i32) {
    %c0_i32 = arith.constant 0 : i32
    %c0_i32_0 = arith.constant 0 : i32
    %c0_i32_1 = arith.constant 0 : i32
    return %c0_i32, %arg0, %c0_i32_0 : i32, i32, i32
  }
  func.func @transform_2(%arg0: i32) -> (i32, i32) {
    %c0_i32 = arith.constant 0 : i32
    %c0_i32_0 = arith.constant 0 : i32
    %c0_i32_1 = arith.constant 0 : i32
    return %c0_i32, %c0_i32_0 : i32, i32
  }
  func.func @transform_3(%arg0: i32) -> (i32, i32) {
    %c0_i32 = arith.constant 0 : i32
    %c0_i32_0 = arith.constant 0 : i32
    %c0_i32_1 = arith.constant 0 : i32
    return %c0_i32, %c0_i32_0 : i32, i32
  }
  func.func @transform_4(%arg0: i32) -> (i32, i32) {
    %c0_i32 = arith.constant 0 : i32
    %c0_i32_0 = arith.constant 0 : i32
    %c0_i32_1 = arith.constant 0 : i32
    return %c0_i32, %c0_i32_0 : i32, i32
  }
  func.func @transform_5(%arg0: i32) -> (i32, i32) {
    %c0_i32 = arith.constant 0 : i32
    %c0_i32_0 = arith.constant 0 : i32
    %c0_i32_1 = arith.constant 0 : i32
    return %c0_i32, %c0_i32_0 : i32, i32
  }
  func.func @transform_6(%arg0: i32) -> (i32, i32) {
    %c0_i32 = arith.constant 0 : i32
    %c0_i32_0 = arith.constant 0 : i32
    %c0_i32_1 = arith.constant 0 : i32
    return %c0_i32, %c0_i32_0 : i32, i32
  }
  func.func @transform_7(%arg0: i32) -> (i32, i32) {
    %c0_i32 = arith.constant 0 : i32
    %c0_i32_0 = arith.constant 0 : i32
    return %arg0, %c0_i32 : i32, i32
  }
  func.func @transform_8(%arg0: i32) -> (i32, i32) {
    %c0_i32 = arith.constant 0 : i32
    %c0_i32_0 = arith.constant 0 : i32
    return %arg0, %c0_i32 : i32, i32
  }
  func.func @transform_9(%arg0: i32) -> (i32, i32) {
    %c0_i32 = arith.constant 0 : i32
    %c0_i32_0 = arith.constant 0 : i32
    return %arg0, %c0_i32 : i32, i32
  }
}

module attributes {stable_mosaic.version = 14 : i64} {
  func.func @body(%arg0: memref<100x100x32xf32, #tpu.memory_space<vmem>>, %arg1: memref<100x32x100xf32, #tpu.memory_space<vmem>>, %arg2: memref<100x32x100xf32, #tpu.memory_space<vmem>>, %arg3: memref<100x960xf32, #tpu.memory_space<vmem>>) attributes {dimension_semantics = [], scalar_prefetch = 0 : i64, scratch_operands = 0 : i64, tpu.core_type = #tpu.core_type<tc>} {
    %get3A = arith.constant 0 : index
    %get3A_0 = arith.constant 0 : index
    %get3A_1 = arith.constant 0 : index
    %get3A_2 = vector.load %arg0[%get3A, %get3A_0, %get3A_1] : memref<100x100x32xf32, #tpu.memory_space<vmem>>, vector<100x100x32xf32>
    %get3A_3 = arith.constant 0 : index
    %get3A_4 = arith.constant 0 : index
    %get3A_5 = arith.constant 0 : index
    %get3A_6 = vector.load %arg1[%get3A_3, %get3A_4, %get3A_5] : memref<100x32x100xf32, #tpu.memory_space<vmem>>, vector<100x32x100xf32>
    %get3A_7 = arith.constant 0 : index
    %get3A_8 = arith.constant 0 : index
    %get3A_9 = arith.constant 0 : index
    %get3A_10 = vector.load %arg2[%get3A_7, %get3A_8, %get3A_9] : memref<100x32x100xf32, #tpu.memory_space<vmem>>, vector<100x32x100xf32>
    %iota3A = tpu.iota {dimensions = array<i32: 2>} : vector<100x100x32xi32>
    %eq3A = arith.constant 31 : i32
    %eq3A_11 = vector.broadcast %eq3A : i32 to vector<100x100x32xi32>
    %eq3A_12 = arith.cmpi eq, %iota3A, %eq3A_11 : vector<100x100x32xi32>
    %jit3A = arith.constant 0xFF800000 : f32
    %broadcast_in_dim3A = vector.broadcast %jit3A : f32 to vector<100x100x32xf32>
    %select_n3A = arith.select %eq3A_12, %get3A_2, %broadcast_in_dim3A : vector<100x100x32xi1>, vector<100x100x32xf32>
    %reduce_max3A = arith.constant dense<0xFF800000> : vector<100x100xf32>
    %reduce_max3A_13 = vector.multi_reduction <maximumf>, %select_n3A, %reduce_max3A [2] : vector<100x100x32xf32> to vector<100x100xf32>
    %broadcast_in_dim3A_14 = vector.shape_cast %reduce_max3A_13 : vector<100x100xf32> to vector<100x100x1xf32>
    %iota3A_15 = tpu.iota {dimensions = array<i32: 1>} : vector<100x32x100xi32>
    %eq3A_16 = arith.constant 31 : i32
    %eq3A_17 = vector.broadcast %eq3A_16 : i32 to vector<100x32x100xi32>
    %eq3A_18 = arith.cmpi eq, %iota3A_15, %eq3A_17 : vector<100x32x100xi32>
    %jit3A_19 = arith.constant 0xFF800000 : f32
    %broadcast_in_dim3A_20 = vector.broadcast %jit3A_19 : f32 to vector<100x32x100xf32>
    %select_n3A_21 = arith.select %eq3A_18, %get3A_6, %broadcast_in_dim3A_20 : vector<100x32x100xi1>, vector<100x32x100xf32>
    %reduce_max3A_22 = arith.constant dense<0xFF800000> : vector<100x100xf32>
    %reduce_max3A_23 = vector.multi_reduction <maximumf>, %select_n3A_21, %reduce_max3A_22 [1] : vector<100x32x100xf32> to vector<100x100xf32>
    %broadcast_in_dim3A_24 = vector.shape_cast %reduce_max3A_23 : vector<100x100xf32> to vector<100x1x100xf32>
    %broadcast_in_dim3A_25 = vector.shape_cast %broadcast_in_dim3A_14 : vector<100x100x1xf32> to vector<100x100x1xf32>
    %broadcast_in_dim3A_26 = vector.broadcast %broadcast_in_dim3A_25 : vector<100x100x1xf32> to vector<100x100x100xf32>
    %iota3A_27 = tpu.iota {dimensions = array<i32: 1>} : vector<100x100x100xi32>
    %iota3A_28 = tpu.iota {dimensions = array<i32: 2>} : vector<100x100x100xi32>
    %gt3A = vector.broadcast %broadcast_in_dim3A_24 : vector<100x1x100xf32> to vector<100x100x100xf32>
    %gt3A_29 = arith.cmpf ogt, %broadcast_in_dim3A_26, %gt3A : vector<100x100x100xf32>
    %eq3A_30 = vector.broadcast %broadcast_in_dim3A_24 : vector<100x1x100xf32> to vector<100x100x100xf32>
    %eq3A_31 = arith.cmpf oeq, %broadcast_in_dim3A_26, %eq3A_30 : vector<100x100x100xf32>
    %lt3A = arith.cmpi slt, %iota3A_27, %iota3A_28 : vector<100x100x100xi32>
    %and3A = arith.andi %eq3A_31, %lt3A : vector<100x100x100xi1>
    %or3A = arith.ori %gt3A_29, %and3A : vector<100x100x100xi1>
    %convert_element_type3A = arith.extui %or3A : vector<100x100x100xi1> to vector<100x100x100xi32>
    %reduce_sum3A = arith.constant dense<0> : vector<100x100xi32>
    %reduce_sum3A_32 = vector.multi_reduction <add>, %convert_element_type3A, %reduce_sum3A [1] : vector<100x100x100xi32> to vector<100x100xi32>
    %broadcast_in_dim3A_33 = vector.shape_cast %reduce_sum3A_32 : vector<100x100xi32> to vector<100x1x100xi32>
    %eq3A_34 = arith.constant 0 : i32
    %eq3A_35 = vector.broadcast %eq3A_34 : i32 to vector<100x1x100xi32>
    %eq3A_36 = arith.cmpi eq, %broadcast_in_dim3A_33, %eq3A_35 : vector<100x1x100xi32>
    %jit3A_37 = arith.constant 0.000000e+00 : f32
    %broadcast_in_dim3A_38 = vector.shape_cast %eq3A_36 : vector<100x1x100xi1> to vector<100x1x100xi1>
    %broadcast_in_dim3A_39 = vector.broadcast %broadcast_in_dim3A_38 : vector<100x1x100xi1> to vector<100x32x100xi1>
    %broadcast_in_dim3A_40 = vector.broadcast %jit3A_37 : f32 to vector<100x32x100xf32>
    %select_n3A_41 = arith.select %broadcast_in_dim3A_39, %get3A_10, %broadcast_in_dim3A_40 : vector<100x32x100xi1>, vector<100x32x100xf32>
    %reduce_sum3A_42 = arith.constant dense<0.000000e+00> : vector<100x32xf32>
    %reduce_sum3A_43 = vector.multi_reduction <add>, %select_n3A_41, %reduce_sum3A_42 [2] : vector<100x32x100xf32> to vector<100x32xf32>
    %max3A = arith.constant 0.000000e+00 : f32
    %max3A_44 = vector.broadcast %max3A : f32 to vector<100x32xf32>
    %max3A_45 = arith.maximumf %reduce_sum3A_43, %max3A_44 : vector<100x32xf32>
    %eq3A_46 = arith.constant 1 : i32
    %eq3A_47 = vector.broadcast %eq3A_46 : i32 to vector<100x1x100xi32>
    %eq3A_48 = arith.cmpi eq, %broadcast_in_dim3A_33, %eq3A_47 : vector<100x1x100xi32>
    %jit3A_49 = arith.constant 0.000000e+00 : f32
    %broadcast_in_dim3A_50 = vector.shape_cast %eq3A_48 : vector<100x1x100xi1> to vector<100x1x100xi1>
    %broadcast_in_dim3A_51 = vector.broadcast %broadcast_in_dim3A_50 : vector<100x1x100xi1> to vector<100x32x100xi1>
    %broadcast_in_dim3A_52 = vector.broadcast %jit3A_49 : f32 to vector<100x32x100xf32>
    %select_n3A_53 = arith.select %broadcast_in_dim3A_51, %get3A_10, %broadcast_in_dim3A_52 : vector<100x32x100xi1>, vector<100x32x100xf32>
    %reduce_sum3A_54 = arith.constant dense<0.000000e+00> : vector<100x32xf32>
    %reduce_sum3A_55 = vector.multi_reduction <add>, %select_n3A_53, %reduce_sum3A_54 [2] : vector<100x32x100xf32> to vector<100x32xf32>
    %max3A_56 = arith.constant 0.000000e+00 : f32
    %max3A_57 = vector.broadcast %max3A_56 : f32 to vector<100x32xf32>
    %max3A_58 = arith.maximumf %reduce_sum3A_55, %max3A_57 : vector<100x32xf32>
    %eq3A_59 = arith.constant 2 : i32
    %eq3A_60 = vector.broadcast %eq3A_59 : i32 to vector<100x1x100xi32>
    %eq3A_61 = arith.cmpi eq, %broadcast_in_dim3A_33, %eq3A_60 : vector<100x1x100xi32>
    %jit3A_62 = arith.constant 0.000000e+00 : f32
    %broadcast_in_dim3A_63 = vector.shape_cast %eq3A_61 : vector<100x1x100xi1> to vector<100x1x100xi1>
    %broadcast_in_dim3A_64 = vector.broadcast %broadcast_in_dim3A_63 : vector<100x1x100xi1> to vector<100x32x100xi1>
    %broadcast_in_dim3A_65 = vector.broadcast %jit3A_62 : f32 to vector<100x32x100xf32>
    %select_n3A_66 = arith.select %broadcast_in_dim3A_64, %get3A_10, %broadcast_in_dim3A_65 : vector<100x32x100xi1>, vector<100x32x100xf32>
    %reduce_sum3A_67 = arith.constant dense<0.000000e+00> : vector<100x32xf32>
    %reduce_sum3A_68 = vector.multi_reduction <add>, %select_n3A_66, %reduce_sum3A_67 [2] : vector<100x32x100xf32> to vector<100x32xf32>
    %max3A_69 = arith.constant 0.000000e+00 : f32
    %max3A_70 = vector.broadcast %max3A_69 : f32 to vector<100x32xf32>
    %max3A_71 = arith.maximumf %reduce_sum3A_68, %max3A_70 : vector<100x32xf32>
    %eq3A_72 = arith.constant 3 : i32
    %eq3A_73 = vector.broadcast %eq3A_72 : i32 to vector<100x1x100xi32>
    %eq3A_74 = arith.cmpi eq, %broadcast_in_dim3A_33, %eq3A_73 : vector<100x1x100xi32>
    %jit3A_75 = arith.constant 0.000000e+00 : f32
    %broadcast_in_dim3A_76 = vector.shape_cast %eq3A_74 : vector<100x1x100xi1> to vector<100x1x100xi1>
    %broadcast_in_dim3A_77 = vector.broadcast %broadcast_in_dim3A_76 : vector<100x1x100xi1> to vector<100x32x100xi1>
    %broadcast_in_dim3A_78 = vector.broadcast %jit3A_75 : f32 to vector<100x32x100xf32>
    %select_n3A_79 = arith.select %broadcast_in_dim3A_77, %get3A_10, %broadcast_in_dim3A_78 : vector<100x32x100xi1>, vector<100x32x100xf32>
    %reduce_sum3A_80 = arith.constant dense<0.000000e+00> : vector<100x32xf32>
    %reduce_sum3A_81 = vector.multi_reduction <add>, %select_n3A_79, %reduce_sum3A_80 [2] : vector<100x32x100xf32> to vector<100x32xf32>
    %max3A_82 = arith.constant 0.000000e+00 : f32
    %max3A_83 = vector.broadcast %max3A_82 : f32 to vector<100x32xf32>
    %max3A_84 = arith.maximumf %reduce_sum3A_81, %max3A_83 : vector<100x32xf32>
    %eq3A_85 = arith.constant 4 : i32
    %eq3A_86 = vector.broadcast %eq3A_85 : i32 to vector<100x1x100xi32>
    %eq3A_87 = arith.cmpi eq, %broadcast_in_dim3A_33, %eq3A_86 : vector<100x1x100xi32>
    %jit3A_88 = arith.constant 0.000000e+00 : f32
    %broadcast_in_dim3A_89 = vector.shape_cast %eq3A_87 : vector<100x1x100xi1> to vector<100x1x100xi1>
    %broadcast_in_dim3A_90 = vector.broadcast %broadcast_in_dim3A_89 : vector<100x1x100xi1> to vector<100x32x100xi1>
    %broadcast_in_dim3A_91 = vector.broadcast %jit3A_88 : f32 to vector<100x32x100xf32>
    %select_n3A_92 = arith.select %broadcast_in_dim3A_90, %get3A_10, %broadcast_in_dim3A_91 : vector<100x32x100xi1>, vector<100x32x100xf32>
    %reduce_sum3A_93 = arith.constant dense<0.000000e+00> : vector<100x32xf32>
    %reduce_sum3A_94 = vector.multi_reduction <add>, %select_n3A_92, %reduce_sum3A_93 [2] : vector<100x32x100xf32> to vector<100x32xf32>
    %max3A_95 = arith.constant 0.000000e+00 : f32
    %max3A_96 = vector.broadcast %max3A_95 : f32 to vector<100x32xf32>
    %max3A_97 = arith.maximumf %reduce_sum3A_94, %max3A_96 : vector<100x32xf32>
    %eq3A_98 = arith.constant 5 : i32
    %eq3A_99 = vector.broadcast %eq3A_98 : i32 to vector<100x1x100xi32>
    %eq3A_100 = arith.cmpi eq, %broadcast_in_dim3A_33, %eq3A_99 : vector<100x1x100xi32>
    %jit3A_101 = arith.constant 0.000000e+00 : f32
    %broadcast_in_dim3A_102 = vector.shape_cast %eq3A_100 : vector<100x1x100xi1> to vector<100x1x100xi1>
    %broadcast_in_dim3A_103 = vector.broadcast %broadcast_in_dim3A_102 : vector<100x1x100xi1> to vector<100x32x100xi1>
    %broadcast_in_dim3A_104 = vector.broadcast %jit3A_101 : f32 to vector<100x32x100xf32>
    %select_n3A_105 = arith.select %broadcast_in_dim3A_103, %get3A_10, %broadcast_in_dim3A_104 : vector<100x32x100xi1>, vector<100x32x100xf32>
    %reduce_sum3A_106 = arith.constant dense<0.000000e+00> : vector<100x32xf32>
    %reduce_sum3A_107 = vector.multi_reduction <add>, %select_n3A_105, %reduce_sum3A_106 [2] : vector<100x32x100xf32> to vector<100x32xf32>
    %max3A_108 = arith.constant 0.000000e+00 : f32
    %max3A_109 = vector.broadcast %max3A_108 : f32 to vector<100x32xf32>
    %max3A_110 = arith.maximumf %reduce_sum3A_107, %max3A_109 : vector<100x32xf32>
    %eq3A_111 = arith.constant 6 : i32
    %eq3A_112 = vector.broadcast %eq3A_111 : i32 to vector<100x1x100xi32>
    %eq3A_113 = arith.cmpi eq, %broadcast_in_dim3A_33, %eq3A_112 : vector<100x1x100xi32>
    %jit3A_114 = arith.constant 0.000000e+00 : f32
    %broadcast_in_dim3A_115 = vector.shape_cast %eq3A_113 : vector<100x1x100xi1> to vector<100x1x100xi1>
    %broadcast_in_dim3A_116 = vector.broadcast %broadcast_in_dim3A_115 : vector<100x1x100xi1> to vector<100x32x100xi1>
    %broadcast_in_dim3A_117 = vector.broadcast %jit3A_114 : f32 to vector<100x32x100xf32>
    %select_n3A_118 = arith.select %broadcast_in_dim3A_116, %get3A_10, %broadcast_in_dim3A_117 : vector<100x32x100xi1>, vector<100x32x100xf32>
    %reduce_sum3A_119 = arith.constant dense<0.000000e+00> : vector<100x32xf32>
    %reduce_sum3A_120 = vector.multi_reduction <add>, %select_n3A_118, %reduce_sum3A_119 [2] : vector<100x32x100xf32> to vector<100x32xf32>
    %max3A_121 = arith.constant 0.000000e+00 : f32
    %max3A_122 = vector.broadcast %max3A_121 : f32 to vector<100x32xf32>
    %max3A_123 = arith.maximumf %reduce_sum3A_120, %max3A_122 : vector<100x32xf32>
    %eq3A_124 = arith.constant 7 : i32
    %eq3A_125 = vector.broadcast %eq3A_124 : i32 to vector<100x1x100xi32>
    %eq3A_126 = arith.cmpi eq, %broadcast_in_dim3A_33, %eq3A_125 : vector<100x1x100xi32>
    %jit3A_127 = arith.constant 0.000000e+00 : f32
    %broadcast_in_dim3A_128 = vector.shape_cast %eq3A_126 : vector<100x1x100xi1> to vector<100x1x100xi1>
    %broadcast_in_dim3A_129 = vector.broadcast %broadcast_in_dim3A_128 : vector<100x1x100xi1> to vector<100x32x100xi1>
    %broadcast_in_dim3A_130 = vector.broadcast %jit3A_127 : f32 to vector<100x32x100xf32>
    %select_n3A_131 = arith.select %broadcast_in_dim3A_129, %get3A_10, %broadcast_in_dim3A_130 : vector<100x32x100xi1>, vector<100x32x100xf32>
    %reduce_sum3A_132 = arith.constant dense<0.000000e+00> : vector<100x32xf32>
    %reduce_sum3A_133 = vector.multi_reduction <add>, %select_n3A_131, %reduce_sum3A_132 [2] : vector<100x32x100xf32> to vector<100x32xf32>
    %max3A_134 = arith.constant 0.000000e+00 : f32
    %max3A_135 = vector.broadcast %max3A_134 : f32 to vector<100x32xf32>
    %max3A_136 = arith.maximumf %reduce_sum3A_133, %max3A_135 : vector<100x32xf32>
    %eq3A_137 = arith.constant 8 : i32
    %eq3A_138 = vector.broadcast %eq3A_137 : i32 to vector<100x1x100xi32>
    %eq3A_139 = arith.cmpi eq, %broadcast_in_dim3A_33, %eq3A_138 : vector<100x1x100xi32>
    %jit3A_140 = arith.constant 0.000000e+00 : f32
    %broadcast_in_dim3A_141 = vector.shape_cast %eq3A_139 : vector<100x1x100xi1> to vector<100x1x100xi1>
    %broadcast_in_dim3A_142 = vector.broadcast %broadcast_in_dim3A_141 : vector<100x1x100xi1> to vector<100x32x100xi1>
    %broadcast_in_dim3A_143 = vector.broadcast %jit3A_140 : f32 to vector<100x32x100xf32>
    %select_n3A_144 = arith.select %broadcast_in_dim3A_142, %get3A_10, %broadcast_in_dim3A_143 : vector<100x32x100xi1>, vector<100x32x100xf32>
    %reduce_sum3A_145 = arith.constant dense<0.000000e+00> : vector<100x32xf32>
    %reduce_sum3A_146 = vector.multi_reduction <add>, %select_n3A_144, %reduce_sum3A_145 [2] : vector<100x32x100xf32> to vector<100x32xf32>
    %max3A_147 = arith.constant 0.000000e+00 : f32
    %max3A_148 = vector.broadcast %max3A_147 : f32 to vector<100x32xf32>
    %max3A_149 = arith.maximumf %reduce_sum3A_146, %max3A_148 : vector<100x32xf32>
    %eq3A_150 = arith.constant 9 : i32
    %eq3A_151 = vector.broadcast %eq3A_150 : i32 to vector<100x1x100xi32>
    %eq3A_152 = arith.cmpi eq, %broadcast_in_dim3A_33, %eq3A_151 : vector<100x1x100xi32>
    %jit3A_153 = arith.constant 0.000000e+00 : f32
    %broadcast_in_dim3A_154 = vector.shape_cast %eq3A_152 : vector<100x1x100xi1> to vector<100x1x100xi1>
    %broadcast_in_dim3A_155 = vector.broadcast %broadcast_in_dim3A_154 : vector<100x1x100xi1> to vector<100x32x100xi1>
    %broadcast_in_dim3A_156 = vector.broadcast %jit3A_153 : f32 to vector<100x32x100xf32>
    %select_n3A_157 = arith.select %broadcast_in_dim3A_155, %get3A_10, %broadcast_in_dim3A_156 : vector<100x32x100xi1>, vector<100x32x100xf32>
    %reduce_sum3A_158 = arith.constant dense<0.000000e+00> : vector<100x32xf32>
    %reduce_sum3A_159 = vector.multi_reduction <add>, %select_n3A_157, %reduce_sum3A_158 [2] : vector<100x32x100xf32> to vector<100x32xf32>
    %max3A_160 = arith.constant 0.000000e+00 : f32
    %max3A_161 = vector.broadcast %max3A_160 : f32 to vector<100x32xf32>
    %max3A_162 = arith.maximumf %reduce_sum3A_159, %max3A_161 : vector<100x32xf32>
    %eq3A_163 = arith.constant 10 : i32
    %eq3A_164 = vector.broadcast %eq3A_163 : i32 to vector<100x1x100xi32>
    %eq3A_165 = arith.cmpi eq, %broadcast_in_dim3A_33, %eq3A_164 : vector<100x1x100xi32>
    %jit3A_166 = arith.constant 0.000000e+00 : f32
    %broadcast_in_dim3A_167 = vector.shape_cast %eq3A_165 : vector<100x1x100xi1> to vector<100x1x100xi1>
    %broadcast_in_dim3A_168 = vector.broadcast %broadcast_in_dim3A_167 : vector<100x1x100xi1> to vector<100x32x100xi1>
    %broadcast_in_dim3A_169 = vector.broadcast %jit3A_166 : f32 to vector<100x32x100xf32>
    %select_n3A_170 = arith.select %broadcast_in_dim3A_168, %get3A_10, %broadcast_in_dim3A_169 : vector<100x32x100xi1>, vector<100x32x100xf32>
    %reduce_sum3A_171 = arith.constant dense<0.000000e+00> : vector<100x32xf32>
    %reduce_sum3A_172 = vector.multi_reduction <add>, %select_n3A_170, %reduce_sum3A_171 [2] : vector<100x32x100xf32> to vector<100x32xf32>
    %max3A_173 = arith.constant 0.000000e+00 : f32
    %max3A_174 = vector.broadcast %max3A_173 : f32 to vector<100x32xf32>
    %max3A_175 = arith.maximumf %reduce_sum3A_172, %max3A_174 : vector<100x32xf32>
    %eq3A_176 = arith.constant 11 : i32
    %eq3A_177 = vector.broadcast %eq3A_176 : i32 to vector<100x1x100xi32>
    %eq3A_178 = arith.cmpi eq, %broadcast_in_dim3A_33, %eq3A_177 : vector<100x1x100xi32>
    %jit3A_179 = arith.constant 0.000000e+00 : f32
    %broadcast_in_dim3A_180 = vector.shape_cast %eq3A_178 : vector<100x1x100xi1> to vector<100x1x100xi1>
    %broadcast_in_dim3A_181 = vector.broadcast %broadcast_in_dim3A_180 : vector<100x1x100xi1> to vector<100x32x100xi1>
    %broadcast_in_dim3A_182 = vector.broadcast %jit3A_179 : f32 to vector<100x32x100xf32>
    %select_n3A_183 = arith.select %broadcast_in_dim3A_181, %get3A_10, %broadcast_in_dim3A_182 : vector<100x32x100xi1>, vector<100x32x100xf32>
    %reduce_sum3A_184 = arith.constant dense<0.000000e+00> : vector<100x32xf32>
    %reduce_sum3A_185 = vector.multi_reduction <add>, %select_n3A_183, %reduce_sum3A_184 [2] : vector<100x32x100xf32> to vector<100x32xf32>
    %max3A_186 = arith.constant 0.000000e+00 : f32
    %max3A_187 = vector.broadcast %max3A_186 : f32 to vector<100x32xf32>
    %max3A_188 = arith.maximumf %reduce_sum3A_185, %max3A_187 : vector<100x32xf32>
    %eq3A_189 = arith.constant 12 : i32
    %eq3A_190 = vector.broadcast %eq3A_189 : i32 to vector<100x1x100xi32>
    %eq3A_191 = arith.cmpi eq, %broadcast_in_dim3A_33, %eq3A_190 : vector<100x1x100xi32>
    %jit3A_192 = arith.constant 0.000000e+00 : f32
    %broadcast_in_dim3A_193 = vector.shape_cast %eq3A_191 : vector<100x1x100xi1> to vector<100x1x100xi1>
    %broadcast_in_dim3A_194 = vector.broadcast %broadcast_in_dim3A_193 : vector<100x1x100xi1> to vector<100x32x100xi1>
    %broadcast_in_dim3A_195 = vector.broadcast %jit3A_192 : f32 to vector<100x32x100xf32>
    %select_n3A_196 = arith.select %broadcast_in_dim3A_194, %get3A_10, %broadcast_in_dim3A_195 : vector<100x32x100xi1>, vector<100x32x100xf32>
    %reduce_sum3A_197 = arith.constant dense<0.000000e+00> : vector<100x32xf32>
    %reduce_sum3A_198 = vector.multi_reduction <add>, %select_n3A_196, %reduce_sum3A_197 [2] : vector<100x32x100xf32> to vector<100x32xf32>
    %max3A_199 = arith.constant 0.000000e+00 : f32
    %max3A_200 = vector.broadcast %max3A_199 : f32 to vector<100x32xf32>
    %max3A_201 = arith.maximumf %reduce_sum3A_198, %max3A_200 : vector<100x32xf32>
    %eq3A_202 = arith.constant 13 : i32
    %eq3A_203 = vector.broadcast %eq3A_202 : i32 to vector<100x1x100xi32>
    %eq3A_204 = arith.cmpi eq, %broadcast_in_dim3A_33, %eq3A_203 : vector<100x1x100xi32>
    %jit3A_205 = arith.constant 0.000000e+00 : f32
    %broadcast_in_dim3A_206 = vector.shape_cast %eq3A_204 : vector<100x1x100xi1> to vector<100x1x100xi1>
    %broadcast_in_dim3A_207 = vector.broadcast %broadcast_in_dim3A_206 : vector<100x1x100xi1> to vector<100x32x100xi1>
    %broadcast_in_dim3A_208 = vector.broadcast %jit3A_205 : f32 to vector<100x32x100xf32>
    %select_n3A_209 = arith.select %broadcast_in_dim3A_207, %get3A_10, %broadcast_in_dim3A_208 : vector<100x32x100xi1>, vector<100x32x100xf32>
    %reduce_sum3A_210 = arith.constant dense<0.000000e+00> : vector<100x32xf32>
    %reduce_sum3A_211 = vector.multi_reduction <add>, %select_n3A_209, %reduce_sum3A_210 [2] : vector<100x32x100xf32> to vector<100x32xf32>
    %max3A_212 = arith.constant 0.000000e+00 : f32
    %max3A_213 = vector.broadcast %max3A_212 : f32 to vector<100x32xf32>
    %max3A_214 = arith.maximumf %reduce_sum3A_211, %max3A_213 : vector<100x32xf32>
    %eq3A_215 = arith.constant 14 : i32
    %eq3A_216 = vector.broadcast %eq3A_215 : i32 to vector<100x1x100xi32>
    %eq3A_217 = arith.cmpi eq, %broadcast_in_dim3A_33, %eq3A_216 : vector<100x1x100xi32>
    %jit3A_218 = arith.constant 0.000000e+00 : f32
    %broadcast_in_dim3A_219 = vector.shape_cast %eq3A_217 : vector<100x1x100xi1> to vector<100x1x100xi1>
    %broadcast_in_dim3A_220 = vector.broadcast %broadcast_in_dim3A_219 : vector<100x1x100xi1> to vector<100x32x100xi1>
    %broadcast_in_dim3A_221 = vector.broadcast %jit3A_218 : f32 to vector<100x32x100xf32>
    %select_n3A_222 = arith.select %broadcast_in_dim3A_220, %get3A_10, %broadcast_in_dim3A_221 : vector<100x32x100xi1>, vector<100x32x100xf32>
    %reduce_sum3A_223 = arith.constant dense<0.000000e+00> : vector<100x32xf32>
    %reduce_sum3A_224 = vector.multi_reduction <add>, %select_n3A_222, %reduce_sum3A_223 [2] : vector<100x32x100xf32> to vector<100x32xf32>
    %max3A_225 = arith.constant 0.000000e+00 : f32
    %max3A_226 = vector.broadcast %max3A_225 : f32 to vector<100x32xf32>
    %max3A_227 = arith.maximumf %reduce_sum3A_224, %max3A_226 : vector<100x32xf32>
    %eq3A_228 = arith.constant 15 : i32
    %eq3A_229 = vector.broadcast %eq3A_228 : i32 to vector<100x1x100xi32>
    %eq3A_230 = arith.cmpi eq, %broadcast_in_dim3A_33, %eq3A_229 : vector<100x1x100xi32>
    %jit3A_231 = arith.constant 0.000000e+00 : f32
    %broadcast_in_dim3A_232 = vector.shape_cast %eq3A_230 : vector<100x1x100xi1> to vector<100x1x100xi1>
    %broadcast_in_dim3A_233 = vector.broadcast %broadcast_in_dim3A_232 : vector<100x1x100xi1> to vector<100x32x100xi1>
    %broadcast_in_dim3A_234 = vector.broadcast %jit3A_231 : f32 to vector<100x32x100xf32>
    %select_n3A_235 = arith.select %broadcast_in_dim3A_233, %get3A_10, %broadcast_in_dim3A_234 : vector<100x32x100xi1>, vector<100x32x100xf32>
    %reduce_sum3A_236 = arith.constant dense<0.000000e+00> : vector<100x32xf32>
    %reduce_sum3A_237 = vector.multi_reduction <add>, %select_n3A_235, %reduce_sum3A_236 [2] : vector<100x32x100xf32> to vector<100x32xf32>
    %max3A_238 = arith.constant 0.000000e+00 : f32
    %max3A_239 = vector.broadcast %max3A_238 : f32 to vector<100x32xf32>
    %max3A_240 = arith.maximumf %reduce_sum3A_237, %max3A_239 : vector<100x32xf32>
    %eq3A_241 = arith.constant 16 : i32
    %eq3A_242 = vector.broadcast %eq3A_241 : i32 to vector<100x1x100xi32>
    %eq3A_243 = arith.cmpi eq, %broadcast_in_dim3A_33, %eq3A_242 : vector<100x1x100xi32>
    %jit3A_244 = arith.constant 0.000000e+00 : f32
    %broadcast_in_dim3A_245 = vector.shape_cast %eq3A_243 : vector<100x1x100xi1> to vector<100x1x100xi1>
    %broadcast_in_dim3A_246 = vector.broadcast %broadcast_in_dim3A_245 : vector<100x1x100xi1> to vector<100x32x100xi1>
    %broadcast_in_dim3A_247 = vector.broadcast %jit3A_244 : f32 to vector<100x32x100xf32>
    %select_n3A_248 = arith.select %broadcast_in_dim3A_246, %get3A_10, %broadcast_in_dim3A_247 : vector<100x32x100xi1>, vector<100x32x100xf32>
    %reduce_sum3A_249 = arith.constant dense<0.000000e+00> : vector<100x32xf32>
    %reduce_sum3A_250 = vector.multi_reduction <add>, %select_n3A_248, %reduce_sum3A_249 [2] : vector<100x32x100xf32> to vector<100x32xf32>
    %max3A_251 = arith.constant 0.000000e+00 : f32
    %max3A_252 = vector.broadcast %max3A_251 : f32 to vector<100x32xf32>
    %max3A_253 = arith.maximumf %reduce_sum3A_250, %max3A_252 : vector<100x32xf32>
    %eq3A_254 = arith.constant 17 : i32
    %eq3A_255 = vector.broadcast %eq3A_254 : i32 to vector<100x1x100xi32>
    %eq3A_256 = arith.cmpi eq, %broadcast_in_dim3A_33, %eq3A_255 : vector<100x1x100xi32>
    %jit3A_257 = arith.constant 0.000000e+00 : f32
    %broadcast_in_dim3A_258 = vector.shape_cast %eq3A_256 : vector<100x1x100xi1> to vector<100x1x100xi1>
    %broadcast_in_dim3A_259 = vector.broadcast %broadcast_in_dim3A_258 : vector<100x1x100xi1> to vector<100x32x100xi1>
    %broadcast_in_dim3A_260 = vector.broadcast %jit3A_257 : f32 to vector<100x32x100xf32>
    %select_n3A_261 = arith.select %broadcast_in_dim3A_259, %get3A_10, %broadcast_in_dim3A_260 : vector<100x32x100xi1>, vector<100x32x100xf32>
    %reduce_sum3A_262 = arith.constant dense<0.000000e+00> : vector<100x32xf32>
    %reduce_sum3A_263 = vector.multi_reduction <add>, %select_n3A_261, %reduce_sum3A_262 [2] : vector<100x32x100xf32> to vector<100x32xf32>
    %max3A_264 = arith.constant 0.000000e+00 : f32
    %max3A_265 = vector.broadcast %max3A_264 : f32 to vector<100x32xf32>
    %max3A_266 = arith.maximumf %reduce_sum3A_263, %max3A_265 : vector<100x32xf32>
    %eq3A_267 = arith.constant 18 : i32
    %eq3A_268 = vector.broadcast %eq3A_267 : i32 to vector<100x1x100xi32>
    %eq3A_269 = arith.cmpi eq, %broadcast_in_dim3A_33, %eq3A_268 : vector<100x1x100xi32>
    %jit3A_270 = arith.constant 0.000000e+00 : f32
    %broadcast_in_dim3A_271 = vector.shape_cast %eq3A_269 : vector<100x1x100xi1> to vector<100x1x100xi1>
    %broadcast_in_dim3A_272 = vector.broadcast %broadcast_in_dim3A_271 : vector<100x1x100xi1> to vector<100x32x100xi1>
    %broadcast_in_dim3A_273 = vector.broadcast %jit3A_270 : f32 to vector<100x32x100xf32>
    %select_n3A_274 = arith.select %broadcast_in_dim3A_272, %get3A_10, %broadcast_in_dim3A_273 : vector<100x32x100xi1>, vector<100x32x100xf32>
    %reduce_sum3A_275 = arith.constant dense<0.000000e+00> : vector<100x32xf32>
    %reduce_sum3A_276 = vector.multi_reduction <add>, %select_n3A_274, %reduce_sum3A_275 [2] : vector<100x32x100xf32> to vector<100x32xf32>
    %max3A_277 = arith.constant 0.000000e+00 : f32
    %max3A_278 = vector.broadcast %max3A_277 : f32 to vector<100x32xf32>
    %max3A_279 = arith.maximumf %reduce_sum3A_276, %max3A_278 : vector<100x32xf32>
    %eq3A_280 = arith.constant 19 : i32
    %eq3A_281 = vector.broadcast %eq3A_280 : i32 to vector<100x1x100xi32>
    %eq3A_282 = arith.cmpi eq, %broadcast_in_dim3A_33, %eq3A_281 : vector<100x1x100xi32>
    %jit3A_283 = arith.constant 0.000000e+00 : f32
    %broadcast_in_dim3A_284 = vector.shape_cast %eq3A_282 : vector<100x1x100xi1> to vector<100x1x100xi1>
    %broadcast_in_dim3A_285 = vector.broadcast %broadcast_in_dim3A_284 : vector<100x1x100xi1> to vector<100x32x100xi1>
    %broadcast_in_dim3A_286 = vector.broadcast %jit3A_283 : f32 to vector<100x32x100xf32>
    %select_n3A_287 = arith.select %broadcast_in_dim3A_285, %get3A_10, %broadcast_in_dim3A_286 : vector<100x32x100xi1>, vector<100x32x100xf32>
    %reduce_sum3A_288 = arith.constant dense<0.000000e+00> : vector<100x32xf32>
    %reduce_sum3A_289 = vector.multi_reduction <add>, %select_n3A_287, %reduce_sum3A_288 [2] : vector<100x32x100xf32> to vector<100x32xf32>
    %max3A_290 = arith.constant 0.000000e+00 : f32
    %max3A_291 = vector.broadcast %max3A_290 : f32 to vector<100x32xf32>
    %max3A_292 = arith.maximumf %reduce_sum3A_289, %max3A_291 : vector<100x32xf32>
    %eq3A_293 = arith.constant 20 : i32
    %eq3A_294 = vector.broadcast %eq3A_293 : i32 to vector<100x1x100xi32>
    %eq3A_295 = arith.cmpi eq, %broadcast_in_dim3A_33, %eq3A_294 : vector<100x1x100xi32>
    %jit3A_296 = arith.constant 0.000000e+00 : f32
    %broadcast_in_dim3A_297 = vector.shape_cast %eq3A_295 : vector<100x1x100xi1> to vector<100x1x100xi1>
    %broadcast_in_dim3A_298 = vector.broadcast %broadcast_in_dim3A_297 : vector<100x1x100xi1> to vector<100x32x100xi1>
    %broadcast_in_dim3A_299 = vector.broadcast %jit3A_296 : f32 to vector<100x32x100xf32>
    %select_n3A_300 = arith.select %broadcast_in_dim3A_298, %get3A_10, %broadcast_in_dim3A_299 : vector<100x32x100xi1>, vector<100x32x100xf32>
    %reduce_sum3A_301 = arith.constant dense<0.000000e+00> : vector<100x32xf32>
    %reduce_sum3A_302 = vector.multi_reduction <add>, %select_n3A_300, %reduce_sum3A_301 [2] : vector<100x32x100xf32> to vector<100x32xf32>
    %max3A_303 = arith.constant 0.000000e+00 : f32
    %max3A_304 = vector.broadcast %max3A_303 : f32 to vector<100x32xf32>
    %max3A_305 = arith.maximumf %reduce_sum3A_302, %max3A_304 : vector<100x32xf32>
    %eq3A_306 = arith.constant 21 : i32
    %eq3A_307 = vector.broadcast %eq3A_306 : i32 to vector<100x1x100xi32>
    %eq3A_308 = arith.cmpi eq, %broadcast_in_dim3A_33, %eq3A_307 : vector<100x1x100xi32>
    %jit3A_309 = arith.constant 0.000000e+00 : f32
    %broadcast_in_dim3A_310 = vector.shape_cast %eq3A_308 : vector<100x1x100xi1> to vector<100x1x100xi1>
    %broadcast_in_dim3A_311 = vector.broadcast %broadcast_in_dim3A_310 : vector<100x1x100xi1> to vector<100x32x100xi1>
    %broadcast_in_dim3A_312 = vector.broadcast %jit3A_309 : f32 to vector<100x32x100xf32>
    %select_n3A_313 = arith.select %broadcast_in_dim3A_311, %get3A_10, %broadcast_in_dim3A_312 : vector<100x32x100xi1>, vector<100x32x100xf32>
    %reduce_sum3A_314 = arith.constant dense<0.000000e+00> : vector<100x32xf32>
    %reduce_sum3A_315 = vector.multi_reduction <add>, %select_n3A_313, %reduce_sum3A_314 [2] : vector<100x32x100xf32> to vector<100x32xf32>
    %max3A_316 = arith.constant 0.000000e+00 : f32
    %max3A_317 = vector.broadcast %max3A_316 : f32 to vector<100x32xf32>
    %max3A_318 = arith.maximumf %reduce_sum3A_315, %max3A_317 : vector<100x32xf32>
    %eq3A_319 = arith.constant 22 : i32
    %eq3A_320 = vector.broadcast %eq3A_319 : i32 to vector<100x1x100xi32>
    %eq3A_321 = arith.cmpi eq, %broadcast_in_dim3A_33, %eq3A_320 : vector<100x1x100xi32>
    %jit3A_322 = arith.constant 0.000000e+00 : f32
    %broadcast_in_dim3A_323 = vector.shape_cast %eq3A_321 : vector<100x1x100xi1> to vector<100x1x100xi1>
    %broadcast_in_dim3A_324 = vector.broadcast %broadcast_in_dim3A_323 : vector<100x1x100xi1> to vector<100x32x100xi1>
    %broadcast_in_dim3A_325 = vector.broadcast %jit3A_322 : f32 to vector<100x32x100xf32>
    %select_n3A_326 = arith.select %broadcast_in_dim3A_324, %get3A_10, %broadcast_in_dim3A_325 : vector<100x32x100xi1>, vector<100x32x100xf32>
    %reduce_sum3A_327 = arith.constant dense<0.000000e+00> : vector<100x32xf32>
    %reduce_sum3A_328 = vector.multi_reduction <add>, %select_n3A_326, %reduce_sum3A_327 [2] : vector<100x32x100xf32> to vector<100x32xf32>
    %max3A_329 = arith.constant 0.000000e+00 : f32
    %max3A_330 = vector.broadcast %max3A_329 : f32 to vector<100x32xf32>
    %max3A_331 = arith.maximumf %reduce_sum3A_328, %max3A_330 : vector<100x32xf32>
    %eq3A_332 = arith.constant 23 : i32
    %eq3A_333 = vector.broadcast %eq3A_332 : i32 to vector<100x1x100xi32>
    %eq3A_334 = arith.cmpi eq, %broadcast_in_dim3A_33, %eq3A_333 : vector<100x1x100xi32>
    %jit3A_335 = arith.constant 0.000000e+00 : f32
    %broadcast_in_dim3A_336 = vector.shape_cast %eq3A_334 : vector<100x1x100xi1> to vector<100x1x100xi1>
    %broadcast_in_dim3A_337 = vector.broadcast %broadcast_in_dim3A_336 : vector<100x1x100xi1> to vector<100x32x100xi1>
    %broadcast_in_dim3A_338 = vector.broadcast %jit3A_335 : f32 to vector<100x32x100xf32>
    %select_n3A_339 = arith.select %broadcast_in_dim3A_337, %get3A_10, %broadcast_in_dim3A_338 : vector<100x32x100xi1>, vector<100x32x100xf32>
    %reduce_sum3A_340 = arith.constant dense<0.000000e+00> : vector<100x32xf32>
    %reduce_sum3A_341 = vector.multi_reduction <add>, %select_n3A_339, %reduce_sum3A_340 [2] : vector<100x32x100xf32> to vector<100x32xf32>
    %max3A_342 = arith.constant 0.000000e+00 : f32
    %max3A_343 = vector.broadcast %max3A_342 : f32 to vector<100x32xf32>
    %max3A_344 = arith.maximumf %reduce_sum3A_341, %max3A_343 : vector<100x32xf32>
    %eq3A_345 = arith.constant 24 : i32
    %eq3A_346 = vector.broadcast %eq3A_345 : i32 to vector<100x1x100xi32>
    %eq3A_347 = arith.cmpi eq, %broadcast_in_dim3A_33, %eq3A_346 : vector<100x1x100xi32>
    %jit3A_348 = arith.constant 0.000000e+00 : f32
    %broadcast_in_dim3A_349 = vector.shape_cast %eq3A_347 : vector<100x1x100xi1> to vector<100x1x100xi1>
    %broadcast_in_dim3A_350 = vector.broadcast %broadcast_in_dim3A_349 : vector<100x1x100xi1> to vector<100x32x100xi1>
    %broadcast_in_dim3A_351 = vector.broadcast %jit3A_348 : f32 to vector<100x32x100xf32>
    %select_n3A_352 = arith.select %broadcast_in_dim3A_350, %get3A_10, %broadcast_in_dim3A_351 : vector<100x32x100xi1>, vector<100x32x100xf32>
    %reduce_sum3A_353 = arith.constant dense<0.000000e+00> : vector<100x32xf32>
    %reduce_sum3A_354 = vector.multi_reduction <add>, %select_n3A_352, %reduce_sum3A_353 [2] : vector<100x32x100xf32> to vector<100x32xf32>
    %max3A_355 = arith.constant 0.000000e+00 : f32
    %max3A_356 = vector.broadcast %max3A_355 : f32 to vector<100x32xf32>
    %max3A_357 = arith.maximumf %reduce_sum3A_354, %max3A_356 : vector<100x32xf32>
    %eq3A_358 = arith.constant 25 : i32
    %eq3A_359 = vector.broadcast %eq3A_358 : i32 to vector<100x1x100xi32>
    %eq3A_360 = arith.cmpi eq, %broadcast_in_dim3A_33, %eq3A_359 : vector<100x1x100xi32>
    %jit3A_361 = arith.constant 0.000000e+00 : f32
    %broadcast_in_dim3A_362 = vector.shape_cast %eq3A_360 : vector<100x1x100xi1> to vector<100x1x100xi1>
    %broadcast_in_dim3A_363 = vector.broadcast %broadcast_in_dim3A_362 : vector<100x1x100xi1> to vector<100x32x100xi1>
    %broadcast_in_dim3A_364 = vector.broadcast %jit3A_361 : f32 to vector<100x32x100xf32>
    %select_n3A_365 = arith.select %broadcast_in_dim3A_363, %get3A_10, %broadcast_in_dim3A_364 : vector<100x32x100xi1>, vector<100x32x100xf32>
    %reduce_sum3A_366 = arith.constant dense<0.000000e+00> : vector<100x32xf32>
    %reduce_sum3A_367 = vector.multi_reduction <add>, %select_n3A_365, %reduce_sum3A_366 [2] : vector<100x32x100xf32> to vector<100x32xf32>
    %max3A_368 = arith.constant 0.000000e+00 : f32
    %max3A_369 = vector.broadcast %max3A_368 : f32 to vector<100x32xf32>
    %max3A_370 = arith.maximumf %reduce_sum3A_367, %max3A_369 : vector<100x32xf32>
    %eq3A_371 = arith.constant 26 : i32
    %eq3A_372 = vector.broadcast %eq3A_371 : i32 to vector<100x1x100xi32>
    %eq3A_373 = arith.cmpi eq, %broadcast_in_dim3A_33, %eq3A_372 : vector<100x1x100xi32>
    %jit3A_374 = arith.constant 0.000000e+00 : f32
    %broadcast_in_dim3A_375 = vector.shape_cast %eq3A_373 : vector<100x1x100xi1> to vector<100x1x100xi1>
    %broadcast_in_dim3A_376 = vector.broadcast %broadcast_in_dim3A_375 : vector<100x1x100xi1> to vector<100x32x100xi1>
    %broadcast_in_dim3A_377 = vector.broadcast %jit3A_374 : f32 to vector<100x32x100xf32>
    %select_n3A_378 = arith.select %broadcast_in_dim3A_376, %get3A_10, %broadcast_in_dim3A_377 : vector<100x32x100xi1>, vector<100x32x100xf32>
    %reduce_sum3A_379 = arith.constant dense<0.000000e+00> : vector<100x32xf32>
    %reduce_sum3A_380 = vector.multi_reduction <add>, %select_n3A_378, %reduce_sum3A_379 [2] : vector<100x32x100xf32> to vector<100x32xf32>
    %max3A_381 = arith.constant 0.000000e+00 : f32
    %max3A_382 = vector.broadcast %max3A_381 : f32 to vector<100x32xf32>
    %max3A_383 = arith.maximumf %reduce_sum3A_380, %max3A_382 : vector<100x32xf32>
    %eq3A_384 = arith.constant 27 : i32
    %eq3A_385 = vector.broadcast %eq3A_384 : i32 to vector<100x1x100xi32>
    %eq3A_386 = arith.cmpi eq, %broadcast_in_dim3A_33, %eq3A_385 : vector<100x1x100xi32>
    %jit3A_387 = arith.constant 0.000000e+00 : f32
    %broadcast_in_dim3A_388 = vector.shape_cast %eq3A_386 : vector<100x1x100xi1> to vector<100x1x100xi1>
    %broadcast_in_dim3A_389 = vector.broadcast %broadcast_in_dim3A_388 : vector<100x1x100xi1> to vector<100x32x100xi1>
    %broadcast_in_dim3A_390 = vector.broadcast %jit3A_387 : f32 to vector<100x32x100xf32>
    %select_n3A_391 = arith.select %broadcast_in_dim3A_389, %get3A_10, %broadcast_in_dim3A_390 : vector<100x32x100xi1>, vector<100x32x100xf32>
    %reduce_sum3A_392 = arith.constant dense<0.000000e+00> : vector<100x32xf32>
    %reduce_sum3A_393 = vector.multi_reduction <add>, %select_n3A_391, %reduce_sum3A_392 [2] : vector<100x32x100xf32> to vector<100x32xf32>
    %max3A_394 = arith.constant 0.000000e+00 : f32
    %max3A_395 = vector.broadcast %max3A_394 : f32 to vector<100x32xf32>
    %max3A_396 = arith.maximumf %reduce_sum3A_393, %max3A_395 : vector<100x32xf32>
    %eq3A_397 = arith.constant 28 : i32
    %eq3A_398 = vector.broadcast %eq3A_397 : i32 to vector<100x1x100xi32>
    %eq3A_399 = arith.cmpi eq, %broadcast_in_dim3A_33, %eq3A_398 : vector<100x1x100xi32>
    %jit3A_400 = arith.constant 0.000000e+00 : f32
    %broadcast_in_dim3A_401 = vector.shape_cast %eq3A_399 : vector<100x1x100xi1> to vector<100x1x100xi1>
    %broadcast_in_dim3A_402 = vector.broadcast %broadcast_in_dim3A_401 : vector<100x1x100xi1> to vector<100x32x100xi1>
    %broadcast_in_dim3A_403 = vector.broadcast %jit3A_400 : f32 to vector<100x32x100xf32>
    %select_n3A_404 = arith.select %broadcast_in_dim3A_402, %get3A_10, %broadcast_in_dim3A_403 : vector<100x32x100xi1>, vector<100x32x100xf32>
    %reduce_sum3A_405 = arith.constant dense<0.000000e+00> : vector<100x32xf32>
    %reduce_sum3A_406 = vector.multi_reduction <add>, %select_n3A_404, %reduce_sum3A_405 [2] : vector<100x32x100xf32> to vector<100x32xf32>
    %max3A_407 = arith.constant 0.000000e+00 : f32
    %max3A_408 = vector.broadcast %max3A_407 : f32 to vector<100x32xf32>
    %max3A_409 = arith.maximumf %reduce_sum3A_406, %max3A_408 : vector<100x32xf32>
    %eq3A_410 = arith.constant 29 : i32
    %eq3A_411 = vector.broadcast %eq3A_410 : i32 to vector<100x1x100xi32>
    %eq3A_412 = arith.cmpi eq, %broadcast_in_dim3A_33, %eq3A_411 : vector<100x1x100xi32>
    %jit3A_413 = arith.constant 0.000000e+00 : f32
    %broadcast_in_dim3A_414 = vector.shape_cast %eq3A_412 : vector<100x1x100xi1> to vector<100x1x100xi1>
    %broadcast_in_dim3A_415 = vector.broadcast %broadcast_in_dim3A_414 : vector<100x1x100xi1> to vector<100x32x100xi1>
    %broadcast_in_dim3A_416 = vector.broadcast %jit3A_413 : f32 to vector<100x32x100xf32>
    %select_n3A_417 = arith.select %broadcast_in_dim3A_415, %get3A_10, %broadcast_in_dim3A_416 : vector<100x32x100xi1>, vector<100x32x100xf32>
    %reduce_sum3A_418 = arith.constant dense<0.000000e+00> : vector<100x32xf32>
    %reduce_sum3A_419 = vector.multi_reduction <add>, %select_n3A_417, %reduce_sum3A_418 [2] : vector<100x32x100xf32> to vector<100x32xf32>
    %max3A_420 = arith.constant 0.000000e+00 : f32
    %max3A_421 = vector.broadcast %max3A_420 : f32 to vector<100x32xf32>
    %max3A_422 = arith.maximumf %reduce_sum3A_419, %max3A_421 : vector<100x32xf32>
    %concatenate3A = tpu.concatenate %max3A_45, %max3A_58, %max3A_71, %max3A_84, %max3A_97, %max3A_110, %max3A_123, %max3A_136, %max3A_149, %max3A_162, %max3A_175, %max3A_188, %max3A_201, %max3A_214, %max3A_227, %max3A_240, %max3A_253, %max3A_266, %max3A_279, %max3A_292, %max3A_305, %max3A_318, %max3A_331, %max3A_344, %max3A_357, %max3A_370, %max3A_383, %max3A_396, %max3A_409, %max3A_422 in 1 : vector<100x32xf32>, vector<100x32xf32>, vector<100x32xf32>, vector<100x32xf32>, vector<100x32xf32>, vector<100x32xf32>, vector<100x32xf32>, vector<100x32xf32>, vector<100x32xf32>, vector<100x32xf32>, vector<100x32xf32>, vector<100x32xf32>, vector<100x32xf32>, vector<100x32xf32>, vector<100x32xf32>, vector<100x32xf32>, vector<100x32xf32>, vector<100x32xf32>, vector<100x32xf32>, vector<100x32xf32>, vector<100x32xf32>, vector<100x32xf32>, vector<100x32xf32>, vector<100x32xf32>, vector<100x32xf32>, vector<100x32xf32>, vector<100x32xf32>, vector<100x32xf32>, vector<100x32xf32>, vector<100x32xf32> -> vector<100x960xf32>
    %swap3A = arith.constant 0 : index
    %swap3A_423 = arith.constant 0 : index
    %swap3A_424 = vector.load %arg3[%swap3A, %swap3A_423] : memref<100x960xf32, #tpu.memory_space<vmem>>, vector<100x960xf32>
    tpu.vector_store %arg3[%swap3A, %swap3A_423], %concatenate3A {strides = array<i32>} : memref<100x960xf32, #tpu.memory_space<vmem>>, vector<100x960xf32>,
    return
  }
}

</mosaic_0001>

<sc_bundles>
// kernel: kernel.10.cloned.1.call-start
scs
__scs_entry_jumppad:
0x0: {  	(pc) =	sbr.rel $0x88, $3  }
0x1: {  	(tag) =	ssettag $0x0;
	lr =	simm.s32 $0x1  }
0x2: {  	[smem:$0x3F8E] =	sst lr;
	_ =	strace $0xD0000000  }
0x3: {  	_ = 	snop  }
0x4: {  	_ = 	snop  }
0x5: {  	_ = 	snop  }
0x6: {  	_ = 	snop  }
0x7: {  	_ = 	snop  }
__scs_overlays_trampoline_lowered:
0x8: {  	[smem:$0x3F9D] =	sst s0  }
0x9: {  	[smem:$0x3F9E] =	sst s1  }
0xa: {  	[smem:$0x3F9F] =	sst s2  }
0xb: {  	[smem:$0x3FA0] =	sst s3  }
0xc: {  	[smem:$0x3FA1] =	sst s4  }
0xd: {  	[smem:$0x3FA2] =	sst s5  }
0xe: {  	[smem:$0x3FA3] =	sst s6  }
0xf: {  	[smem:$0x3FA4] =	sst s7  }
0x10: {  	[smem:$0x3FA5] =	sst s8  }
0x11: {  	[smem:$0x3FA6] =	sst s9;
	s0 =	simm.s32 @!p0 $0x0  }
0x12: {  	s1 =	sld [smem:$0x3F8C];
	s0 =	simm.s32 @p0 $0x1  }
0x13: {  	[smem:$0x3FA7] =	sst s0;
	s0 =	simm.s32 @!p1 $0x0  }
0x14: {  	s2 =	sld [smem:$0x3F8B];
	s0 =	simm.s32 @p1 $0x1  }
0x15: {  	[smem:$0x3FA8] =	sst s0;
	s0 =	simm.s32 @!p2 $0x0  }
0x16: {  	s3 =	sld [smem:$0x3FDB];
	s0 =	simm.s32 @p2 $0x1  }
0x17: {  	s4 =	simm.s32 $0x1BF5;
	[smem:$0x3FAA] =	sst s0  }
0x18: {  	s0 =	sld [smem:$0x3F8D];
	_ =	swait.ge [sflag:s4], $0x0  }
0x19: {  	s7 =	sld [smem:$0x3F8E]  }
0x1a: {  	s8 =	sadd.s32 $0xFFFFE003, lr  }
0x1b: {  	s9 =	sadd.s32 $0xFFFFFEF7, lr;
	s5 =	simm.s32 $0xFFFFFFFF;
	p2 =	slt.u32 s8, $0xFFFFF086  }
0x1c: {  	p1 =	slt.u32 s9, $0xF7A;
	s5 =	simm.s32 @!p2 $0x0  }
0x1d: {  	s5 =	simm.s32 @p1 $0x1;
	p0 =	seq.s32 s7, s2  }
0x1e: {  	s7 =	smul.u32 @!p0 $0xF7A, s2;
	p2 =	seq.s32 @!p0 s5, $0x0  }
0x1f: {  	s9 =	smul.u32 $0xF7A, s1;
	s8 =	simm.s32 @!p0 $0x1BF5;
	p2 =	por !p2, p0  }
0x20: {  	[sflag:s8] =	ssyncset.s32 @!p0 $0xFFFFF086;
	s6 =	sadd.s32 @!p0 s3, s7;
	s7 =	simm.s32 @!p0 $0x108  }
0x21: {  	s3 =	sadd.s32 s3, s9;
	s6 =	sadd.s32 @!p0 $0x88, s6;
	s7 =	simm.s32 @p2 $0x1082  }
0x22: {  	[simem:s7], [sflag:s8] =	dma.local @!p0 [hbm:s6], $0xF7A  }
0x23: {  	s9 =	sor.u32 $0xD0000000, s2;
	s6 =	simm.s32 $0x108;
	_ =	swait.ge @!p0 [sflag:s8], $0x0  }
0x24: {  	s3 =	sadd.s32 $0x88, s3;
	s6 =	simm.s32 @!p1 $0x1082;
	[sflag:s4] =	ssyncset.s32 $0xFFFFF086  }
0x25: {  	[simem:s6], [sflag:s4] =	dma.local [hbm:s3], $0xF7A  }
0x26: {  	[smem:$0x3F8E] =	sst s1;
	(tag) =	ssettag s2;
	_ =	strace s9  }
0x27: {  	s1 =	sld [smem:$0x3F9E]  }
0x28: {  	s2 =	sld [smem:$0x3F9F]  }
0x29: {  	s4 =	sld [smem:$0x3FA1]  }
0x2a: {  	p0 =	seq.s32 s5, $0x0;
	s5 =	sld [smem:$0x3FA2]  }
0x2b: {  	s6 =	sld [smem:$0x3FA3]  }
0x2c: {  	s7 =	sld [smem:$0x3FA4]  }
0x2d: {  	s3 =	simm.s32 $0x108;
	s8 =	sld [smem:$0x3FA5]  }
0x2e: {  	s3 =	simm.s32 @!p0 $0x1082;
	s9 =	sld [smem:$0x3FA6]  }
0x2f: {  	lr =	sadd.s32 s0, s3;
	s0 =	sld [smem:$0x3F9D]  }
0x30: {  	s3 =	sld [smem:$0x3FA0]  }
0x31: {  	[smem:$0x3FA9] =	sst s10  }
0x32: {  	s10 =	sld [smem:$0x3FA7];
	_ =	sdelay $0x3  }
0x33: {  	p0 =	seq.s32 s10, $0x1;
	s10 =	sld [smem:$0x3FA9];
	_ =	sdelay $0x3  }
0x34: {  	[smem:$0x3FA9] =	sst s10  }
0x35: {  	s10 =	sld [smem:$0x3FA8];
	_ =	sdelay $0x3  }
0x36: {  	p1 =	seq.s32 s10, $0x1;
	s10 =	sld [smem:$0x3FA9];
	_ =	sdelay $0x3  }
0x37: {  	[smem:$0x3FA9] =	sst s10  }
0x38: {  	s10 =	sld [smem:$0x3FAA]  }
0x39: {  	_ = 	snop;
	(pc) =	sbr.ind lr, $3  }
0x3a: {  	_ = 	snop  }
0x3b: {  	_ = 	snop  }
0x3c: {  	p2 =	seq.s32 s10, $0x1;
	s10 =	sld [smem:$0x3FA9]  }
0x3d: {  	_ =	shalt  }
0x3e: {  	_ =	shalt  }
0x3f: {  	_ =	shalt  }
0x40: {  	_ =	shalt  }
0x41: {  	_ =	shalt  }
0x42: {  	_ =	shalt  }
0x43: {  	_ =	shalt  }
0x44: {  	_ =	shalt  }
0x45: {  	_ =	shalt  }
0x46: {  	_ =	shalt  }
0x47: {  	_ =	shalt  }
0x48: {  	_ =	shalt  }
0x49: {  	_ =	shalt  }
0x4a: {  	_ =	shalt  }
0x4b: {  	_ =	shalt  }
0x4c: {  	_ =	shalt  }
0x4d: {  	_ =	shalt  }
0x4e: {  	_ =	shalt  }
0x4f: {  	_ =	shalt  }
0x50: {  	_ =	shalt  }
0x51: {  	_ =	shalt  }
0x52: {  	_ =	shalt  }
0x53: {  	_ =	shalt  }
0x54: {  	_ =	shalt  }
0x55: {  	_ =	shalt  }
0x56: {  	_ =	shalt  }
0x57: {  	_ =	shalt  }
0x58: {  	_ =	shalt  }
0x59: {  	_ =	shalt  }
0x5a: {  	_ =	shalt  }
0x5b: {  	_ =	shalt  }
0x5c: {  	_ =	shalt  }
0x5d: {  	_ =	shalt  }
0x5e: {  	_ =	shalt  }
0x5f: {  	_ =	shalt  }
0x60: {  	_ =	shalt  }
0x61: {  	_ =	shalt  }
0x62: {  	_ =	shalt  }
0x63: {  	_ =	shalt  }
0x64: {  	_ =	shalt  }
0x65: {  	_ =	shalt  }
0x66: {  	_ =	shalt  }
0x67: {  	_ =	shalt  }
0x68: {  	_ =	shalt  }
0x69: {  	_ =	shalt  }
0x6a: {  	_ =	shalt  }
0x6b: {  	_ =	shalt  }
0x6c: {  	_ =	shalt  }
0x6d: {  	_ =	shalt  }
0x6e: {  	_ =	shalt  }
0x6f: {  	_ =	shalt  }
0x70: {  	_ =	shalt  }
0x71: {  	_ =	shalt  }
0x72: {  	_ =	shalt  }
0x73: {  	_ =	shalt  }
0x74: {  	_ =	shalt  }
0x75: {  	_ =	shalt  }
0x76: {  	_ =	shalt  }
0x77: {  	_ =	shalt  }
0x78: {  	_ =	shalt  }
0x79: {  	_ =	shalt  }
0x7a: {  	_ =	shalt  }
0x7b: {  	_ =	shalt  }
0x7c: {  	_ =	shalt  }
0x7d: {  	_ =	shalt  }
0x7e: {  	_ =	shalt  }
0x7f: {  	_ =	shalt  }
0x80: {  	_ =	shalt  }
0x81: {  	_ =	shalt  }
0x82: {  	_ =	shalt  }
0x83: {  	_ =	shalt  }
0x84: {  	_ =	shalt  }
0x85: {  	_ =	shalt  }
0x86: {  	_ =	shalt  }
0x87: {  	_ =	shalt  }
.Lfunc_end0:
.L_simem_size_0:
called_computation_lowered:
.L_overlay_start_0:
0x88: {  	s2 =	sld [smem:$0x3FD9]  }
0x89: {  	s3 =	sld [smem:$0x3FFE];
	_ =	sdelay $0x1  }
0x8a: {  	s1 =	srdreg.scid  }
0x8b: {  	s0 =	sand.u32 $0x1, s1  }
0x8c: {  	s16 =	sshll.u32 s0, $0xA;
	s2 =	sadd.s32 s3, s2  }
0x8d: {  	s2 =	sadd.s32 s2, s16  }
0x8e: {  	[smem:$0x3FB5] =	sst s2  }
0x8f: {  	_ = 	snop  }
0x90: {  	(tm) =	ssettm $0x1  }
0x91: {  	s17 =	sld [smem:$0x3FFB];
	_ =	sdelay $0x3  }
0x92: {  	_ =	strace s17  }
0x93: {  	s2 =	sld [smem:$0x3FFC];
	_ =	sdelay $0x3  }
0x94: {  	_ =	strace s2  }
0x95: {  	s2 =	sld [smem:$0x3FFD];
	_ =	sdelay $0x3  }
0x96: {  	_ =	strace s2  }
0x97: {  	_ =	strace $0x8FFFFFFF  }
0x98: {  	s18 =	sld [smem:$0x3FDB];
	_ =	sdelay $0x1  }
0x99: {  	s19 =	simm.s32 $_scs_section_size  }
0x9a: {  	s4 =	simm.s32 $_size__tile_overlayer_lowered;
	s5 =	simm.s32 $_tile_overlayer_lowered  }
0x9b: {  	s22 =	simm.s32 $0x1BFF;
	s21 =	sshll.u32 s5, $0x1;
	s2 =	sadd.s32 s19, s18  }
0x9c: {  	s6 =	simm.s32 $0x0;
	s20 =	sshll.u32 s4, $0x1;
	s4 =	sadd.s32 s21, s2  }
0x9d: {  	[timem:s6], [sflag:s22] =	dma.local [hbm:s4], s20  }
0x9e: {  	_ =	swait.ge [sflag:s22], s20  }
0x9f: {  	s3 =	ssub.s32 $0x0, s20;
	[sflag:s22] =	ssyncset.done $0x0  }
0xa0: {  	[sflag:s22] =	ssyncadd.s32 s3;
	_ =	sdelay $0x1  }
0xa1: {  	s23 =	simm.s32 $0x1B8B  }
0xa2: {  	_ =	swait.ge [sflag:s23], $0x1  }
0xa3: {  	[sflag:s23] =	ssyncset.done $0x0  }
0xa4: {  	s25 =	simm.s32 $0x1B8E;
	s24 =	sld [smem:$0x3FFE];
	[sflag:s23] =	ssyncadd.s32 $0xFFFFFFFF  }
0xa5: {  	s26 =	simm.s32 $execute0_lowered;
	[smem:$0x3FD2] =	sst s25  }
0xa6: {  	s4 =	sshll.u32 s26, $0x1;
	_ =	strace $0x80000046;
	[dreg:$0x1] =	wrdreg $0xFFFFFFFF  }
0xa7: {  	s28 =	simm.s32 $_size_execute0_lowered;
	s2 =	sadd.s32 s2, s4;
	[dreg:$0x0] =	wrdreg $0x0  }
0xa8: {  	s4 =	sshll.u32 s28, $0x1;
	[dreg:$0x2] =	wrdreg s2  }
0xa9: {  	[dreg:$0x3] =	wrdreg s4  }
0xaa: {  	[dreg:$0x4] =	wrdreg $0xC0  }
0xab: {  	_ =	task [dreg:s6], $0x5FFFF  }
0xac: {  	[dreg:$0x1] =	wrdreg $0xFFFFFFFF  }
0xad: {  	[dreg:$0x0] =	wrdreg $0x60  }
0xae: {  	[dreg:$0x2] =	wrdreg s24  }
0xaf: {  	[dreg:$0x3] =	wrdreg $0xD0000  }
0xb0: {  	[dreg:$0x4] =	wrdreg $0x9  }
0xb1: {  	_ =	task.clear_ibuf [dreg:s6], $0x5FFFF;
	_ =	strace $0x90000046  }
0xb2: {  	s29 =	simm.s32 $0x9;
	_ =	strace $0x80000048  }
0xb3: {  	_ =	swait.ge [sflag:s29], $0x1  }
0xb4: {  	[sflag:s29] =	ssyncadd.s32 $0xFFFFFFFF  }
0xb5: {  	_ =	strace $0x90000048  }
0xb6: {  	_ =	sfence  }
0xb7: {  	s30 =	sld [smem:$0x0];
	_ =	sdelay $0x2  }
0xb8: {  	s31 =	sshll.u32 s1, $0xD;
	s1 =	sshrl.u32 s1, $0x2  }
0xb9: {  	s3 =	sand.u32 $0x4000, s31;
	s1 =	sadd.s32 s1, s30  }
0xba: {  	s0 =	sor.u32 s3, s0;
	s1 =	sshll.u32 s1, $0x11  }
0xbb: {  	s0 =	sor.u32 s1, s0  }
0xbc: {  	s0 =	sadd.s32 $0x8F2B, s0  }
0xbd: {  	[sflag:s0] =	ssyncadd.remote.s32 $0x1  }
0xbe: {  	_ =	sfence.sel $0xFFFF  }
0xbf: {  	[dreg:$0x0] =	wrdreg $0xFFFFFFFF;
	(pc) =	sbr.abs _section_cstart, $3  }
0xc0: {  	[dreg:$0x1] =	wrdreg $0xFFFFFFFF  }
0xc1: {  	_ =	task.clear_ibuf [dreg:s6], $0x2FFFF;
	_ =	strace $0x9FFFFFFF  }
0xc2: {  	(tm) =	ssettm $0x7FFFFFFF  }
0xc3: {  	_ =	shalt  }
tec
execute0_lowered:
.L_overlay_start_1:
0x0: {  	(tag) =	ssettag $0x1  }
0x1: {  	s0 =	srdreg.scid;
	s3 =	rddreg [dreg:$0x0]  }
0x2: {  	s9 =	stileid.u32;
	s2 =	rddreg [dreg:$0x1];
	s4 =	simm.s32 $0x0  }
0x3: {  	s15 =	simm.s32 $0x80;
	s16 =	simm.s32 $0x5000;
	s17 =	simm.s32 $0x6000  }
0x4: {  	s19 =	simm.s32 $0x7000;
	s21 =	simm.s32 $0x8000;
	s28 =	simm.s32 $0xA000  }
0x5: {  	s29 =	simm.s32 $0x3;
	s30 =	simm.s32 $0xB000;
	s31 =	simm.s32 $0x4  }
0x6: {  	s13 =	simm.s32 $0x9;
	s18 =	simm.s32 $0x7;
	s20 =	simm.s32 $0xB  }
0x7: {  	s11 =	simm.s32 $0x14;
	s0 =	sand.u32 $0x1, s0;
	s5 =	smul.u32 $0x5000, s9  }
0x8: {  	[smem:$0x7FF] =	sst s4;
	s4 =	sadd.s32 $0x3800, s3;
	s24 =	sshll.u32 s9, $0x6  }
0x9: {  	s1 =	sshll.u32 s0, $0x4;
	s6 =	smul.u32 $0x50000, s0;
	_ =	strace $0x80000047  }
0xa: {  	s0 =	ssub.s32 $0x2, s0;
	[dreg:$0x3] =	wrdreg s24;
	s1 =	sor.u32 s9, s1  }
0xb: {  	s7 =	sshrl.u32 s5, $0x3;
	s8 =	sshrl.u32 s0, $0x1;
	s1 =	smul.u32 $0x500, s1  }
0xc: {  	s6 =	sadd.s32 s5, s6;
	s7 =	sadd.s32 s7, s3;
	s0 =	ssub.s32 s0, s8  }
0xd: {  	s5 =	sadd.s32 s5, s2;
	s6 =	sshrl.u32 s6, $0x3;
	s7 =	sadd.s32 $0x21600, s7  }
0xe: {  	s0 =	smax.u32 s0, $0x1;
	s12 =	sshrl.u32 s5, $0x3;
	s5 =	simm.s32 $0x10  }
0xf: {  	s1 =	sadd.s32 s1, s3;
	s3 =	sadd.s32 s6, s3;
	[dreg:$0x4] =	wrdreg s7  }
0x10: {  	s6 =	sor.u32 $0x1C13, s24;
	[dreg:$0x9] =	wrdreg s0;
	s24 =	simm.s32 $0x1  }
.Ltmp0:
0x11: {  	[dreg:$0x5] =	wrdreg s6;
	s25 =	sadd.s32 $0x17600, s1;
	(pc) =	sbr.rel .LBB2_1-.Ltmp0, $4  }
0x12: {  	s0 =	simm.s32 $0x5;
	s1 =	sadd.s32 $0xD600, s1;
	[dreg:$0x6] =	wrdreg s25  }
0x13: {  	s7 =	simm.s32 $0xC;
	s26 =	sadd.s32 $0x2B600, s3;
	[dreg:$0x7] =	wrdreg s1  }
0x14: {  	s6 =	simm.s32 $0x8;
	s3 =	simm.s32 $0x0;
	[dreg:$0x8] =	wrdreg s26  }
0x15: {  	s25 =	simm.s32 $0x9000;
	s26 =	simm.s32 $0x2;
	s1 =	simm.s32 $0xC000  }
.LBB2_4:
0x16: {  	_ =	swait.ge [sflag:s6], $0x1000  }
0x17: {  	[sflag:s6] =	ssyncset.done $0x0  }
0x18: {  	[sflag:s6] =	ssyncadd.s32 $0xFFFFF000  }
0x19: {  	[spmem:s2] =	stream.indirect.scatter.add.f32 [tilespmem:s1], [sflag:$0x10], $0x20, s23, s15, $0xb8;
	[tilespmem:$0x12000] =	vst v63  }
0x1a: {  	_ =	swait.ge [sflag:s7], $0x1000  }
0x1b: {  	[sflag:s7] =	ssyncset.done $0x0  }
0x1c: {  	s8 =	simm.s32 $0xD;
	[sflag:s7] =	ssyncadd.s32 $0xFFFFF000  }
0x1d: {  	_ =	swait.ge [sflag:s8], $0x1000  }
0x1e: {  	[sflag:s8] =	ssyncset.done $0x0  }
0x1f: {  	s10 =	simm.s32 $0xE;
	[sflag:s8] =	ssyncadd.s32 $0xFFFFF000  }
0x20: {  	_ =	swait.ge [sflag:s10], $0x1000  }
0x21: {  	[sflag:s10] =	ssyncset.done $0x0  }
0x22: {  	s14 =	simm.s32 $0xF;
	[sflag:s10] =	ssyncadd.s32 $0xFFFFF000  }
0x23: {  	_ =	swait.ge [sflag:s14], $0x1000  }
0x24: {  	[sflag:s14] =	ssyncset.done $0x0  }
0x25: {  	[sflag:s14] =	ssyncadd.s32 $0xFFFFF000  }
0x26: {  	_ =	swait.ge [sflag:s5], $0x1000  }
0x27: {  	[sflag:s5] =	ssyncset.done $0x0  }
0x28: {  	[sflag:s5] =	ssyncadd.s32 $0xFFFFF000  }
0x29: {  	[bflag:$0x0] =	sbarrier.arrive $0xFFFF  }
0x2a: {  	s22 =	rddreg [dreg:$0x3]  }
0x2b: {  	s9 =	rddreg [dreg:$0x8];
	s8 =	sor.u32 $0x1C14, s22  }
0x2c: {  	[hbm:s9], [sflag:s8] =	dma.local [spmem:s12], $0xA00  }
0x2d: {  	_ =	swait.ge [sflag:s11], $0xA00  }
0x2e: {  	s3 =	sadd.s32 $0x1, s3;
	s23 =	rddreg [dreg:$0x9]  }
0x2f: {  	p0 =	sne.s32 s3, s23  }
.Ltmp1:
0x30: {  	_ = 	snop;
	(pc) =	sbr.rel @!p0 .LBB2_5-.Ltmp1, $3  }
0x31: {  	_ =	sdelay $0x1  }
0x32: {  	[sflag:s11] =	ssyncset.done $0x0  }
0x33: {  	[sflag:s11] =	ssyncadd.s32 $0xFFFFF600  }
.LBB2_1:
0x34: {  	s8 =	rddreg [dreg:$0x4]  }
0x35: {  	s9 =	rddreg [dreg:$0x5]  }
0x36: {  	[spmem:s12], [sflag:s9] =	dma.local [hbm:s8], $0xA00  }
0x37: {  	s14 =	simm.s32 $0x0;
	s9 =	rddreg [dreg:$0x6]  }
0x38: {  	[tilespmem:s14], [sflag:$0x11] =	stream.linear.gather [hbm4b:s9+s14], $0x2800, $0x38;
	[tilespmem:$0x12000] =	vst v63  }
0x39: {  	s10 =	simm.s32 $0x2800;
	s23 =	simm.s32 $0x11;
	s22 =	rddreg [dreg:$0x7]  }
0x3a: {  	[tilespmem:s10], [sflag:$0x12] =	stream.linear.gather [hbm4b:s22+s14], $0x2800, $0x38;
	[tilespmem:$0x12000] =	vst v63  }
0x3b: {  	_ =	swait.ge [sflag:s23], $0x2800  }
0x3c: {  	[sflag:s23] =	ssyncset.done $0x0  }
0x3d: {  	[sflag:s23] =	ssyncadd.s32 $0xFFFFD800  }
0x3e: {  	[tilespmem:s16], [sflag:$0x1] =	stream.indirect.gather [hbm4b:s4+s15], $0x20, s14, s15, $0xb8;
	[tilespmem:$0x12000] =	vst v63  }
0x3f: {  	_ = 	snop  }
0x40: {  	[tilespmem:s17], [sflag:$0x2] =	stream.indirect.gather [hbm4b:s4+s15], $0x20, s15, s15, $0xb8;
	[tilespmem:$0x12000] =	vst v63  }
0x41: {  	s10 =	simm.s32 $0x100  }
0x42: {  	[tilespmem:s19], [sflag:$0x3] =	stream.indirect.gather [hbm4b:s4+s15], $0x20, s10, s15, $0xb8;
	[tilespmem:$0x12000] =	vst v63  }
0x43: {  	s22 =	simm.s32 $0x12;
	s14 =	simm.s32 $0x180  }
0x44: {  	[tilespmem:s21], [sflag:$0x4] =	stream.indirect.gather [hbm4b:s4+s15], $0x20, s14, s15, $0xb8;
	[tilespmem:$0x12000] =	vst v63  }
0x45: {  	_ =	swait.ge [sflag:s22], $0x2800  }
0x46: {  	[sflag:s22] =	ssyncset.done $0x0  }
0x47: {  	s23 =	simm.s32 $0x13;
	[sflag:s22] =	ssyncadd.s32 $0xFFFFD800  }
0x48: {  	_ =	swait.ge [sflag:s23], $0xA00  }
0x49: {  	[sflag:s23] =	ssyncset.done $0x0  }
0x4a: {  	[sflag:s23] =	ssyncadd.s32 $0xFFFFF600  }
0x4b: {  	s14 =	simm.s32 $0x0;
	[bflag:$0x0] =	sbarrier.arrive $0xFFFF  }
.LBB2_2:
0x4c: {  	_ =	swait.ge [sflag:s24], $0x1000  }
0x4d: {  	s22 =	sshra.s32 s14, $0x2;
	[sflag:s24] =	ssyncset.done $0x0  }
0x4e: {  	p0 =	seq.s32 s14, $0x0;
	s23 =	sadd.s32 $0x2800, s22;
	[sflag:s24] =	ssyncadd.s32 $0xFFFFF000  }
0x4f: {  	[spmem:s2] =	stream.indirect.scatter.add.f32 [tilespmem:s16], [sflag:$0x9], $0x20, s23, s15, $0xb8;
	[tilespmem:$0x12000] =	vst v63  }
0x50: {  	s23 =	simm.s32 @!p0 $0xD  }
0x51: {  	_ =	swait.ge @!p0 [sflag:s23], $0x1000  }
0x52: {  	[sflag:s23] =	ssyncset.done @!p0 $0x0  }
0x53: {  	s9 =	sadd.s32 $0x200, s22;
	[sflag:s23] =	ssyncadd.s32 @!p0 $0xFFFFF000  }
0x54: {  	[tilespmem:s25], [sflag:$0x5] =	stream.indirect.gather [hbm4b:s4+s15], $0x20, s9, s15, $0xb8;
	[tilespmem:$0x12000] =	vst v63  }
0x55: {  	_ =	swait.ge [sflag:s26], $0x1000  }
0x56: {  	[sflag:s26] =	ssyncset.done $0x0  }
0x57: {  	s10 =	sadd.s32 $0x2880, s22;
	s23 =	simm.s32 @!p0 $0xE;
	[sflag:s26] =	ssyncadd.s32 $0xFFFFF000  }
0x58: {  	[spmem:s2] =	stream.indirect.scatter.add.f32 [tilespmem:s17], [sflag:$0xA], $0x20, s10, s15, $0xb8;
	[tilespmem:$0x12000] =	vst v63  }
0x59: {  	_ =	swait.ge @!p0 [sflag:s23], $0x1000  }
0x5a: {  	[sflag:s23] =	ssyncset.done @!p0 $0x0  }
0x5b: {  	s8 =	sadd.s32 $0x280, s22;
	[sflag:s23] =	ssyncadd.s32 @!p0 $0xFFFFF000  }
0x5c: {  	[tilespmem:s28], [sflag:$0x6] =	stream.indirect.gather [hbm4b:s4+s15], $0x20, s8, s15, $0xb8;
	[tilespmem:$0x12000] =	vst v63  }
0x5d: {  	_ =	swait.ge [sflag:s29], $0x1000  }
0x5e: {  	[sflag:s29] =	ssyncset.done $0x0  }
0x5f: {  	s9 =	sadd.s32 $0x2900, s22;
	s23 =	simm.s32 @!p0 $0xF;
	[sflag:s29] =	ssyncadd.s32 $0xFFFFF000  }
0x60: {  	[spmem:s2] =	stream.indirect.scatter.add.f32 [tilespmem:s19], [sflag:$0xB], $0x20, s9, s15, $0xb8;
	[tilespmem:$0x12000] =	vst v63  }
0x61: {  	_ =	swait.ge @!p0 [sflag:s23], $0x1000  }
0x62: {  	[sflag:s23] =	ssyncset.done @!p0 $0x0  }
0x63: {  	s10 =	sadd.s32 $0x300, s22;
	[sflag:s23] =	ssyncadd.s32 @!p0 $0xFFFFF000  }
0x64: {  	[tilespmem:s30], [sflag:$0x7] =	stream.indirect.gather [hbm4b:s4+s15], $0x20, s10, s15, $0xb8;
	[tilespmem:$0x12000] =	vst v63  }
0x65: {  	_ =	swait.ge [sflag:s31], $0x1000  }
0x66: {  	[sflag:s31] =	ssyncset.done $0x0  }
0x67: {  	s8 =	sadd.s32 $0x2980, s22;
	s23 =	simm.s32 @!p0 $0x10;
	[sflag:s31] =	ssyncadd.s32 $0xFFFFF000  }
0x68: {  	[spmem:s2] =	stream.indirect.scatter.add.f32 [tilespmem:s21], [sflag:$0xC], $0x20, s8, s15, $0xb8;
	[tilespmem:$0x12000] =	vst v63  }
0x69: {  	_ =	swait.ge @!p0 [sflag:s23], $0x1000  }
0x6a: {  	[sflag:s23] =	ssyncset.done @!p0 $0x0  }
0x6b: {  	s9 =	sadd.s32 $0x380, s22;
	[sflag:s23] =	ssyncadd.s32 @!p0 $0xFFFFF000  }
0x6c: {  	[tilespmem:s1], [sflag:$0x8] =	stream.indirect.gather [hbm4b:s4+s15], $0x20, s9, s15, $0xb8;
	[tilespmem:$0x12000] =	vst v63  }
0x6d: {  	_ =	swait.ge [sflag:s0], $0x1000  }
0x6e: {  	[sflag:s0] =	ssyncset.done $0x0  }
0x6f: {  	s10 =	sadd.s32 $0x2A00, s22;
	[sflag:s0] =	ssyncadd.s32 $0xFFFFF000  }
0x70: {  	[spmem:s2] =	stream.indirect.scatter.add.f32 [tilespmem:s25], [sflag:$0xD], $0x20, s10, s15, $0xb8;
	[tilespmem:$0x12000] =	vst v63  }
0x71: {  	_ =	swait.ge [sflag:s13], $0x1000  }
0x72: {  	p0 =	seq.s32 s14, $0x9000;
	[sflag:s13] =	ssyncset.done $0x0  }
0x73: {  	s23 =	simm.s32 @p0 $0x6;
	[sflag:s13] =	ssyncadd.s32 $0xFFFFF000  }
0x74: {  	_ =	swait.ge @p0 [sflag:s23], $0x1000  }
0x75: {  	[sflag:s23] =	ssyncset.done @p0 $0x0  }
0x76: {  	[sflag:s23] =	ssyncadd.s32 @p0 $0xFFFFF000;
	s23 =	sshra.s32 @p0 s14, $0x2  }
0x77: {  	s8 =	simm.s32 @p0 $0x80;
	s9 =	simm.s32 @p0 $0xA000;
	s23 =	sadd.s32 @p0 $0x2A80, s23  }
0x78: {  	[spmem:s2] =	stream.indirect.scatter.add.f32 @p0 [tilespmem:s9], [sflag:$0xE], $0x20, s23, s8, $0xb8;
	[tilespmem:$0x12000] =	vst v63  }
0x79: {  	s8 =	simm.s32 @p0 $0xA  }
0x7a: {  	_ =	swait.ge @p0 [sflag:s8], $0x1000  }
0x7b: {  	[sflag:s8] =	ssyncset.done @p0 $0x0  }
0x7c: {  	[sflag:s8] =	ssyncadd.s32 @p0 $0xFFFFF000;
	s8 =	sshra.s32 @!p0 s14, $0x2  }
0x7d: {  	s10 =	simm.s32 @!p0 $0x5000;
	s23 =	simm.s32 @!p0 $0x80;
	s9 =	sadd.s32 @!p0 $0x400, s8  }
0x7e: {  	[tilespmem:s10], [sflag:$0x1] =	stream.indirect.gather @!p0 [hbm4b:s4+s23], $0x20, s9, s23, $0xb8;
	[tilespmem:$0x12000] =	vst v63  }
0x7f: {  	s9 =	simm.s32 @!p0 $0x6  }
0x80: {  	_ =	swait.ge @!p0 [sflag:s9], $0x1000  }
0x81: {  	[sflag:s9] =	ssyncset.done @!p0 $0x0  }
0x82: {  	s10 =	simm.s32 @!p0 $0xA000;
	[sflag:s9] =	ssyncadd.s32 @!p0 $0xFFFFF000;
	s9 =	sadd.s32 @!p0 $0x2A80, s8  }
0x83: {  	[spmem:s2] =	stream.indirect.scatter.add.f32 @!p0 [tilespmem:s10], [sflag:$0xE], $0x20, s9, s23, $0xb8;
	[tilespmem:$0x12000] =	vst v63  }
0x84: {  	s9 =	simm.s32 @!p0 $0xA  }
0x85: {  	_ =	swait.ge @!p0 [sflag:s9], $0x1000  }
0x86: {  	[sflag:s9] =	ssyncset.done @!p0 $0x0  }
0x87: {  	s8 =	sadd.s32 @!p0 $0x480, s8;
	[sflag:s9] =	ssyncadd.s32 @!p0 $0xFFFFF000;
	s9 =	simm.s32 @!p0 $0x6000  }
0x88: {  	[tilespmem:s9], [sflag:$0x2] =	stream.indirect.gather @!p0 [hbm4b:s4+s23], $0x20, s8, s23, $0xb8;
	[tilespmem:$0x12000] =	vst v63  }
0x89: {  	_ =	swait.ge [sflag:s18], $0x1000  }
0x8a: {  	[sflag:s18] =	ssyncset.done $0x0  }
.Ltmp2:
0x8b: {  	s23 =	sadd.s32 $0x2B00, s22;
	[sflag:s18] =	ssyncadd.s32 $0xFFFFF000;
	(pc) =	sbr.rel @p0 .LBB2_4-.Ltmp2, $4  }
0x8c: {  	[spmem:s2] =	stream.indirect.scatter.add.f32 [tilespmem:s30], [sflag:$0xF], $0x20, s23, s15, $0xb8;
	[tilespmem:$0x12000] =	vst v63  }
0x8d: {  	_ =	swait.ge [sflag:s20], $0x1000  }
0x8e: {  	[sflag:s20] =	ssyncset.done $0x0  }
0x8f: {  	s23 =	sadd.s32 $0x2B80, s22;
	[sflag:s20] =	ssyncadd.s32 $0xFFFFF000  }
0x90: {  	s8 =	sadd.s32 $0x500, s22  }
0x91: {  	[tilespmem:s19], [sflag:$0x3] =	stream.indirect.gather [hbm4b:s4+s15], $0x20, s8, s15, $0xb8;
	[tilespmem:$0x12000] =	vst v63  }
0x92: {  	_ =	swait.ge [sflag:s6], $0x1000  }
0x93: {  	[sflag:s6] =	ssyncset.done $0x0  }
0x94: {  	[sflag:s6] =	ssyncadd.s32 $0xFFFFF000  }
0x95: {  	[spmem:s2] =	stream.indirect.scatter.add.f32 [tilespmem:s1], [sflag:$0x10], $0x20, s23, s15, $0xb8;
	[tilespmem:$0x12000] =	vst v63  }
.Ltmp3:
0x96: {  	_ = 	snop;
	(pc) =	sbr.rel .LBB2_2-.Ltmp3, $4  }
0x97: {  	_ =	swait.ge [sflag:s7], $0x1000  }
0x98: {  	[sflag:s7] =	ssyncset.done $0x0  }
0x99: {  	s14 =	sadd.s32 $0x1000, s14;
	s23 =	sadd.s32 $0x580, s22;
	[sflag:s7] =	ssyncadd.s32 $0xFFFFF000  }
0x9a: {  	[tilespmem:s21], [sflag:$0x4] =	stream.indirect.gather [hbm4b:s4+s15], $0x20, s23, s15, $0xb8;
	[tilespmem:$0x12000] =	vst v63  }
.LBB2_5:
0x9b: {  	_ =	sfence.sel $0x180000  }
0x9c: {  	[bflag:$0x0] =	sbarrier.arrive $0xFFFF  }
0x9d: {  	_ =	strace $0x90000047  }
0x9e: {  	s0 =	stileid.u32;
	[bflag:$0x2] =	sbarrier.arrive $0xFFFF  }
0x9f: {  	p0 =	sne.s32 s0, $0x0;
	s0 =	rddreg [dreg:$0x2]  }
0xa0: {  	s0 =	sadd.s32 @!p0 $0x100000, s0  }
0xa1: {  	[sflag:s0] =	ssyncadd.tile.s32 @!p0 $0x1;
	_ =	shalt  }
.Lfunc_end2:
_tile_overlayer_lowered:
.L_overlay_start_2:
0xa2: {  	(tag) =	ssettag $0x2  }
0xa3: {  	s0 =	rddreg [dreg:$0x0];
	s2 =	stileid.u32  }
0xa4: {  	s1 =	rddreg [dreg:$0x1];
	p0 =	sne.s32 s2, $0x0  }
0xa5: {  	s3 =	rddreg [dreg:$0x2];
	[bflag:$0x3] =	sbarrier.arrive $0xFFFF;
	s2 =	simm.s32 @!p0 $0x1C14  }
0xa6: {  	[timem:s3], [sflag:s2] =	dma.local @!p0 [hbm:s0], s1  }
0xa7: {  	s0 =	simm.s32 @!p0 $0x14  }
0xa8: {  	_ =	swait.ge @!p0 [sflag:s0], s1  }
0xa9: {  	s1 =	ssub.s32 @!p0 $0x0, s1;
	[sflag:s0] =	ssyncset.done @!p0 $0x0  }
0xaa: {  	[sflag:s0] =	ssyncadd.s32 @!p0 s1  }
0xab: {  	[bflag:$0x3] =	sbarrier.arrive $0xFFFF  }
0xac: {  	_ =	shalt  }

// kernel: kernel.13.cloned.1.call-start
scs
__scs_entry_jumppad:
0x0: {  	(pc) =	sbr.rel $0x88, $3  }
0x1: {  	(tag) =	ssettag $0x0;
	lr =	simm.s32 $0x1  }
0x2: {  	[smem:$0x3F8E] =	sst lr;
	_ =	strace $0xD0000000  }
0x3: {  	_ = 	snop  }
0x4: {  	_ = 	snop  }
0x5: {  	_ = 	snop  }
0x6: {  	_ = 	snop  }
0x7: {  	_ = 	snop  }
__scs_overlays_trampoline_lowered:
0x8: {  	[smem:$0x3F9D] =	sst s0  }
0x9: {  	[smem:$0x3F9E] =	sst s1  }
0xa: {  	[smem:$0x3F9F] =	sst s2  }
0xb: {  	[smem:$0x3FA0] =	sst s3  }
0xc: {  	[smem:$0x3FA1] =	sst s4  }
0xd: {  	[smem:$0x3FA2] =	sst s5  }
0xe: {  	[smem:$0x3FA3] =	sst s6  }
0xf: {  	[smem:$0x3FA4] =	sst s7  }
0x10: {  	[smem:$0x3FA5] =	sst s8  }
0x11: {  	[smem:$0x3FA6] =	sst s9;
	s0 =	simm.s32 @!p0 $0x0  }
0x12: {  	s1 =	sld [smem:$0x3F8C];
	s0 =	simm.s32 @p0 $0x1  }
0x13: {  	[smem:$0x3FA7] =	sst s0;
	s0 =	simm.s32 @!p1 $0x0  }
0x14: {  	s2 =	sld [smem:$0x3F8B];
	s0 =	simm.s32 @p1 $0x1  }
0x15: {  	[smem:$0x3FA8] =	sst s0;
	s0 =	simm.s32 @!p2 $0x0  }
0x16: {  	s3 =	sld [smem:$0x3FDB];
	s0 =	simm.s32 @p2 $0x1  }
0x17: {  	s4 =	simm.s32 $0x1BF5;
	[smem:$0x3FAA] =	sst s0  }
0x18: {  	s0 =	sld [smem:$0x3F8D];
	_ =	swait.ge [sflag:s4], $0x0  }
0x19: {  	s7 =	sld [smem:$0x3F8E]  }
0x1a: {  	s8 =	sadd.s32 $0xFFFFE003, lr  }
0x1b: {  	s9 =	sadd.s32 $0xFFFFFEF7, lr;
	s5 =	simm.s32 $0xFFFFFFFF;
	p2 =	slt.u32 s8, $0xFFFFF086  }
0x1c: {  	p1 =	slt.u32 s9, $0xF7A;
	s5 =	simm.s32 @!p2 $0x0  }
0x1d: {  	s5 =	simm.s32 @p1 $0x1;
	p0 =	seq.s32 s7, s2  }
0x1e: {  	s7 =	smul.u32 @!p0 $0xF7A, s2;
	p2 =	seq.s32 @!p0 s5, $0x0  }
0x1f: {  	s9 =	smul.u32 $0xF7A, s1;
	s8 =	simm.s32 @!p0 $0x1BF5;
	p2 =	por !p2, p0  }
0x20: {  	[sflag:s8] =	ssyncset.s32 @!p0 $0xFFFFF086;
	s6 =	sadd.s32 @!p0 s3, s7;
	s7 =	simm.s32 @!p0 $0x108  }
0x21: {  	s3 =	sadd.s32 s3, s9;
	s6 =	sadd.s32 @!p0 $0x88, s6;
	s7 =	simm.s32 @p2 $0x1082  }
0x22: {  	[simem:s7], [sflag:s8] =	dma.local @!p0 [hbm:s6], $0xF7A  }
0x23: {  	s9 =	sor.u32 $0xD0000000, s2;
	s6 =	simm.s32 $0x108;
	_ =	swait.ge @!p0 [sflag:s8], $0x0  }
0x24: {  	s3 =	sadd.s32 $0x88, s3;
	s6 =	simm.s32 @!p1 $0x1082;
	[sflag:s4] =	ssyncset.s32 $0xFFFFF086  }
0x25: {  	[simem:s6], [sflag:s4] =	dma.local [hbm:s3], $0xF7A  }
0x26: {  	[smem:$0x3F8E] =	sst s1;
	(tag) =	ssettag s2;
	_ =	strace s9  }
0x27: {  	s1 =	sld [smem:$0x3F9E]  }
0x28: {  	s2 =	sld [smem:$0x3F9F]  }
0x29: {  	s4 =	sld [smem:$0x3FA1]  }
0x2a: {  	p0 =	seq.s32 s5, $0x0;
	s5 =	sld [smem:$0x3FA2]  }
0x2b: {  	s6 =	sld [smem:$0x3FA3]  }
0x2c: {  	s7 =	sld [smem:$0x3FA4]  }
0x2d: {  	s3 =	simm.s32 $0x108;
	s8 =	sld [smem:$0x3FA5]  }
0x2e: {  	s3 =	simm.s32 @!p0 $0x1082;
	s9 =	sld [smem:$0x3FA6]  }
0x2f: {  	lr =	sadd.s32 s0, s3;
	s0 =	sld [smem:$0x3F9D]  }
0x30: {  	s3 =	sld [smem:$0x3FA0]  }
0x31: {  	[smem:$0x3FA9] =	sst s10  }
0x32: {  	s10 =	sld [smem:$0x3FA7];
	_ =	sdelay $0x3  }
0x33: {  	p0 =	seq.s32 s10, $0x1;
	s10 =	sld [smem:$0x3FA9];
	_ =	sdelay $0x3  }
0x34: {  	[smem:$0x3FA9] =	sst s10  }
0x35: {  	s10 =	sld [smem:$0x3FA8];
	_ =	sdelay $0x3  }
0x36: {  	p1 =	seq.s32 s10, $0x1;
	s10 =	sld [smem:$0x3FA9];
	_ =	sdelay $0x3  }
0x37: {  	[smem:$0x3FA9] =	sst s10  }
0x38: {  	s10 =	sld [smem:$0x3FAA]  }
0x39: {  	_ = 	snop;
	(pc) =	sbr.ind lr, $3  }
0x3a: {  	_ = 	snop  }
0x3b: {  	_ = 	snop  }
0x3c: {  	p2 =	seq.s32 s10, $0x1;
	s10 =	sld [smem:$0x3FA9]  }
0x3d: {  	_ =	shalt  }
0x3e: {  	_ =	shalt  }
0x3f: {  	_ =	shalt  }
0x40: {  	_ =	shalt  }
0x41: {  	_ =	shalt  }
0x42: {  	_ =	shalt  }
0x43: {  	_ =	shalt  }
0x44: {  	_ =	shalt  }
0x45: {  	_ =	shalt  }
0x46: {  	_ =	shalt  }
0x47: {  	_ =	shalt  }
0x48: {  	_ =	shalt  }
0x49: {  	_ =	shalt  }
0x4a: {  	_ =	shalt  }
0x4b: {  	_ =	shalt  }
0x4c: {  	_ =	shalt  }
0x4d: {  	_ =	shalt  }
0x4e: {  	_ =	shalt  }
0x4f: {  	_ =	shalt  }
0x50: {  	_ =	shalt  }
0x51: {  	_ =	shalt  }
0x52: {  	_ =	shalt  }
0x53: {  	_ =	shalt  }
0x54: {  	_ =	shalt  }
0x55: {  	_ =	shalt  }
0x56: {  	_ =	shalt  }
0x57: {  	_ =	shalt  }
0x58: {  	_ =	shalt  }
0x59: {  	_ =	shalt  }
0x5a: {  	_ =	shalt  }
0x5b: {  	_ =	shalt  }
0x5c: {  	_ =	shalt  }
0x5d: {  	_ =	shalt  }
0x5e: {  	_ =	shalt  }
0x5f: {  	_ =	shalt  }
0x60: {  	_ =	shalt  }
0x61: {  	_ =	shalt  }
0x62: {  	_ =	shalt  }
0x63: {  	_ =	shalt  }
0x64: {  	_ =	shalt  }
0x65: {  	_ =	shalt  }
0x66: {  	_ =	shalt  }
0x67: {  	_ =	shalt  }
0x68: {  	_ =	shalt  }
0x69: {  	_ =	shalt  }
0x6a: {  	_ =	shalt  }
0x6b: {  	_ =	shalt  }
0x6c: {  	_ =	shalt  }
0x6d: {  	_ =	shalt  }
0x6e: {  	_ =	shalt  }
0x6f: {  	_ =	shalt  }
0x70: {  	_ =	shalt  }
0x71: {  	_ =	shalt  }
0x72: {  	_ =	shalt  }
0x73: {  	_ =	shalt  }
0x74: {  	_ =	shalt  }
0x75: {  	_ =	shalt  }
0x76: {  	_ =	shalt  }
0x77: {  	_ =	shalt  }
0x78: {  	_ =	shalt  }
0x79: {  	_ =	shalt  }
0x7a: {  	_ =	shalt  }
0x7b: {  	_ =	shalt  }
0x7c: {  	_ =	shalt  }
0x7d: {  	_ =	shalt  }
0x7e: {  	_ =	shalt  }
0x7f: {  	_ =	shalt  }
0x80: {  	_ =	shalt  }
0x81: {  	_ =	shalt  }
0x82: {  	_ =	shalt  }
0x83: {  	_ =	shalt  }
0x84: {  	_ =	shalt  }
0x85: {  	_ =	shalt  }
0x86: {  	_ =	shalt  }
0x87: {  	_ =	shalt  }
.Lfunc_end0:
.L_simem_size_0:
called_computation.1_lowered:
.L_overlay_start_0:
0x88: {  	s2 =	sld [smem:$0x3FD9]  }
0x89: {  	s3 =	sld [smem:$0x3FFE];
	_ =	sdelay $0x1  }
0x8a: {  	s1 =	srdreg.scid  }
0x8b: {  	s0 =	sand.u32 $0x1, s1  }
0x8c: {  	s16 =	sshll.u32 s0, $0xA;
	s2 =	sadd.s32 s3, s2  }
0x8d: {  	s2 =	sadd.s32 s2, s16  }
0x8e: {  	[smem:$0x3FB5] =	sst s2  }
0x8f: {  	_ = 	snop  }
0x90: {  	(tm) =	ssettm $0x1  }
0x91: {  	s17 =	sld [smem:$0x3FFB];
	_ =	sdelay $0x3  }
0x92: {  	_ =	strace s17  }
0x93: {  	s2 =	sld [smem:$0x3FFC];
	_ =	sdelay $0x3  }
0x94: {  	_ =	strace s2  }
0x95: {  	s2 =	sld [smem:$0x3FFD];
	_ =	sdelay $0x3  }
0x96: {  	_ =	strace s2  }
0x97: {  	_ =	strace $0x8FFFFFFF  }
0x98: {  	s18 =	sld [smem:$0x3FDB];
	_ =	sdelay $0x1  }
0x99: {  	s19 =	simm.s32 $_scs_section_size  }
0x9a: {  	s4 =	simm.s32 $_size__tile_overlayer_lowered;
	s5 =	simm.s32 $_tile_overlayer_lowered  }
0x9b: {  	s22 =	simm.s32 $0x1BFF;
	s21 =	sshll.u32 s5, $0x1;
	s2 =	sadd.s32 s19, s18  }
0x9c: {  	s6 =	simm.s32 $0x0;
	s20 =	sshll.u32 s4, $0x1;
	s4 =	sadd.s32 s21, s2  }
0x9d: {  	[timem:s6], [sflag:s22] =	dma.local [hbm:s4], s20  }
0x9e: {  	_ =	swait.ge [sflag:s22], s20  }
0x9f: {  	s3 =	ssub.s32 $0x0, s20;
	[sflag:s22] =	ssyncset.done $0x0  }
0xa0: {  	[sflag:s22] =	ssyncadd.s32 s3;
	_ =	sdelay $0x1  }
0xa1: {  	s23 =	simm.s32 $0x1B8B  }
0xa2: {  	_ =	swait.ge [sflag:s23], $0x1  }
0xa3: {  	[sflag:s23] =	ssyncset.done $0x0  }
0xa4: {  	s25 =	simm.s32 $0x1B8E;
	s24 =	sld [smem:$0x3FFE];
	[sflag:s23] =	ssyncadd.s32 $0xFFFFFFFF  }
0xa5: {  	s26 =	simm.s32 $execute0_lowered;
	[smem:$0x3FD2] =	sst s25  }
0xa6: {  	s4 =	sshll.u32 s26, $0x1;
	_ =	strace $0x80000049;
	[dreg:$0x1] =	wrdreg $0xFFFFFFFF  }
0xa7: {  	s28 =	simm.s32 $_size_execute0_lowered;
	s2 =	sadd.s32 s2, s4;
	[dreg:$0x0] =	wrdreg $0x0  }
0xa8: {  	s4 =	sshll.u32 s28, $0x1;
	[dreg:$0x2] =	wrdreg s2  }
0xa9: {  	[dreg:$0x3] =	wrdreg s4  }
0xaa: {  	[dreg:$0x4] =	wrdreg $0xC0  }
0xab: {  	_ =	task [dreg:s6], $0x5FFFF  }
0xac: {  	[dreg:$0x1] =	wrdreg $0xFFFFFFFF  }
0xad: {  	[dreg:$0x0] =	wrdreg $0x60  }
0xae: {  	[dreg:$0x2] =	wrdreg s24  }
0xaf: {  	[dreg:$0x3] =	wrdreg $0xD0000  }
0xb0: {  	[dreg:$0x4] =	wrdreg $0x9  }
0xb1: {  	_ =	task.clear_ibuf [dreg:s6], $0x5FFFF;
	_ =	strace $0x90000049  }
0xb2: {  	s29 =	simm.s32 $0x9;
	_ =	strace $0x8000004B  }
0xb3: {  	_ =	swait.ge [sflag:s29], $0x1  }
0xb4: {  	[sflag:s29] =	ssyncadd.s32 $0xFFFFFFFF  }
0xb5: {  	_ =	strace $0x9000004B  }
0xb6: {  	_ =	sfence  }
0xb7: {  	s30 =	sld [smem:$0x0];
	_ =	sdelay $0x2  }
0xb8: {  	s31 =	sshll.u32 s1, $0xD;
	s1 =	sshrl.u32 s1, $0x2  }
0xb9: {  	s3 =	sand.u32 $0x4000, s31;
	s1 =	sadd.s32 s1, s30  }
0xba: {  	s0 =	sor.u32 s3, s0;
	s1 =	sshll.u32 s1, $0x11  }
0xbb: {  	s0 =	sor.u32 s1, s0  }
0xbc: {  	s0 =	sadd.s32 $0x8F2B, s0  }
0xbd: {  	[sflag:s0] =	ssyncadd.remote.s32 $0x1  }
0xbe: {  	_ =	sfence.sel $0xFFFF  }
0xbf: {  	[dreg:$0x0] =	wrdreg $0xFFFFFFFF;
	(pc) =	sbr.abs _section_cstart, $3  }
0xc0: {  	[dreg:$0x1] =	wrdreg $0xFFFFFFFF  }
0xc1: {  	_ =	task.clear_ibuf [dreg:s6], $0x2FFFF;
	_ =	strace $0x9FFFFFFF  }
0xc2: {  	(tm) =	ssettm $0x7FFFFFFF  }
0xc3: {  	_ =	shalt  }
tec
execute0_lowered:
.L_overlay_start_1:
0x0: {  	(tag) =	ssettag $0x1  }
0x1: {  	s0 =	srdreg.scid;
	s3 =	rddreg [dreg:$0x0]  }
0x2: {  	s9 =	stileid.u32;
	s2 =	rddreg [dreg:$0x1];
	s4 =	simm.s32 $0x0  }
0x3: {  	s15 =	simm.s32 $0x80;
	s16 =	simm.s32 $0x5000;
	s17 =	simm.s32 $0x6000  }
0x4: {  	s19 =	simm.s32 $0x7000;
	s21 =	simm.s32 $0x8000;
	s28 =	simm.s32 $0xA000  }
0x5: {  	s29 =	simm.s32 $0x3;
	s30 =	simm.s32 $0xB000;
	s31 =	simm.s32 $0x4  }
0x6: {  	s13 =	simm.s32 $0x9;
	s18 =	simm.s32 $0x7;
	s20 =	simm.s32 $0xB  }
0x7: {  	s11 =	simm.s32 $0x14;
	s0 =	sand.u32 $0x1, s0;
	s5 =	smul.u32 $0x5000, s9  }
0x8: {  	[smem:$0x7FF] =	sst s4;
	s4 =	sadd.s32 $0x3800, s3;
	s24 =	sshll.u32 s9, $0x6  }
0x9: {  	s1 =	sshll.u32 s0, $0x4;
	s6 =	smul.u32 $0x50000, s0;
	_ =	strace $0x8000004A  }
0xa: {  	s0 =	ssub.s32 $0x2, s0;
	[dreg:$0x3] =	wrdreg s24;
	s1 =	sor.u32 s9, s1  }
0xb: {  	s7 =	sshrl.u32 s5, $0x3;
	s8 =	sshrl.u32 s0, $0x1;
	s1 =	smul.u32 $0x500, s1  }
0xc: {  	s6 =	sadd.s32 s5, s6;
	s7 =	sadd.s32 s7, s3;
	s0 =	ssub.s32 s0, s8  }
0xd: {  	s5 =	sadd.s32 s5, s2;
	s6 =	sshrl.u32 s6, $0x3;
	s7 =	sadd.s32 $0x21600, s7  }
0xe: {  	s0 =	smax.u32 s0, $0x1;
	s12 =	sshrl.u32 s5, $0x3;
	s5 =	simm.s32 $0x10  }
0xf: {  	s1 =	sadd.s32 s1, s3;
	s3 =	sadd.s32 s6, s3;
	[dreg:$0x4] =	wrdreg s7  }
0x10: {  	s6 =	sor.u32 $0x1C13, s24;
	[dreg:$0x9] =	wrdreg s0;
	s24 =	simm.s32 $0x1  }
.Ltmp0:
0x11: {  	[dreg:$0x5] =	wrdreg s6;
	s25 =	sadd.s32 $0x17600, s1;
	(pc) =	sbr.rel .LBB2_1-.Ltmp0, $4  }
0x12: {  	s0 =	simm.s32 $0x5;
	s1 =	sadd.s32 $0xD600, s1;
	[dreg:$0x6] =	wrdreg s25  }
0x13: {  	s7 =	simm.s32 $0xC;
	s26 =	sadd.s32 $0x2B600, s3;
	[dreg:$0x7] =	wrdreg s1  }
0x14: {  	s6 =	simm.s32 $0x8;
	s3 =	simm.s32 $0x0;
	[dreg:$0x8] =	wrdreg s26  }
0x15: {  	s25 =	simm.s32 $0x9000;
	s26 =	simm.s32 $0x2;
	s1 =	simm.s32 $0xC000  }
.LBB2_4:
0x16: {  	_ =	swait.ge [sflag:s6], $0x1000  }
0x17: {  	[sflag:s6] =	ssyncset.done $0x0  }
0x18: {  	[sflag:s6] =	ssyncadd.s32 $0xFFFFF000  }
0x19: {  	[spmem:s2] =	stream.indirect.scatter.add.f32 [tilespmem:s1], [sflag:$0x10], $0x20, s23, s15, $0xb8;
	[tilespmem:$0x12000] =	vst v63  }
0x1a: {  	_ =	swait.ge [sflag:s7], $0x1000  }
0x1b: {  	[sflag:s7] =	ssyncset.done $0x0  }
0x1c: {  	s8 =	simm.s32 $0xD;
	[sflag:s7] =	ssyncadd.s32 $0xFFFFF000  }
0x1d: {  	_ =	swait.ge [sflag:s8], $0x1000  }
0x1e: {  	[sflag:s8] =	ssyncset.done $0x0  }
0x1f: {  	s10 =	simm.s32 $0xE;
	[sflag:s8] =	ssyncadd.s32 $0xFFFFF000  }
0x20: {  	_ =	swait.ge [sflag:s10], $0x1000  }
0x21: {  	[sflag:s10] =	ssyncset.done $0x0  }
0x22: {  	s14 =	simm.s32 $0xF;
	[sflag:s10] =	ssyncadd.s32 $0xFFFFF000  }
0x23: {  	_ =	swait.ge [sflag:s14], $0x1000  }
0x24: {  	[sflag:s14] =	ssyncset.done $0x0  }
0x25: {  	[sflag:s14] =	ssyncadd.s32 $0xFFFFF000  }
0x26: {  	_ =	swait.ge [sflag:s5], $0x1000  }
0x27: {  	[sflag:s5] =	ssyncset.done $0x0  }
0x28: {  	[sflag:s5] =	ssyncadd.s32 $0xFFFFF000  }
0x29: {  	[bflag:$0x0] =	sbarrier.arrive $0xFFFF  }
0x2a: {  	s22 =	rddreg [dreg:$0x3]  }
0x2b: {  	s9 =	rddreg [dreg:$0x8];
	s8 =	sor.u32 $0x1C14, s22  }
0x2c: {  	[hbm:s9], [sflag:s8] =	dma.local [spmem:s12], $0xA00  }
0x2d: {  	_ =	swait.ge [sflag:s11], $0xA00  }
0x2e: {  	s3 =	sadd.s32 $0x1, s3;
	s23 =	rddreg [dreg:$0x9]  }
0x2f: {  	p0 =	sne.s32 s3, s23  }
.Ltmp1:
0x30: {  	_ = 	snop;
	(pc) =	sbr.rel @!p0 .LBB2_5-.Ltmp1, $3  }
0x31: {  	_ =	sdelay $0x1  }
0x32: {  	[sflag:s11] =	ssyncset.done $0x0  }
0x33: {  	[sflag:s11] =	ssyncadd.s32 $0xFFFFF600  }
.LBB2_1:
0x34: {  	s8 =	rddreg [dreg:$0x4]  }
0x35: {  	s9 =	rddreg [dreg:$0x5]  }
0x36: {  	[spmem:s12], [sflag:s9] =	dma.local [hbm:s8], $0xA00  }
0x37: {  	s14 =	simm.s32 $0x0;
	s9 =	rddreg [dreg:$0x6]  }
0x38: {  	[tilespmem:s14], [sflag:$0x11] =	stream.linear.gather [hbm4b:s9+s14], $0x2800, $0x38;
	[tilespmem:$0x12000] =	vst v63  }
0x39: {  	s10 =	simm.s32 $0x2800;
	s23 =	simm.s32 $0x11;
	s22 =	rddreg [dreg:$0x7]  }
0x3a: {  	[tilespmem:s10], [sflag:$0x12] =	stream.linear.gather [hbm4b:s22+s14], $0x2800, $0x38;
	[tilespmem:$0x12000] =	vst v63  }
0x3b: {  	_ =	swait.ge [sflag:s23], $0x2800  }
0x3c: {  	[sflag:s23] =	ssyncset.done $0x0  }
0x3d: {  	[sflag:s23] =	ssyncadd.s32 $0xFFFFD800  }
0x3e: {  	[tilespmem:s16], [sflag:$0x1] =	stream.indirect.gather [hbm4b:s4+s15], $0x20, s14, s15, $0xb8;
	[tilespmem:$0x12000] =	vst v63  }
0x3f: {  	_ = 	snop  }
0x40: {  	[tilespmem:s17], [sflag:$0x2] =	stream.indirect.gather [hbm4b:s4+s15], $0x20, s15, s15, $0xb8;
	[tilespmem:$0x12000] =	vst v63  }
0x41: {  	s10 =	simm.s32 $0x100  }
0x42: {  	[tilespmem:s19], [sflag:$0x3] =	stream.indirect.gather [hbm4b:s4+s15], $0x20, s10, s15, $0xb8;
	[tilespmem:$0x12000] =	vst v63  }
0x43: {  	s22 =	simm.s32 $0x12;
	s14 =	simm.s32 $0x180  }
0x44: {  	[tilespmem:s21], [sflag:$0x4] =	stream.indirect.gather [hbm4b:s4+s15], $0x20, s14, s15, $0xb8;
	[tilespmem:$0x12000] =	vst v63  }
0x45: {  	_ =	swait.ge [sflag:s22], $0x2800  }
0x46: {  	[sflag:s22] =	ssyncset.done $0x0  }
0x47: {  	s23 =	simm.s32 $0x13;
	[sflag:s22] =	ssyncadd.s32 $0xFFFFD800  }
0x48: {  	_ =	swait.ge [sflag:s23], $0xA00  }
0x49: {  	[sflag:s23] =	ssyncset.done $0x0  }
0x4a: {  	[sflag:s23] =	ssyncadd.s32 $0xFFFFF600  }
0x4b: {  	s14 =	simm.s32 $0x0;
	[bflag:$0x0] =	sbarrier.arrive $0xFFFF  }
.LBB2_2:
0x4c: {  	_ =	swait.ge [sflag:s24], $0x1000  }
0x4d: {  	s22 =	sshra.s32 s14, $0x2;
	[sflag:s24] =	ssyncset.done $0x0  }
0x4e: {  	p0 =	seq.s32 s14, $0x0;
	s23 =	sadd.s32 $0x2800, s22;
	[sflag:s24] =	ssyncadd.s32 $0xFFFFF000  }
0x4f: {  	[spmem:s2] =	stream.indirect.scatter.add.f32 [tilespmem:s16], [sflag:$0x9], $0x20, s23, s15, $0xb8;
	[tilespmem:$0x12000] =	vst v63  }
0x50: {  	s23 =	simm.s32 @!p0 $0xD  }
0x51: {  	_ =	swait.ge @!p0 [sflag:s23], $0x1000  }
0x52: {  	[sflag:s23] =	ssyncset.done @!p0 $0x0  }
0x53: {  	s9 =	sadd.s32 $0x200, s22;
	[sflag:s23] =	ssyncadd.s32 @!p0 $0xFFFFF000  }
0x54: {  	[tilespmem:s25], [sflag:$0x5] =	stream.indirect.gather [hbm4b:s4+s15], $0x20, s9, s15, $0xb8;
	[tilespmem:$0x12000] =	vst v63  }
0x55: {  	_ =	swait.ge [sflag:s26], $0x1000  }
0x56: {  	[sflag:s26] =	ssyncset.done $0x0  }
0x57: {  	s10 =	sadd.s32 $0x2880, s22;
	s23 =	simm.s32 @!p0 $0xE;
	[sflag:s26] =	ssyncadd.s32 $0xFFFFF000  }
0x58: {  	[spmem:s2] =	stream.indirect.scatter.add.f32 [tilespmem:s17], [sflag:$0xA], $0x20, s10, s15, $0xb8;
	[tilespmem:$0x12000] =	vst v63  }
0x59: {  	_ =	swait.ge @!p0 [sflag:s23], $0x1000  }
0x5a: {  	[sflag:s23] =	ssyncset.done @!p0 $0x0  }
0x5b: {  	s8 =	sadd.s32 $0x280, s22;
	[sflag:s23] =	ssyncadd.s32 @!p0 $0xFFFFF000  }
0x5c: {  	[tilespmem:s28], [sflag:$0x6] =	stream.indirect.gather [hbm4b:s4+s15], $0x20, s8, s15, $0xb8;
	[tilespmem:$0x12000] =	vst v63  }
0x5d: {  	_ =	swait.ge [sflag:s29], $0x1000  }
0x5e: {  	[sflag:s29] =	ssyncset.done $0x0  }
0x5f: {  	s9 =	sadd.s32 $0x2900, s22;
	s23 =	simm.s32 @!p0 $0xF;
	[sflag:s29] =	ssyncadd.s32 $0xFFFFF000  }
0x60: {  	[spmem:s2] =	stream.indirect.scatter.add.f32 [tilespmem:s19], [sflag:$0xB], $0x20, s9, s15, $0xb8;
	[tilespmem:$0x12000] =	vst v63  }
0x61: {  	_ =	swait.ge @!p0 [sflag:s23], $0x1000  }
0x62: {  	[sflag:s23] =	ssyncset.done @!p0 $0x0  }
0x63: {  	s10 =	sadd.s32 $0x300, s22;
	[sflag:s23] =	ssyncadd.s32 @!p0 $0xFFFFF000  }
0x64: {  	[tilespmem:s30], [sflag:$0x7] =	stream.indirect.gather [hbm4b:s4+s15], $0x20, s10, s15, $0xb8;
	[tilespmem:$0x12000] =	vst v63  }
0x65: {  	_ =	swait.ge [sflag:s31], $0x1000  }
0x66: {  	[sflag:s31] =	ssyncset.done $0x0  }
0x67: {  	s8 =	sadd.s32 $0x2980, s22;
	s23 =	simm.s32 @!p0 $0x10;
	[sflag:s31] =	ssyncadd.s32 $0xFFFFF000  }
0x68: {  	[spmem:s2] =	stream.indirect.scatter.add.f32 [tilespmem:s21], [sflag:$0xC], $0x20, s8, s15, $0xb8;
	[tilespmem:$0x12000] =	vst v63  }
0x69: {  	_ =	swait.ge @!p0 [sflag:s23], $0x1000  }
0x6a: {  	[sflag:s23] =	ssyncset.done @!p0 $0x0  }
0x6b: {  	s9 =	sadd.s32 $0x380, s22;
	[sflag:s23] =	ssyncadd.s32 @!p0 $0xFFFFF000  }
0x6c: {  	[tilespmem:s1], [sflag:$0x8] =	stream.indirect.gather [hbm4b:s4+s15], $0x20, s9, s15, $0xb8;
	[tilespmem:$0x12000] =	vst v63  }
0x6d: {  	_ =	swait.ge [sflag:s0], $0x1000  }
0x6e: {  	[sflag:s0] =	ssyncset.done $0x0  }
0x6f: {  	s10 =	sadd.s32 $0x2A00, s22;
	[sflag:s0] =	ssyncadd.s32 $0xFFFFF000  }
0x70: {  	[spmem:s2] =	stream.indirect.scatter.add.f32 [tilespmem:s25], [sflag:$0xD], $0x20, s10, s15, $0xb8;
	[tilespmem:$0x12000] =	vst v63  }
0x71: {  	_ =	swait.ge [sflag:s13], $0x1000  }
0x72: {  	p0 =	seq.s32 s14, $0x9000;
	[sflag:s13] =	ssyncset.done $0x0  }
0x73: {  	s23 =	simm.s32 @p0 $0x6;
	[sflag:s13] =	ssyncadd.s32 $0xFFFFF000  }
0x74: {  	_ =	swait.ge @p0 [sflag:s23], $0x1000  }
0x75: {  	[sflag:s23] =	ssyncset.done @p0 $0x0  }
0x76: {  	[sflag:s23] =	ssyncadd.s32 @p0 $0xFFFFF000;
	s23 =	sshra.s32 @p0 s14, $0x2  }
0x77: {  	s8 =	simm.s32 @p0 $0x80;
	s9 =	simm.s32 @p0 $0xA000;
	s23 =	sadd.s32 @p0 $0x2A80, s23  }
0x78: {  	[spmem:s2] =	stream.indirect.scatter.add.f32 @p0 [tilespmem:s9], [sflag:$0xE], $0x20, s23, s8, $0xb8;
	[tilespmem:$0x12000] =	vst v63  }
0x79: {  	s8 =	simm.s32 @p0 $0xA  }
0x7a: {  	_ =	swait.ge @p0 [sflag:s8], $0x1000  }
0x7b: {  	[sflag:s8] =	ssyncset.done @p0 $0x0  }
0x7c: {  	[sflag:s8] =	ssyncadd.s32 @p0 $0xFFFFF000;
	s8 =	sshra.s32 @!p0 s14, $0x2  }
0x7d: {  	s10 =	simm.s32 @!p0 $0x5000;
	s23 =	simm.s32 @!p0 $0x80;
	s9 =	sadd.s32 @!p0 $0x400, s8  }
0x7e: {  	[tilespmem:s10], [sflag:$0x1] =	stream.indirect.gather @!p0 [hbm4b:s4+s23], $0x20, s9, s23, $0xb8;
	[tilespmem:$0x12000] =	vst v63  }
0x7f: {  	s9 =	simm.s32 @!p0 $0x6  }
0x80: {  	_ =	swait.ge @!p0 [sflag:s9], $0x1000  }
0x81: {  	[sflag:s9] =	ssyncset.done @!p0 $0x0  }
0x82: {  	s10 =	simm.s32 @!p0 $0xA000;
	[sflag:s9] =	ssyncadd.s32 @!p0 $0xFFFFF000;
	s9 =	sadd.s32 @!p0 $0x2A80, s8  }
0x83: {  	[spmem:s2] =	stream.indirect.scatter.add.f32 @!p0 [tilespmem:s10], [sflag:$0xE], $0x20, s9, s23, $0xb8;
	[tilespmem:$0x12000] =	vst v63  }
0x84: {  	s9 =	simm.s32 @!p0 $0xA  }
0x85: {  	_ =	swait.ge @!p0 [sflag:s9], $0x1000  }
0x86: {  	[sflag:s9] =	ssyncset.done @!p0 $0x0  }
0x87: {  	s8 =	sadd.s32 @!p0 $0x480, s8;
	[sflag:s9] =	ssyncadd.s32 @!p0 $0xFFFFF000;
	s9 =	simm.s32 @!p0 $0x6000  }
0x88: {  	[tilespmem:s9], [sflag:$0x2] =	stream.indirect.gather @!p0 [hbm4b:s4+s23], $0x20, s8, s23, $0xb8;
	[tilespmem:$0x12000] =	vst v63  }
0x89: {  	_ =	swait.ge [sflag:s18], $0x1000  }
0x8a: {  	[sflag:s18] =	ssyncset.done $0x0  }
.Ltmp2:
0x8b: {  	s23 =	sadd.s32 $0x2B00, s22;
	[sflag:s18] =	ssyncadd.s32 $0xFFFFF000;
	(pc) =	sbr.rel @p0 .LBB2_4-.Ltmp2, $4  }
0x8c: {  	[spmem:s2] =	stream.indirect.scatter.add.f32 [tilespmem:s30], [sflag:$0xF], $0x20, s23, s15, $0xb8;
	[tilespmem:$0x12000] =	vst v63  }
0x8d: {  	_ =	swait.ge [sflag:s20], $0x1000  }
0x8e: {  	[sflag:s20] =	ssyncset.done $0x0  }
0x8f: {  	s23 =	sadd.s32 $0x2B80, s22;
	[sflag:s20] =	ssyncadd.s32 $0xFFFFF000  }
0x90: {  	s8 =	sadd.s32 $0x500, s22  }
0x91: {  	[tilespmem:s19], [sflag:$0x3] =	stream.indirect.gather [hbm4b:s4+s15], $0x20, s8, s15, $0xb8;
	[tilespmem:$0x12000] =	vst v63  }
0x92: {  	_ =	swait.ge [sflag:s6], $0x1000  }
0x93: {  	[sflag:s6] =	ssyncset.done $0x0  }
0x94: {  	[sflag:s6] =	ssyncadd.s32 $0xFFFFF000  }
0x95: {  	[spmem:s2] =	stream.indirect.scatter.add.f32 [tilespmem:s1], [sflag:$0x10], $0x20, s23, s15, $0xb8;
	[tilespmem:$0x12000] =	vst v63  }
.Ltmp3:
0x96: {  	_ = 	snop;
	(pc) =	sbr.rel .LBB2_2-.Ltmp3, $4  }
0x97: {  	_ =	swait.ge [sflag:s7], $0x1000  }
0x98: {  	[sflag:s7] =	ssyncset.done $0x0  }
0x99: {  	s14 =	sadd.s32 $0x1000, s14;
	s23 =	sadd.s32 $0x580, s22;
	[sflag:s7] =	ssyncadd.s32 $0xFFFFF000  }
0x9a: {  	[tilespmem:s21], [sflag:$0x4] =	stream.indirect.gather [hbm4b:s4+s15], $0x20, s23, s15, $0xb8;
	[tilespmem:$0x12000] =	vst v63  }
.LBB2_5:
0x9b: {  	_ =	sfence.sel $0x180000  }
0x9c: {  	[bflag:$0x0] =	sbarrier.arrive $0xFFFF  }
0x9d: {  	_ =	strace $0x9000004A  }
0x9e: {  	s0 =	stileid.u32;
	[bflag:$0x2] =	sbarrier.arrive $0xFFFF  }
0x9f: {  	p0 =	sne.s32 s0, $0x0;
	s0 =	rddreg [dreg:$0x2]  }
0xa0: {  	s0 =	sadd.s32 @!p0 $0x100000, s0  }
0xa1: {  	[sflag:s0] =	ssyncadd.tile.s32 @!p0 $0x1;
	_ =	shalt  }
.Lfunc_end2:
_tile_overlayer_lowered:
.L_overlay_start_2:
0xa2: {  	(tag) =	ssettag $0x2  }
0xa3: {  	s0 =	rddreg [dreg:$0x0];
	s2 =	stileid.u32  }
0xa4: {  	s1 =	rddreg [dreg:$0x1];
	p0 =	sne.s32 s2, $0x0  }
0xa5: {  	s3 =	rddreg [dreg:$0x2];
	[bflag:$0x3] =	sbarrier.arrive $0xFFFF;
	s2 =	simm.s32 @!p0 $0x1C14  }
0xa6: {  	[timem:s3], [sflag:s2] =	dma.local @!p0 [hbm:s0], s1  }
0xa7: {  	s0 =	simm.s32 @!p0 $0x14  }
0xa8: {  	_ =	swait.ge @!p0 [sflag:s0], s1  }
0xa9: {  	s1 =	ssub.s32 @!p0 $0x0, s1;
	[sflag:s0] =	ssyncset.done @!p0 $0x0  }
0xaa: {  	[sflag:s0] =	ssyncadd.s32 @!p0 s1  }
0xab: {  	[bflag:$0x3] =	sbarrier.arrive $0xFFFF  }
0xac: {  	_ =	shalt  }

// kernel: kernel.16.cloned.1.call-start
scs
__scs_entry_jumppad:
0x0: {  	(pc) =	sbr.rel $0x88, $3  }
0x1: {  	(tag) =	ssettag $0x0;
	lr =	simm.s32 $0x1  }
0x2: {  	[smem:$0x3F8E] =	sst lr;
	_ =	strace $0xD0000000  }
0x3: {  	_ = 	snop  }
0x4: {  	_ = 	snop  }
0x5: {  	_ = 	snop  }
0x6: {  	_ = 	snop  }
0x7: {  	_ = 	snop  }
__scs_overlays_trampoline_lowered:
0x8: {  	[smem:$0x3F9D] =	sst s0  }
0x9: {  	[smem:$0x3F9E] =	sst s1  }
0xa: {  	[smem:$0x3F9F] =	sst s2  }
0xb: {  	[smem:$0x3FA0] =	sst s3  }
0xc: {  	[smem:$0x3FA1] =	sst s4  }
0xd: {  	[smem:$0x3FA2] =	sst s5  }
0xe: {  	[smem:$0x3FA3] =	sst s6  }
0xf: {  	[smem:$0x3FA4] =	sst s7  }
0x10: {  	[smem:$0x3FA5] =	sst s8  }
0x11: {  	[smem:$0x3FA6] =	sst s9;
	s0 =	simm.s32 @!p0 $0x0  }
0x12: {  	s1 =	sld [smem:$0x3F8C];
	s0 =	simm.s32 @p0 $0x1  }
0x13: {  	[smem:$0x3FA7] =	sst s0;
	s0 =	simm.s32 @!p1 $0x0  }
0x14: {  	s2 =	sld [smem:$0x3F8B];
	s0 =	simm.s32 @p1 $0x1  }
0x15: {  	[smem:$0x3FA8] =	sst s0;
	s0 =	simm.s32 @!p2 $0x0  }
0x16: {  	s3 =	sld [smem:$0x3FDB];
	s0 =	simm.s32 @p2 $0x1  }
0x17: {  	s4 =	simm.s32 $0x1BF5;
	[smem:$0x3FAA] =	sst s0  }
0x18: {  	s0 =	sld [smem:$0x3F8D];
	_ =	swait.ge [sflag:s4], $0x0  }
0x19: {  	s7 =	sld [smem:$0x3F8E]  }
0x1a: {  	s8 =	sadd.s32 $0xFFFFE003, lr  }
0x1b: {  	s9 =	sadd.s32 $0xFFFFFEF7, lr;
	s5 =	simm.s32 $0xFFFFFFFF;
	p2 =	slt.u32 s8, $0xFFFFF086  }
0x1c: {  	p1 =	slt.u32 s9, $0xF7A;
	s5 =	simm.s32 @!p2 $0x0  }
0x1d: {  	s5 =	simm.s32 @p1 $0x1;
	p0 =	seq.s32 s7, s2  }
0x1e: {  	s7 =	smul.u32 @!p0 $0xF7A, s2;
	p2 =	seq.s32 @!p0 s5, $0x0  }
0x1f: {  	s9 =	smul.u32 $0xF7A, s1;
	s8 =	simm.s32 @!p0 $0x1BF5;
	p2 =	por !p2, p0  }
0x20: {  	[sflag:s8] =	ssyncset.s32 @!p0 $0xFFFFF086;
	s6 =	sadd.s32 @!p0 s3, s7;
	s7 =	simm.s32 @!p0 $0x108  }
0x21: {  	s3 =	sadd.s32 s3, s9;
	s6 =	sadd.s32 @!p0 $0x88, s6;
	s7 =	simm.s32 @p2 $0x1082  }
0x22: {  	[simem:s7], [sflag:s8] =	dma.local @!p0 [hbm:s6], $0xF7A  }
0x23: {  	s9 =	sor.u32 $0xD0000000, s2;
	s6 =	simm.s32 $0x108;
	_ =	swait.ge @!p0 [sflag:s8], $0x0  }
0x24: {  	s3 =	sadd.s32 $0x88, s3;
	s6 =	simm.s32 @!p1 $0x1082;
	[sflag:s4] =	ssyncset.s32 $0xFFFFF086  }
0x25: {  	[simem:s6], [sflag:s4] =	dma.local [hbm:s3], $0xF7A  }
0x26: {  	[smem:$0x3F8E] =	sst s1;
	(tag) =	ssettag s2;
	_ =	strace s9  }
0x27: {  	s1 =	sld [smem:$0x3F9E]  }
0x28: {  	s2 =	sld [smem:$0x3F9F]  }
0x29: {  	s4 =	sld [smem:$0x3FA1]  }
0x2a: {  	p0 =	seq.s32 s5, $0x0;
	s5 =	sld [smem:$0x3FA2]  }
0x2b: {  	s6 =	sld [smem:$0x3FA3]  }
0x2c: {  	s7 =	sld [smem:$0x3FA4]  }
0x2d: {  	s3 =	simm.s32 $0x108;
	s8 =	sld [smem:$0x3FA5]  }
0x2e: {  	s3 =	simm.s32 @!p0 $0x1082;
	s9 =	sld [smem:$0x3FA6]  }
0x2f: {  	lr =	sadd.s32 s0, s3;
	s0 =	sld [smem:$0x3F9D]  }
0x30: {  	s3 =	sld [smem:$0x3FA0]  }
0x31: {  	[smem:$0x3FA9] =	sst s10  }
0x32: {  	s10 =	sld [smem:$0x3FA7];
	_ =	sdelay $0x3  }
0x33: {  	p0 =	seq.s32 s10, $0x1;
	s10 =	sld [smem:$0x3FA9];
	_ =	sdelay $0x3  }
0x34: {  	[smem:$0x3FA9] =	sst s10  }
0x35: {  	s10 =	sld [smem:$0x3FA8];
	_ =	sdelay $0x3  }
0x36: {  	p1 =	seq.s32 s10, $0x1;
	s10 =	sld [smem:$0x3FA9];
	_ =	sdelay $0x3  }
0x37: {  	[smem:$0x3FA9] =	sst s10  }
0x38: {  	s10 =	sld [smem:$0x3FAA]  }
0x39: {  	_ = 	snop;
	(pc) =	sbr.ind lr, $3  }
0x3a: {  	_ = 	snop  }
0x3b: {  	_ = 	snop  }
0x3c: {  	p2 =	seq.s32 s10, $0x1;
	s10 =	sld [smem:$0x3FA9]  }
0x3d: {  	_ =	shalt  }
0x3e: {  	_ =	shalt  }
0x3f: {  	_ =	shalt  }
0x40: {  	_ =	shalt  }
0x41: {  	_ =	shalt  }
0x42: {  	_ =	shalt  }
0x43: {  	_ =	shalt  }
0x44: {  	_ =	shalt  }
0x45: {  	_ =	shalt  }
0x46: {  	_ =	shalt  }
0x47: {  	_ =	shalt  }
0x48: {  	_ =	shalt  }
0x49: {  	_ =	shalt  }
0x4a: {  	_ =	shalt  }
0x4b: {  	_ =	shalt  }
0x4c: {  	_ =	shalt  }
0x4d: {  	_ =	shalt  }
0x4e: {  	_ =	shalt  }
0x4f: {  	_ =	shalt  }
0x50: {  	_ =	shalt  }
0x51: {  	_ =	shalt  }
0x52: {  	_ =	shalt  }
0x53: {  	_ =	shalt  }
0x54: {  	_ =	shalt  }
0x55: {  	_ =	shalt  }
0x56: {  	_ =	shalt  }
0x57: {  	_ =	shalt  }
0x58: {  	_ =	shalt  }
0x59: {  	_ =	shalt  }
0x5a: {  	_ =	shalt  }
0x5b: {  	_ =	shalt  }
0x5c: {  	_ =	shalt  }
0x5d: {  	_ =	shalt  }
0x5e: {  	_ =	shalt  }
0x5f: {  	_ =	shalt  }
0x60: {  	_ =	shalt  }
0x61: {  	_ =	shalt  }
0x62: {  	_ =	shalt  }
0x63: {  	_ =	shalt  }
0x64: {  	_ =	shalt  }
0x65: {  	_ =	shalt  }
0x66: {  	_ =	shalt  }
0x67: {  	_ =	shalt  }
0x68: {  	_ =	shalt  }
0x69: {  	_ =	shalt  }
0x6a: {  	_ =	shalt  }
0x6b: {  	_ =	shalt  }
0x6c: {  	_ =	shalt  }
0x6d: {  	_ =	shalt  }
0x6e: {  	_ =	shalt  }
0x6f: {  	_ =	shalt  }
0x70: {  	_ =	shalt  }
0x71: {  	_ =	shalt  }
0x72: {  	_ =	shalt  }
0x73: {  	_ =	shalt  }
0x74: {  	_ =	shalt  }
0x75: {  	_ =	shalt  }
0x76: {  	_ =	shalt  }
0x77: {  	_ =	shalt  }
0x78: {  	_ =	shalt  }
0x79: {  	_ =	shalt  }
0x7a: {  	_ =	shalt  }
0x7b: {  	_ =	shalt  }
0x7c: {  	_ =	shalt  }
0x7d: {  	_ =	shalt  }
0x7e: {  	_ =	shalt  }
0x7f: {  	_ =	shalt  }
0x80: {  	_ =	shalt  }
0x81: {  	_ =	shalt  }
0x82: {  	_ =	shalt  }
0x83: {  	_ =	shalt  }
0x84: {  	_ =	shalt  }
0x85: {  	_ =	shalt  }
0x86: {  	_ =	shalt  }
0x87: {  	_ =	shalt  }
.Lfunc_end0:
.L_simem_size_0:
called_computation.2_lowered:
.L_overlay_start_0:
0x88: {  	s2 =	sld [smem:$0x3FD9]  }
0x89: {  	s3 =	sld [smem:$0x3FFE];
	_ =	sdelay $0x1  }
0x8a: {  	s1 =	srdreg.scid  }
0x8b: {  	s0 =	sand.u32 $0x1, s1  }
0x8c: {  	s16 =	sshll.u32 s0, $0xA;
	s2 =	sadd.s32 s3, s2  }
0x8d: {  	s2 =	sadd.s32 s2, s16  }
0x8e: {  	[smem:$0x3FB5] =	sst s2  }
0x8f: {  	_ = 	snop  }
0x90: {  	(tm) =	ssettm $0x1  }
0x91: {  	s17 =	sld [smem:$0x3FFB];
	_ =	sdelay $0x3  }
0x92: {  	_ =	strace s17  }
0x93: {  	s2 =	sld [smem:$0x3FFC];
	_ =	sdelay $0x3  }
0x94: {  	_ =	strace s2  }
0x95: {  	s2 =	sld [smem:$0x3FFD];
	_ =	sdelay $0x3  }
0x96: {  	_ =	strace s2  }
0x97: {  	_ =	strace $0x8FFFFFFF  }
0x98: {  	s18 =	sld [smem:$0x3FDB];
	_ =	sdelay $0x1  }
0x99: {  	s19 =	simm.s32 $_scs_section_size  }
0x9a: {  	s4 =	simm.s32 $_size__tile_overlayer_lowered;
	s5 =	simm.s32 $_tile_overlayer_lowered  }
0x9b: {  	s22 =	simm.s32 $0x1BFF;
	s21 =	sshll.u32 s5, $0x1;
	s2 =	sadd.s32 s19, s18  }
0x9c: {  	s6 =	simm.s32 $0x0;
	s20 =	sshll.u32 s4, $0x1;
	s4 =	sadd.s32 s21, s2  }
0x9d: {  	[timem:s6], [sflag:s22] =	dma.local [hbm:s4], s20  }
0x9e: {  	_ =	swait.ge [sflag:s22], s20  }
0x9f: {  	s3 =	ssub.s32 $0x0, s20;
	[sflag:s22] =	ssyncset.done $0x0  }
0xa0: {  	[sflag:s22] =	ssyncadd.s32 s3;
	_ =	sdelay $0x1  }
0xa1: {  	s23 =	simm.s32 $0x1B8B  }
0xa2: {  	_ =	swait.ge [sflag:s23], $0x1  }
0xa3: {  	[sflag:s23] =	ssyncset.done $0x0  }
0xa4: {  	s25 =	simm.s32 $0x1B8E;
	s24 =	sld [smem:$0x3FFE];
	[sflag:s23] =	ssyncadd.s32 $0xFFFFFFFF  }
0xa5: {  	s26 =	simm.s32 $execute0_lowered;
	[smem:$0x3FD2] =	sst s25  }
0xa6: {  	s4 =	sshll.u32 s26, $0x1;
	_ =	strace $0x8000004C;
	[dreg:$0x1] =	wrdreg $0xFFFFFFFF  }
0xa7: {  	s28 =	simm.s32 $_size_execute0_lowered;
	s2 =	sadd.s32 s2, s4;
	[dreg:$0x0] =	wrdreg $0x0  }
0xa8: {  	s4 =	sshll.u32 s28, $0x1;
	[dreg:$0x2] =	wrdreg s2  }
0xa9: {  	[dreg:$0x3] =	wrdreg s4  }
0xaa: {  	[dreg:$0x4] =	wrdreg $0xC0  }
0xab: {  	_ =	task [dreg:s6], $0x5FFFF  }
0xac: {  	[dreg:$0x1] =	wrdreg $0xFFFFFFFF  }
0xad: {  	[dreg:$0x0] =	wrdreg $0x60  }
0xae: {  	[dreg:$0x2] =	wrdreg s24  }
0xaf: {  	[dreg:$0x3] =	wrdreg $0xD0000  }
0xb0: {  	[dreg:$0x4] =	wrdreg $0x9  }
0xb1: {  	_ =	task.clear_ibuf [dreg:s6], $0x5FFFF;
	_ =	strace $0x9000004C  }
0xb2: {  	s29 =	simm.s32 $0x9;
	_ =	strace $0x8000004E  }
0xb3: {  	_ =	swait.ge [sflag:s29], $0x1  }
0xb4: {  	[sflag:s29] =	ssyncadd.s32 $0xFFFFFFFF  }
0xb5: {  	_ =	strace $0x9000004E  }
0xb6: {  	_ =	sfence  }
0xb7: {  	s30 =	sld [smem:$0x0];
	_ =	sdelay $0x2  }
0xb8: {  	s31 =	sshll.u32 s1, $0xD;
	s1 =	sshrl.u32 s1, $0x2  }
0xb9: {  	s3 =	sand.u32 $0x4000, s31;
	s1 =	sadd.s32 s1, s30  }
0xba: {  	s0 =	sor.u32 s3, s0;
	s1 =	sshll.u32 s1, $0x11  }
0xbb: {  	s0 =	sor.u32 s1, s0  }
0xbc: {  	s0 =	sadd.s32 $0x8F2B, s0  }
0xbd: {  	[sflag:s0] =	ssyncadd.remote.s32 $0x1  }
0xbe: {  	_ =	sfence.sel $0xFFFF  }
0xbf: {  	[dreg:$0x0] =	wrdreg $0xFFFFFFFF;
	(pc) =	sbr.abs _section_cstart, $3  }
0xc0: {  	[dreg:$0x1] =	wrdreg $0xFFFFFFFF  }
0xc1: {  	_ =	task.clear_ibuf [dreg:s6], $0x2FFFF;
	_ =	strace $0x9FFFFFFF  }
0xc2: {  	(tm) =	ssettm $0x7FFFFFFF  }
0xc3: {  	_ =	shalt  }
tec
execute0_lowered:
.L_overlay_start_1:
0x0: {  	(tag) =	ssettag $0x1  }
0x1: {  	s0 =	srdreg.scid;
	s3 =	rddreg [dreg:$0x0]  }
0x2: {  	s9 =	stileid.u32;
	s2 =	rddreg [dreg:$0x1];
	s4 =	simm.s32 $0x0  }
0x3: {  	s15 =	simm.s32 $0x80;
	s16 =	simm.s32 $0x5000;
	s17 =	simm.s32 $0x6000  }
0x4: {  	s19 =	simm.s32 $0x7000;
	s21 =	simm.s32 $0x8000;
	s28 =	simm.s32 $0xA000  }
0x5: {  	s29 =	simm.s32 $0x3;
	s30 =	simm.s32 $0xB000;
	s31 =	simm.s32 $0x4  }
0x6: {  	s13 =	simm.s32 $0x9;
	s18 =	simm.s32 $0x7;
	s20 =	simm.s32 $0xB  }
0x7: {  	s11 =	simm.s32 $0x14;
	s0 =	sand.u32 $0x1, s0;
	s5 =	smul.u32 $0x5000, s9  }
0x8: {  	[smem:$0x7FF] =	sst s4;
	s4 =	sadd.s32 $0x3200, s3;
	s24 =	sshll.u32 s9, $0x6  }
0x9: {  	s1 =	sshll.u32 s0, $0x4;
	s6 =	smul.u32 $0x50000, s0;
	_ =	strace $0x8000004D  }
0xa: {  	s0 =	ssub.s32 $0x2, s0;
	[dreg:$0x3] =	wrdreg s24;
	s1 =	sor.u32 s9, s1  }
0xb: {  	s7 =	sshrl.u32 s5, $0x3;
	s8 =	sshrl.u32 s0, $0x1;
	s1 =	smul.u32 $0x500, s1  }
0xc: {  	s6 =	sadd.s32 s5, s6;
	s7 =	sadd.s32 s7, s3;
	s0 =	ssub.s32 s0, s8  }
0xd: {  	s5 =	sadd.s32 s5, s2;
	s6 =	sshrl.u32 s6, $0x3;
	s7 =	sadd.s32 $0x21600, s7  }
0xe: {  	s0 =	smax.u32 s0, $0x1;
	s12 =	sshrl.u32 s5, $0x3;
	s5 =	simm.s32 $0x10  }
0xf: {  	s1 =	sadd.s32 s1, s3;
	s3 =	sadd.s32 s6, s3;
	[dreg:$0x4] =	wrdreg s7  }
0x10: {  	s6 =	sor.u32 $0x1C13, s24;
	[dreg:$0x9] =	wrdreg s0;
	s24 =	simm.s32 $0x1  }
.Ltmp0:
0x11: {  	[dreg:$0x5] =	wrdreg s6;
	s25 =	sadd.s32 $0x17600, s1;
	(pc) =	sbr.rel .LBB2_1-.Ltmp0, $4  }
0x12: {  	s0 =	simm.s32 $0x5;
	s1 =	sadd.s32 $0xD600, s1;
	[dreg:$0x6] =	wrdreg s25  }
0x13: {  	s7 =	simm.s32 $0xC;
	s26 =	sadd.s32 $0x2B600, s3;
	[dreg:$0x7] =	wrdreg s1  }
0x14: {  	s6 =	simm.s32 $0x8;
	s3 =	simm.s32 $0x0;
	[dreg:$0x8] =	wrdreg s26  }
0x15: {  	s25 =	simm.s32 $0x9000;
	s26 =	simm.s32 $0x2;
	s1 =	simm.s32 $0xC000  }
.LBB2_4:
0x16: {  	_ =	swait.ge [sflag:s6], $0x1000  }
0x17: {  	[sflag:s6] =	ssyncset.done $0x0  }
0x18: {  	[sflag:s6] =	ssyncadd.s32 $0xFFFFF000  }
0x19: {  	[spmem:s2] =	stream.indirect.scatter.add.f32 [tilespmem:s1], [sflag:$0x10], $0x20, s23, s15, $0xb8;
	[tilespmem:$0x12000] =	vst v63  }
0x1a: {  	_ =	swait.ge [sflag:s7], $0x1000  }
0x1b: {  	[sflag:s7] =	ssyncset.done $0x0  }
0x1c: {  	s8 =	simm.s32 $0xD;
	[sflag:s7] =	ssyncadd.s32 $0xFFFFF000  }
0x1d: {  	_ =	swait.ge [sflag:s8], $0x1000  }
0x1e: {  	[sflag:s8] =	ssyncset.done $0x0  }
0x1f: {  	s10 =	simm.s32 $0xE;
	[sflag:s8] =	ssyncadd.s32 $0xFFFFF000  }
0x20: {  	_ =	swait.ge [sflag:s10], $0x1000  }
0x21: {  	[sflag:s10] =	ssyncset.done $0x0  }
0x22: {  	s14 =	simm.s32 $0xF;
	[sflag:s10] =	ssyncadd.s32 $0xFFFFF000  }
0x23: {  	_ =	swait.ge [sflag:s14], $0x1000  }
0x24: {  	[sflag:s14] =	ssyncset.done $0x0  }
0x25: {  	[sflag:s14] =	ssyncadd.s32 $0xFFFFF000  }
0x26: {  	_ =	swait.ge [sflag:s5], $0x1000  }
0x27: {  	[sflag:s5] =	ssyncset.done $0x0  }
0x28: {  	[sflag:s5] =	ssyncadd.s32 $0xFFFFF000  }
0x29: {  	[bflag:$0x0] =	sbarrier.arrive $0xFFFF  }
0x2a: {  	s22 =	rddreg [dreg:$0x3]  }
0x2b: {  	s9 =	rddreg [dreg:$0x8];
	s8 =	sor.u32 $0x1C14, s22  }
0x2c: {  	[hbm:s9], [sflag:s8] =	dma.local [spmem:s12], $0xA00  }
0x2d: {  	_ =	swait.ge [sflag:s11], $0xA00  }
0x2e: {  	s3 =	sadd.s32 $0x1, s3;
	s23 =	rddreg [dreg:$0x9]  }
0x2f: {  	p0 =	sne.s32 s3, s23  }
.Ltmp1:
0x30: {  	_ = 	snop;
	(pc) =	sbr.rel @!p0 .LBB2_5-.Ltmp1, $3  }
0x31: {  	_ =	sdelay $0x1  }
0x32: {  	[sflag:s11] =	ssyncset.done $0x0  }
0x33: {  	[sflag:s11] =	ssyncadd.s32 $0xFFFFF600  }
.LBB2_1:
0x34: {  	s8 =	rddreg [dreg:$0x4]  }
0x35: {  	s9 =	rddreg [dreg:$0x5]  }
0x36: {  	[spmem:s12], [sflag:s9] =	dma.local [hbm:s8], $0xA00  }
0x37: {  	s14 =	simm.s32 $0x0;
	s9 =	rddreg [dreg:$0x6]  }
0x38: {  	[tilespmem:s14], [sflag:$0x11] =	stream.linear.gather [hbm4b:s9+s14], $0x2800, $0x38;
	[tilespmem:$0x12000] =	vst v63  }
0x39: {  	s10 =	simm.s32 $0x2800;
	s23 =	simm.s32 $0x11;
	s22 =	rddreg [dreg:$0x7]  }
0x3a: {  	[tilespmem:s10], [sflag:$0x12] =	stream.linear.gather [hbm4b:s22+s14], $0x2800, $0x38;
	[tilespmem:$0x12000] =	vst v63  }
0x3b: {  	_ =	swait.ge [sflag:s23], $0x2800  }
0x3c: {  	[sflag:s23] =	ssyncset.done $0x0  }
0x3d: {  	[sflag:s23] =	ssyncadd.s32 $0xFFFFD800  }
0x3e: {  	[tilespmem:s16], [sflag:$0x1] =	stream.indirect.gather [hbm4b:s4+s15], $0x20, s14, s15, $0xb8;
	[tilespmem:$0x12000] =	vst v63  }
0x3f: {  	_ = 	snop  }
0x40: {  	[tilespmem:s17], [sflag:$0x2] =	stream.indirect.gather [hbm4b:s4+s15], $0x20, s15, s15, $0xb8;
	[tilespmem:$0x12000] =	vst v63  }
0x41: {  	s10 =	simm.s32 $0x100  }
0x42: {  	[tilespmem:s19], [sflag:$0x3] =	stream.indirect.gather [hbm4b:s4+s15], $0x20, s10, s15, $0xb8;
	[tilespmem:$0x12000] =	vst v63  }
0x43: {  	s22 =	simm.s32 $0x12;
	s14 =	simm.s32 $0x180  }
0x44: {  	[tilespmem:s21], [sflag:$0x4] =	stream.indirect.gather [hbm4b:s4+s15], $0x20, s14, s15, $0xb8;
	[tilespmem:$0x12000] =	vst v63  }
0x45: {  	_ =	swait.ge [sflag:s22], $0x2800  }
0x46: {  	[sflag:s22] =	ssyncset.done $0x0  }
0x47: {  	s23 =	simm.s32 $0x13;
	[sflag:s22] =	ssyncadd.s32 $0xFFFFD800  }
0x48: {  	_ =	swait.ge [sflag:s23], $0xA00  }
0x49: {  	[sflag:s23] =	ssyncset.done $0x0  }
0x4a: {  	[sflag:s23] =	ssyncadd.s32 $0xFFFFF600  }
0x4b: {  	s14 =	simm.s32 $0x0;
	[bflag:$0x0] =	sbarrier.arrive $0xFFFF  }
.LBB2_2:
0x4c: {  	_ =	swait.ge [sflag:s24], $0x1000  }
0x4d: {  	s22 =	sshra.s32 s14, $0x2;
	[sflag:s24] =	ssyncset.done $0x0  }
0x4e: {  	p0 =	seq.s32 s14, $0x0;
	s23 =	sadd.s32 $0x2800, s22;
	[sflag:s24] =	ssyncadd.s32 $0xFFFFF000  }
0x4f: {  	[spmem:s2] =	stream.indirect.scatter.add.f32 [tilespmem:s16], [sflag:$0x9], $0x20, s23, s15, $0xb8;
	[tilespmem:$0x12000] =	vst v63  }
0x50: {  	s23 =	simm.s32 @!p0 $0xD  }
0x51: {  	_ =	swait.ge @!p0 [sflag:s23], $0x1000  }
0x52: {  	[sflag:s23] =	ssyncset.done @!p0 $0x0  }
0x53: {  	s9 =	sadd.s32 $0x200, s22;
	[sflag:s23] =	ssyncadd.s32 @!p0 $0xFFFFF000  }
0x54: {  	[tilespmem:s25], [sflag:$0x5] =	stream.indirect.gather [hbm4b:s4+s15], $0x20, s9, s15, $0xb8;
	[tilespmem:$0x12000] =	vst v63  }
0x55: {  	_ =	swait.ge [sflag:s26], $0x1000  }
0x56: {  	[sflag:s26] =	ssyncset.done $0x0  }
0x57: {  	s10 =	sadd.s32 $0x2880, s22;
	s23 =	simm.s32 @!p0 $0xE;
	[sflag:s26] =	ssyncadd.s32 $0xFFFFF000  }
0x58: {  	[spmem:s2] =	stream.indirect.scatter.add.f32 [tilespmem:s17], [sflag:$0xA], $0x20, s10, s15, $0xb8;
	[tilespmem:$0x12000] =	vst v63  }
0x59: {  	_ =	swait.ge @!p0 [sflag:s23], $0x1000  }
0x5a: {  	[sflag:s23] =	ssyncset.done @!p0 $0x0  }
0x5b: {  	s8 =	sadd.s32 $0x280, s22;
	[sflag:s23] =	ssyncadd.s32 @!p0 $0xFFFFF000  }
0x5c: {  	[tilespmem:s28], [sflag:$0x6] =	stream.indirect.gather [hbm4b:s4+s15], $0x20, s8, s15, $0xb8;
	[tilespmem:$0x12000] =	vst v63  }
0x5d: {  	_ =	swait.ge [sflag:s29], $0x1000  }
0x5e: {  	[sflag:s29] =	ssyncset.done $0x0  }
0x5f: {  	s9 =	sadd.s32 $0x2900, s22;
	s23 =	simm.s32 @!p0 $0xF;
	[sflag:s29] =	ssyncadd.s32 $0xFFFFF000  }
0x60: {  	[spmem:s2] =	stream.indirect.scatter.add.f32 [tilespmem:s19], [sflag:$0xB], $0x20, s9, s15, $0xb8;
	[tilespmem:$0x12000] =	vst v63  }
0x61: {  	_ =	swait.ge @!p0 [sflag:s23], $0x1000  }
0x62: {  	[sflag:s23] =	ssyncset.done @!p0 $0x0  }
0x63: {  	s10 =	sadd.s32 $0x300, s22;
	[sflag:s23] =	ssyncadd.s32 @!p0 $0xFFFFF000  }
0x64: {  	[tilespmem:s30], [sflag:$0x7] =	stream.indirect.gather [hbm4b:s4+s15], $0x20, s10, s15, $0xb8;
	[tilespmem:$0x12000] =	vst v63  }
0x65: {  	_ =	swait.ge [sflag:s31], $0x1000  }
0x66: {  	[sflag:s31] =	ssyncset.done $0x0  }
0x67: {  	s8 =	sadd.s32 $0x2980, s22;
	s23 =	simm.s32 @!p0 $0x10;
	[sflag:s31] =	ssyncadd.s32 $0xFFFFF000  }
0x68: {  	[spmem:s2] =	stream.indirect.scatter.add.f32 [tilespmem:s21], [sflag:$0xC], $0x20, s8, s15, $0xb8;
	[tilespmem:$0x12000] =	vst v63  }
0x69: {  	_ =	swait.ge @!p0 [sflag:s23], $0x1000  }
0x6a: {  	[sflag:s23] =	ssyncset.done @!p0 $0x0  }
0x6b: {  	s9 =	sadd.s32 $0x380, s22;
	[sflag:s23] =	ssyncadd.s32 @!p0 $0xFFFFF000  }
0x6c: {  	[tilespmem:s1], [sflag:$0x8] =	stream.indirect.gather [hbm4b:s4+s15], $0x20, s9, s15, $0xb8;
	[tilespmem:$0x12000] =	vst v63  }
0x6d: {  	_ =	swait.ge [sflag:s0], $0x1000  }
0x6e: {  	[sflag:s0] =	ssyncset.done $0x0  }
0x6f: {  	s10 =	sadd.s32 $0x2A00, s22;
	[sflag:s0] =	ssyncadd.s32 $0xFFFFF000  }
0x70: {  	[spmem:s2] =	stream.indirect.scatter.add.f32 [tilespmem:s25], [sflag:$0xD], $0x20, s10, s15, $0xb8;
	[tilespmem:$0x12000] =	vst v63  }
0x71: {  	_ =	swait.ge [sflag:s13], $0x1000  }
0x72: {  	p0 =	seq.s32 s14, $0x9000;
	[sflag:s13] =	ssyncset.done $0x0  }
0x73: {  	s23 =	simm.s32 @p0 $0x6;
	[sflag:s13] =	ssyncadd.s32 $0xFFFFF000  }
0x74: {  	_ =	swait.ge @p0 [sflag:s23], $0x1000  }
0x75: {  	[sflag:s23] =	ssyncset.done @p0 $0x0  }
0x76: {  	[sflag:s23] =	ssyncadd.s32 @p0 $0xFFFFF000;
	s23 =	sshra.s32 @p0 s14, $0x2  }
0x77: {  	s8 =	simm.s32 @p0 $0x80;
	s9 =	simm.s32 @p0 $0xA000;
	s23 =	sadd.s32 @p0 $0x2A80, s23  }
0x78: {  	[spmem:s2] =	stream.indirect.scatter.add.f32 @p0 [tilespmem:s9], [sflag:$0xE], $0x20, s23, s8, $0xb8;
	[tilespmem:$0x12000] =	vst v63  }
0x79: {  	s8 =	simm.s32 @p0 $0xA  }
0x7a: {  	_ =	swait.ge @p0 [sflag:s8], $0x1000  }
0x7b: {  	[sflag:s8] =	ssyncset.done @p0 $0x0  }
0x7c: {  	[sflag:s8] =	ssyncadd.s32 @p0 $0xFFFFF000;
	s8 =	sshra.s32 @!p0 s14, $0x2  }
0x7d: {  	s10 =	simm.s32 @!p0 $0x5000;
	s23 =	simm.s32 @!p0 $0x80;
	s9 =	sadd.s32 @!p0 $0x400, s8  }
0x7e: {  	[tilespmem:s10], [sflag:$0x1] =	stream.indirect.gather @!p0 [hbm4b:s4+s23], $0x20, s9, s23, $0xb8;
	[tilespmem:$0x12000] =	vst v63  }
0x7f: {  	s9 =	simm.s32 @!p0 $0x6  }
0x80: {  	_ =	swait.ge @!p0 [sflag:s9], $0x1000  }
0x81: {  	[sflag:s9] =	ssyncset.done @!p0 $0x0  }
0x82: {  	s10 =	simm.s32 @!p0 $0xA000;
	[sflag:s9] =	ssyncadd.s32 @!p0 $0xFFFFF000;
	s9 =	sadd.s32 @!p0 $0x2A80, s8  }
0x83: {  	[spmem:s2] =	stream.indirect.scatter.add.f32 @!p0 [tilespmem:s10], [sflag:$0xE], $0x20, s9, s23, $0xb8;
	[tilespmem:$0x12000] =	vst v63  }
0x84: {  	s9 =	simm.s32 @!p0 $0xA  }
0x85: {  	_ =	swait.ge @!p0 [sflag:s9], $0x1000  }
0x86: {  	[sflag:s9] =	ssyncset.done @!p0 $0x0  }
0x87: {  	s8 =	sadd.s32 @!p0 $0x480, s8;
	[sflag:s9] =	ssyncadd.s32 @!p0 $0xFFFFF000;
	s9 =	simm.s32 @!p0 $0x6000  }
0x88: {  	[tilespmem:s9], [sflag:$0x2] =	stream.indirect.gather @!p0 [hbm4b:s4+s23], $0x20, s8, s23, $0xb8;
	[tilespmem:$0x12000] =	vst v63  }
0x89: {  	_ =	swait.ge [sflag:s18], $0x1000  }
0x8a: {  	[sflag:s18] =	ssyncset.done $0x0  }
.Ltmp2:
0x8b: {  	s23 =	sadd.s32 $0x2B00, s22;
	[sflag:s18] =	ssyncadd.s32 $0xFFFFF000;
	(pc) =	sbr.rel @p0 .LBB2_4-.Ltmp2, $4  }
0x8c: {  	[spmem:s2] =	stream.indirect.scatter.add.f32 [tilespmem:s30], [sflag:$0xF], $0x20, s23, s15, $0xb8;
	[tilespmem:$0x12000] =	vst v63  }
0x8d: {  	_ =	swait.ge [sflag:s20], $0x1000  }
0x8e: {  	[sflag:s20] =	ssyncset.done $0x0  }
0x8f: {  	s23 =	sadd.s32 $0x2B80, s22;
	[sflag:s20] =	ssyncadd.s32 $0xFFFFF000  }
0x90: {  	s8 =	sadd.s32 $0x500, s22  }
0x91: {  	[tilespmem:s19], [sflag:$0x3] =	stream.indirect.gather [hbm4b:s4+s15], $0x20, s8, s15, $0xb8;
	[tilespmem:$0x12000] =	vst v63  }
0x92: {  	_ =	swait.ge [sflag:s6], $0x1000  }
0x93: {  	[sflag:s6] =	ssyncset.done $0x0  }
0x94: {  	[sflag:s6] =	ssyncadd.s32 $0xFFFFF000  }
0x95: {  	[spmem:s2] =	stream.indirect.scatter.add.f32 [tilespmem:s1], [sflag:$0x10], $0x20, s23, s15, $0xb8;
	[tilespmem:$0x12000] =	vst v63  }
.Ltmp3:
0x96: {  	_ = 	snop;
	(pc) =	sbr.rel .LBB2_2-.Ltmp3, $4  }
0x97: {  	_ =	swait.ge [sflag:s7], $0x1000  }
0x98: {  	[sflag:s7] =	ssyncset.done $0x0  }
0x99: {  	s14 =	sadd.s32 $0x1000, s14;
	s23 =	sadd.s32 $0x580, s22;
	[sflag:s7] =	ssyncadd.s32 $0xFFFFF000  }
0x9a: {  	[tilespmem:s21], [sflag:$0x4] =	stream.indirect.gather [hbm4b:s4+s15], $0x20, s23, s15, $0xb8;
	[tilespmem:$0x12000] =	vst v63  }
.LBB2_5:
0x9b: {  	_ =	sfence.sel $0x180000  }
0x9c: {  	[bflag:$0x0] =	sbarrier.arrive $0xFFFF  }
0x9d: {  	_ =	strace $0x9000004D  }
0x9e: {  	s0 =	stileid.u32;
	[bflag:$0x2] =	sbarrier.arrive $0xFFFF  }
0x9f: {  	p0 =	sne.s32 s0, $0x0;
	s0 =	rddreg [dreg:$0x2]  }
0xa0: {  	s0 =	sadd.s32 @!p0 $0x100000, s0  }
0xa1: {  	[sflag:s0] =	ssyncadd.tile.s32 @!p0 $0x1;
	_ =	shalt  }
.Lfunc_end2:
_tile_overlayer_lowered:
.L_overlay_start_2:
0xa2: {  	(tag) =	ssettag $0x2  }
0xa3: {  	s0 =	rddreg [dreg:$0x0];
	s2 =	stileid.u32  }
0xa4: {  	s1 =	rddreg [dreg:$0x1];
	p0 =	sne.s32 s2, $0x0  }
0xa5: {  	s3 =	rddreg [dreg:$0x2];
	[bflag:$0x3] =	sbarrier.arrive $0xFFFF;
	s2 =	simm.s32 @!p0 $0x1C14  }
0xa6: {  	[timem:s3], [sflag:s2] =	dma.local @!p0 [hbm:s0], s1  }
0xa7: {  	s0 =	simm.s32 @!p0 $0x14  }
0xa8: {  	_ =	swait.ge @!p0 [sflag:s0], s1  }
0xa9: {  	s1 =	ssub.s32 @!p0 $0x0, s1;
	[sflag:s0] =	ssyncset.done @!p0 $0x0  }
0xaa: {  	[sflag:s0] =	ssyncadd.s32 @!p0 s1  }
0xab: {  	[bflag:$0x3] =	sbarrier.arrive $0xFFFF  }
0xac: {  	_ =	shalt  }

</sc_bundles>
